<compile_context>
chip_gen: v7x
topology: tpu7x:2x2x1
jax: 0.10.2.dev20260603
libtpu: 0.0.44.dev20260713+nightly
codegen_flags: <defaults>
</compile_context>

<pallas_src>
import functools

import jax
import jax.numpy as jnp
from jax import lax
from jax.experimental import pallas as pl
from jax.experimental.pallas import tpu as pltpu
from jax.experimental.pallas import tpu_sc as plsc

NC = 2
NS = 16
NW = NC * NS
CHUNK = 128
GRP = 8


def _mesh():
    return plsc.VectorSubcoreMesh(
        core_axis_name="c", subcore_axis_name="s", num_cores=NC, num_subcores=NS
    )


def _deg_kernel(n_acc, k_steps):
    rpt = n_acc // NS

    @functools.partial(
        pl.kernel,
        mesh=_mesh(),
        out_type=jax.ShapeDtypeStruct((NC, n_acc, 16), jnp.float32),
        scratch_types=[
            pltpu.VMEM((k_steps, CHUNK), jnp.int32),
            pltpu.VMEM((CHUNK, 16), jnp.float32),
            pltpu.VMEM_SHARED((n_acc, 16), jnp.float32),
            pltpu.SemaphoreType.DMA,
        ],
        compiler_params=pltpu.CompilerParams(use_tc_tiling_on_sc=False),
    )
    def deg_k(dst_hbm, ones_hbm, zeros_hbm, out_hbm, dst_v, ones_v, acc_sh,
              sem):
        cid = lax.axis_index("c")
        sid = lax.axis_index("s")
        wid = cid * NS + sid
        pltpu.sync_copy(dst_hbm.at[wid], dst_v)
        pltpu.sync_copy(ones_hbm, ones_v)
        pltpu.sync_copy(zeros_hbm, acc_sh.at[pl.ds(sid * rpt, rpt)])
        plsc.subcore_barrier()

        @pl.loop(0, k_steps // GRP)
        def _(g):
            base = g * GRP
            for b in range(GRP):
                pltpu.async_copy(ones_v, acc_sh.at[dst_v.at[base + b]], sem,
                                 add=True)
            for b in range(GRP):
                pltpu.make_async_copy(
                    ones_v, acc_sh.at[dst_v.at[base + b]], sem).wait()

        plsc.subcore_barrier()
        pltpu.sync_copy(
            acc_sh.at[pl.ds(sid * rpt, rpt)],
            out_hbm.at[cid, pl.ds(sid * rpt, rpt)],
        )

    return deg_k


def _msg_kernel(n_acc, k_steps, d):
    rpt = n_acc // NS

    @functools.partial(
        pl.kernel,
        mesh=_mesh(),
        out_type=jax.ShapeDtypeStruct((NC, n_acc, d), jnp.float32),
        scratch_types=[
            pltpu.VMEM((k_steps, CHUNK), jnp.int32),
            pltpu.VMEM((k_steps, CHUNK), jnp.int32),
            pltpu.VMEM((2, GRP, CHUNK, d), jnp.float32),
            pltpu.VMEM_SHARED((n_acc, d), jnp.float32),
            pltpu.SemaphoreType.DMA,
            pltpu.SemaphoreType.DMA,
        ],
        compiler_params=pltpu.CompilerParams(use_tc_tiling_on_sc=False),
    )
    def msg_k(xs_hbm, src_hbm, dst_hbm, zeros_hbm, out_hbm,
              src_v, dst_v, rows_v, acc_sh, gsem, ssem):
        cid = lax.axis_index("c")
        sid = lax.axis_index("s")
        wid = cid * NS + sid
        ng = k_steps // GRP
        pltpu.sync_copy(src_hbm.at[wid], src_v)
        pltpu.sync_copy(dst_hbm.at[wid], dst_v)
        pltpu.sync_copy(zeros_hbm, acc_sh.at[pl.ds(sid * rpt, rpt)])
        plsc.subcore_barrier()

        def fire_gathers(g, p):
            base = g * GRP
            for b in range(GRP):
                pltpu.async_copy(
                    xs_hbm.at[src_v.at[base + b]], rows_v.at[p, b], gsem)

        def drain_gathers(g, p):
            base = g * GRP
            for b in range(GRP):
                pltpu.make_async_copy(
                    xs_hbm.at[src_v.at[base + b]], rows_v.at[p, b],
                    gsem).wait()

        def fire_scatters(g, p):
            base = g * GRP
            for b in range(GRP):
                pltpu.async_copy(
                    rows_v.at[p, b], acc_sh.at[dst_v.at[base + b]], ssem,
                    add=True)

        def drain_scatters(g, p):
            base = g * GRP
            for b in range(GRP):
                pltpu.make_async_copy(
                    rows_v.at[p, b], acc_sh.at[dst_v.at[base + b]],
                    ssem).wait()

        fire_gathers(0, 0)

        @pl.loop(0, ng)
        def _(g):
            p = lax.rem(g, 2)

            @pl.when(g >= 1)
            def _():
                drain_scatters(g - 1, 1 - p)

            @pl.when(g + 1 < ng)
            def _():
                fire_gathers(g + 1, 1 - p)

            drain_gathers(g, p)
            fire_scatters(g, p)

        drain_scatters(ng - 1, lax.rem(ng - 1, 2))
        plsc.subcore_barrier()
        pltpu.sync_copy(
            acc_sh.at[pl.ds(sid * rpt, rpt)],
            out_hbm.at[cid, pl.ds(sid * rpt, rpt)],
        )

    return msg_k


def _tc_prescale(n, n_acc, x, w1, degp):
    d1 = w1.shape[1]

    def body(x_ref, w_ref, deg_ref, xs_ref, dinv_ref):
        deg = deg_ref[0, :n, 0:1] + deg_ref[1, :n, 0:1] + 1.0
        dinv = lax.rsqrt(deg)
        xw = jnp.dot(x_ref[...], w_ref[...], preferred_element_type=jnp.float32)
        xs_ref[...] = xw * dinv
        dinv_ref[...] = dinv

    return pl.pallas_call(
        body,
        out_shape=(
            jax.ShapeDtypeStruct((n, d1), jnp.float32),
            jax.ShapeDtypeStruct((n, 1), jnp.float32),
        ),
    )(x, w1, degp)


def _tc_layer2(n, accp, xs, dinv, b1, w2):
    d2 = w2.shape[1]

    def body(acc_ref, xs_ref, dinv_ref, b_ref, w_ref, out_ref):
        acc = acc_ref[0, :n, :] + acc_ref[1, :n, :] + xs_ref[...]
        h1 = jnp.maximum(acc * dinv_ref[...] + b_ref[...], 0.0)
        out_ref[...] = (
            jnp.dot(h1, w_ref[...], preferred_element_type=jnp.float32)
            * dinv_ref[...]
        )

    return pl.pallas_call(
        body,
        out_shape=jax.ShapeDtypeStruct((n, d2), jnp.float32),
    )(accp, xs, dinv, b1.reshape(1, -1), w2)


def _tc_out(n, accp, xs2, dinv, b2, wfc, bfc):
    dout = wfc.shape[1]

    def body(acc_ref, xs_ref, dinv_ref, b_ref, w_ref, bf_ref, out_ref):
        acc = acc_ref[0, :n, :] + acc_ref[1, :n, :] + xs_ref[...]
        h2 = acc * dinv_ref[...] + b_ref[...]
        out_ref[...] = (
            jnp.dot(h2, w_ref[...], preferred_element_type=jnp.float32)
            + bf_ref[...]
        )

    return pl.pallas_call(
        body,
        out_shape=jax.ShapeDtypeStruct((n, dout), jnp.float32),
    )(accp, xs2, dinv, b2.reshape(1, -1), wfc, bfc.reshape(1, -1))


def kernel(x, edge_index, W1, b1, W2, b2, Wfc, bfc):
    n = x.shape[0]
    e = edge_index.shape[1]
    src = edge_index[0]
    dst = edge_index[1]

    k_steps = -(-e // (NW * CHUNK))
    k_steps = -(-k_steps // GRP) * GRP
    e_pad = NW * k_steps * CHUNK
    pad = e_pad - e

    n_acc = -(-(n + 1) // (NS * 8)) * (NS * 8)

    pad_ids = jnp.arange(pad, dtype=jnp.int32)
    srcp = jnp.concatenate(
        [src, pad_ids % n]).reshape(NW, k_steps, CHUNK)
    dstp = jnp.concatenate(
        [dst, n + pad_ids % (n_acc - n)]).reshape(NW, k_steps, CHUNK)
    rpt = n_acc // NS
    ones16 = jnp.ones((CHUNK, 16), jnp.float32)
    z16 = jnp.zeros((rpt, 16), jnp.float32)
    z_d1 = jnp.zeros((rpt, W1.shape[1]), jnp.float32)
    z_d2 = jnp.zeros((rpt, W2.shape[1]), jnp.float32)

    degp = _deg_kernel(n_acc, k_steps)(dstp, ones16, z16)
    xs, dinv = _tc_prescale(n, n_acc, x, W1, degp)
    accp = _msg_kernel(n_acc, k_steps, W1.shape[1])(xs, srcp, dstp, z_d1)
    xs2 = _tc_layer2(n, accp, xs, dinv, b1, W2)
    acc2p = _msg_kernel(n_acc, k_steps, W2.shape[1])(xs2, srcp, dstp, z_d2)
    return _tc_out(n, acc2p, xs2, dinv, b2, Wfc, bfc)

# --- scband reference (transcript-rebuilt; emitter-appended) ---
"""Pipeline reference for scband-simple-gnn-67542655697402 (READ-ONLY COPY).

The authoritative reference and input builder live on the scoring server;
editing this copy changes nothing except your own understanding.
"""

import jax, jax.numpy as jnp
import numpy as np

N = 10000
E = 320000
D_IN = 128
D_H1 = 32
D_H2 = 16
D_OUT = 2


def gcn_conv(x, src, dst, W, b, n):
    # PyG GCNConv semantics: x' = D^{-1/2} (A + I) D^{-1/2} X W + b
    # (src/dst passed in already include self-loops)
    h = x @ W
    deg = jnp.zeros((n,), dtype=x.dtype).at[dst].add(1.0)
    dinv = jnp.where(deg > 0, jax.lax.rsqrt(jnp.maximum(deg, 1e-12)), 0.0)
    norm = dinv[src] * dinv[dst]
    msg = h[src] * norm[:, None]
    out = jax.ops.segment_sum(msg, dst, num_segments=n)
    return out + b


def setup_inputs(seed: int = 0):
    key = jax.random.key(seed)
    ks = jax.random.split(key, 8)
    x = jax.random.normal(ks[0], (N, D_IN), dtype=jnp.float32)
    edge_index = jax.random.randint(ks[1], (2, E), 0, N).astype(jnp.int32)
    W1 = jax.random.normal(ks[2], (D_IN, D_H1), dtype=jnp.float32) * (1.0 / np.sqrt(D_IN))
    b1 = jnp.zeros((D_H1,), dtype=jnp.float32)
    W2 = jax.random.normal(ks[3], (D_H1, D_H2), dtype=jnp.float32) * (1.0 / np.sqrt(D_H1))
    b2 = jnp.zeros((D_H2,), dtype=jnp.float32)
    Wfc = jax.random.normal(ks[4], (D_H2, D_OUT), dtype=jnp.float32) * (1.0 / np.sqrt(D_H2))
    bfc = jnp.zeros((D_OUT,), dtype=jnp.float32)
    return {"x": x, "edge_index": edge_index, "W1": W1, "b1": b1, "W2": W2, "b2": b2, "Wfc": Wfc, "bfc": bfc}


def reference(x, edge_index, W1, b1, W2, b2, Wfc, bfc):
    n = x.shape[0]
    loop = jnp.arange(n, dtype=edge_index.dtype)
    src = jnp.concatenate([edge_index[0], loop])
    dst = jnp.concatenate([edge_index[1], loop])
    h = gcn_conv(x, src, dst, W1, b1, n)
    h = jax.nn.relu(h)
    h = gcn_conv(h, src, dst, W2, b2, n)
    return h @ Wfc + bfc

if __name__ == "__main__":
    import jax
    _d = setup_inputs()
    print(jax.jit(kernel)(*tuple(_d.values())))

</pallas_src>

<mosaic_0001>
#map = affine_map<(d0, d1) -> (0, 0, 0)>
#map1 = affine_map<(d0, d1) -> (0, 0)>
module attributes {stable_mosaic.version = 14 : i64} {
  func.func @deg_k(%arg0: i32, %arg1: i32, %arg2: memref<32x80x128xi32, #tpu.memory_space<hbm>>, %arg3: memref<128x16xf32, #tpu.memory_space<hbm>>, %arg4: memref<632x16xf32, #tpu.memory_space<hbm>>, %arg5: memref<2x10112x16xf32, #tpu.memory_space<hbm>>, %arg6: memref<80x128xi32, #tpu.memory_space<vmem>>, %arg7: memref<128x16xf32, #tpu.memory_space<vmem>>, %arg8: memref<10112x16xf32, #tpu.memory_space<vmem_shared>>, %arg9: memref<!tpu.dma_semaphore, #tpu.memory_space<semaphore_mem>>) attributes {dimension_semantics = [#tpu.dimension_semantics<core_parallel>, #tpu.dimension_semantics<subcore_parallel>], iteration_bounds = array<i64: 2, 16>, scalar_prefetch = 0 : i64, scratch_operands = 4 : i64, tpu.core_type = #tpu.core_type<sc_vector_subcore>, window_params = [{transform_indices = #map}, {transform_indices = #map1}, {transform_indices = #map1}, {transform_indices = #map}]} {
    %mul3A = arith.constant 16 : i32
    %mul3A_0 = arith.muli %arg0, %mul3A : i32
    %add3A = arith.addi %mul3A_0, %arg1 : i32
    "tpu.region"() ({
      %run_scoped3A = tpu.sem_alloc : memref<!tpu.dma_semaphore, #tpu.memory_space<semaphore_mem>>
      %dma_start3A = arith.constant 0 : i32
      %dma_start3A_12 = arith.constant 0 : i32
      %dma_start3A_13 = tpu.memref_slice %arg2[%add3A, %dma_start3A, %dma_start3A_12] : memref<32x80x128xi32, #tpu.memory_space<hbm>> -> memref<1x80x128xi32, #tpu.memory_space<hbm>>
      %dma_start3A_14 = tpu.memref_squeeze %dma_start3A_13 : memref<1x80x128xi32, #tpu.memory_space<hbm>> -> memref<80x128xi32, #tpu.memory_space<hbm>>
      %dma_start3A_15 = arith.constant 0 : i32
      %dma_start3A_16 = arith.constant 0 : i32
      %dma_start3A_17 = tpu.memref_slice %arg2[%add3A, %dma_start3A_15, %dma_start3A_16] : memref<32x80x128xi32, #tpu.memory_space<hbm>> -> memref<1x80x128xi32, #tpu.memory_space<hbm>>
      %dma_start3A_18 = tpu.memref_squeeze %dma_start3A_17 : memref<1x80x128xi32, #tpu.memory_space<hbm>> -> memref<80x128xi32, #tpu.memory_space<hbm>>
      tpu.enqueue_dma source(%dma_start3A_18 : memref<80x128xi32, #tpu.memory_space<hbm>>) target(%arg6 : memref<80x128xi32, #tpu.memory_space<vmem>>) target_semaphore(%run_scoped3A : memref<!tpu.dma_semaphore, #tpu.memory_space<semaphore_mem>>)
      %dma_wait3A = arith.constant 0 : i32
      %dma_wait3A_19 = arith.constant 0 : i32
      %dma_wait3A_20 = tpu.memref_slice %arg2[%add3A, %dma_wait3A, %dma_wait3A_19] : memref<32x80x128xi32, #tpu.memory_space<hbm>> -> memref<1x80x128xi32, #tpu.memory_space<hbm>>
      %dma_wait3A_21 = tpu.memref_squeeze %dma_wait3A_20 : memref<1x80x128xi32, #tpu.memory_space<hbm>> -> memref<80x128xi32, #tpu.memory_space<hbm>>
      %dma_wait3A_22 = arith.constant 0 : i32
      %dma_wait3A_23 = arith.constant 0 : i32
      %dma_wait3A_24 = tpu.memref_slice %arg2[%add3A, %dma_wait3A_22, %dma_wait3A_23] : memref<32x80x128xi32, #tpu.memory_space<hbm>> -> memref<1x80x128xi32, #tpu.memory_space<hbm>>
      %dma_wait3A_25 = tpu.memref_squeeze %dma_wait3A_24 : memref<1x80x128xi32, #tpu.memory_space<hbm>> -> memref<80x128xi32, #tpu.memory_space<hbm>>
      tpu.wait_dma2 semaphore(%run_scoped3A : memref<!tpu.dma_semaphore, #tpu.memory_space<semaphore_mem>>) src(%dma_wait3A_25 : memref<80x128xi32, #tpu.memory_space<hbm>>) dst(%arg6 : memref<80x128xi32, #tpu.memory_space<vmem>>)
      tpu.yield
    }) : () -> ()
    "tpu.region"() ({
      %run_scoped3A = tpu.sem_alloc : memref<!tpu.dma_semaphore, #tpu.memory_space<semaphore_mem>>
      tpu.enqueue_dma source(%arg3 : memref<128x16xf32, #tpu.memory_space<hbm>>) target(%arg7 : memref<128x16xf32, #tpu.memory_space<vmem>>) target_semaphore(%run_scoped3A : memref<!tpu.dma_semaphore, #tpu.memory_space<semaphore_mem>>)
      tpu.wait_dma2 semaphore(%run_scoped3A : memref<!tpu.dma_semaphore, #tpu.memory_space<semaphore_mem>>) src(%arg3 : memref<128x16xf32, #tpu.memory_space<hbm>>) dst(%arg7 : memref<128x16xf32, #tpu.memory_space<vmem>>)
      tpu.yield
    }) : () -> ()
    %mul3A_1 = arith.constant 632 : i32
    %mul3A_2 = arith.muli %arg1, %mul3A_1 : i32
    "tpu.region"() ({
      %run_scoped3A = tpu.sem_alloc : memref<!tpu.dma_semaphore, #tpu.memory_space<semaphore_mem>>
      %dma_start3A = arith.constant 0 : i32
      %dma_start3A_12 = tpu.memref_slice %arg8[%mul3A_2, %dma_start3A] : memref<10112x16xf32, #tpu.memory_space<vmem_shared>> -> memref<632x16xf32, #tpu.memory_space<vmem_shared>>
      tpu.enqueue_dma source(%arg4 : memref<632x16xf32, #tpu.memory_space<hbm>>) target(%dma_start3A_12 : memref<632x16xf32, #tpu.memory_space<vmem_shared>>) target_semaphore(%run_scoped3A : memref<!tpu.dma_semaphore, #tpu.memory_space<semaphore_mem>>)
      %dma_wait3A = arith.constant 0 : i32
      %dma_wait3A_13 = tpu.memref_slice %arg8[%mul3A_2, %dma_wait3A] : memref<10112x16xf32, #tpu.memory_space<vmem_shared>> -> memref<632x16xf32, #tpu.memory_space<vmem_shared>>
      tpu.wait_dma2 semaphore(%run_scoped3A : memref<!tpu.dma_semaphore, #tpu.memory_space<semaphore_mem>>) src(%arg4 : memref<632x16xf32, #tpu.memory_space<hbm>>) dst(%dma_wait3A_13 : memref<632x16xf32, #tpu.memory_space<vmem_shared>>)
      tpu.yield
    }) : () -> ()
    %barrier3A = arith.constant 0 : index
    tpu.barrier barrier_id(%barrier3A)
    %scan3A = arith.constant 0 : i32
    %scan3A_3 = arith.constant 10 : i32
    %scan3A_4 = arith.addi %scan3A, %scan3A_3 : i32
    %scan3A_5 = arith.constant 1 : i32
    scf.for %scan3A_12 = %scan3A to %scan3A_4 step %scan3A_5  : i32 {
      %mul3A_13 = arith.constant 1 : i32
      %mul3A_14 = arith.muli %scan3A_12, %mul3A_13 : i32
      %add3A_15 = arith.constant 0 : i32
      %add3A_16 = arith.addi %add3A_15, %mul3A_14 : i32
      %mul3A_17 = arith.constant 8 : i32
      %mul3A_18 = arith.muli %add3A_16, %mul3A_17 : i32
      %add3A_19 = arith.constant 0 : i32
      %add3A_20 = arith.addi %mul3A_18, %add3A_19 : i32
      %dma_start3A = arith.constant 0 : i32
      %dma_start3A_21 = tpu.memref_slice %arg6[%add3A_20, %dma_start3A] : memref<80x128xi32, #tpu.memory_space<vmem>> -> memref<1x128xi32, #tpu.memory_space<vmem>>
      %dma_start3A_22 = tpu.memref_squeeze %dma_start3A_21 : memref<1x128xi32, #tpu.memory_space<vmem>> -> memref<128xi32, #tpu.memory_space<vmem>>
      %dma_start3A_23 = arith.constant 0 : i32
      %dma_start3A_24 = arith.constant 0 : i32
      %dma_start3A_25 = tpu.memref_slice %arg8[%dma_start3A_23, %dma_start3A_24] : memref<10112x16xf32, #tpu.memory_space<vmem_shared>> -> memref<10112x16xf32, #tpu.memory_space<vmem_shared>>
      tpu.enqueue_indirect_dma source(%arg7 : memref<128x16xf32, #tpu.memory_space<vmem>>) target(%dma_start3A_25 : memref<10112x16xf32, #tpu.memory_space<vmem_shared>>) offsets(%dma_start3A_22 : memref<128xi32, #tpu.memory_space<vmem>>) semaphore(%arg9 : memref<!tpu.dma_semaphore, #tpu.memory_space<semaphore_mem>>) {add = true}
      %add3A_26 = arith.constant 1 : i32
      %add3A_27 = arith.addi %mul3A_18, %add3A_26 : i32
      %dma_start3A_28 = arith.constant 0 : i32
      %dma_start3A_29 = tpu.memref_slice %arg6[%add3A_27, %dma_start3A_28] : memref<80x128xi32, #tpu.memory_space<vmem>> -> memref<1x128xi32, #tpu.memory_space<vmem>>
      %dma_start3A_30 = tpu.memref_squeeze %dma_start3A_29 : memref<1x128xi32, #tpu.memory_space<vmem>> -> memref<128xi32, #tpu.memory_space<vmem>>
      %dma_start3A_31 = arith.constant 0 : i32
      %dma_start3A_32 = arith.constant 0 : i32
      %dma_start3A_33 = tpu.memref_slice %arg8[%dma_start3A_31, %dma_start3A_32] : memref<10112x16xf32, #tpu.memory_space<vmem_shared>> -> memref<10112x16xf32, #tpu.memory_space<vmem_shared>>
      tpu.enqueue_indirect_dma source(%arg7 : memref<128x16xf32, #tpu.memory_space<vmem>>) target(%dma_start3A_33 : memref<10112x16xf32, #tpu.memory_space<vmem_shared>>) offsets(%dma_start3A_30 : memref<128xi32, #tpu.memory_space<vmem>>) semaphore(%arg9 : memref<!tpu.dma_semaphore, #tpu.memory_space<semaphore_mem>>) {add = true}
      %add3A_34 = arith.constant 2 : i32
      %add3A_35 = arith.addi %mul3A_18, %add3A_34 : i32
      %dma_start3A_36 = arith.constant 0 : i32
      %dma_start3A_37 = tpu.memref_slice %arg6[%add3A_35, %dma_start3A_36] : memref<80x128xi32, #tpu.memory_space<vmem>> -> memref<1x128xi32, #tpu.memory_space<vmem>>
      %dma_start3A_38 = tpu.memref_squeeze %dma_start3A_37 : memref<1x128xi32, #tpu.memory_space<vmem>> -> memref<128xi32, #tpu.memory_space<vmem>>
      %dma_start3A_39 = arith.constant 0 : i32
      %dma_start3A_40 = arith.constant 0 : i32
      %dma_start3A_41 = tpu.memref_slice %arg8[%dma_start3A_39, %dma_start3A_40] : memref<10112x16xf32, #tpu.memory_space<vmem_shared>> -> memref<10112x16xf32, #tpu.memory_space<vmem_shared>>
      tpu.enqueue_indirect_dma source(%arg7 : memref<128x16xf32, #tpu.memory_space<vmem>>) target(%dma_start3A_41 : memref<10112x16xf32, #tpu.memory_space<vmem_shared>>) offsets(%dma_start3A_38 : memref<128xi32, #tpu.memory_space<vmem>>) semaphore(%arg9 : memref<!tpu.dma_semaphore, #tpu.memory_space<semaphore_mem>>) {add = true}
      %add3A_42 = arith.constant 3 : i32
      %add3A_43 = arith.addi %mul3A_18, %add3A_42 : i32
      %dma_start3A_44 = arith.constant 0 : i32
      %dma_start3A_45 = tpu.memref_slice %arg6[%add3A_43, %dma_start3A_44] : memref<80x128xi32, #tpu.memory_space<vmem>> -> memref<1x128xi32, #tpu.memory_space<vmem>>
      %dma_start3A_46 = tpu.memref_squeeze %dma_start3A_45 : memref<1x128xi32, #tpu.memory_space<vmem>> -> memref<128xi32, #tpu.memory_space<vmem>>
      %dma_start3A_47 = arith.constant 0 : i32
      %dma_start3A_48 = arith.constant 0 : i32
      %dma_start3A_49 = tpu.memref_slice %arg8[%dma_start3A_47, %dma_start3A_48] : memref<10112x16xf32, #tpu.memory_space<vmem_shared>> -> memref<10112x16xf32, #tpu.memory_space<vmem_shared>>
      tpu.enqueue_indirect_dma source(%arg7 : memref<128x16xf32, #tpu.memory_space<vmem>>) target(%dma_start3A_49 : memref<10112x16xf32, #tpu.memory_space<vmem_shared>>) offsets(%dma_start3A_46 : memref<128xi32, #tpu.memory_space<vmem>>) semaphore(%arg9 : memref<!tpu.dma_semaphore, #tpu.memory_space<semaphore_mem>>) {add = true}
      %add3A_50 = arith.constant 4 : i32
      %add3A_51 = arith.addi %mul3A_18, %add3A_50 : i32
      %dma_start3A_52 = arith.constant 0 : i32
      %dma_start3A_53 = tpu.memref_slice %arg6[%add3A_51, %dma_start3A_52] : memref<80x128xi32, #tpu.memory_space<vmem>> -> memref<1x128xi32, #tpu.memory_space<vmem>>
      %dma_start3A_54 = tpu.memref_squeeze %dma_start3A_53 : memref<1x128xi32, #tpu.memory_space<vmem>> -> memref<128xi32, #tpu.memory_space<vmem>>
      %dma_start3A_55 = arith.constant 0 : i32
      %dma_start3A_56 = arith.constant 0 : i32
      %dma_start3A_57 = tpu.memref_slice %arg8[%dma_start3A_55, %dma_start3A_56] : memref<10112x16xf32, #tpu.memory_space<vmem_shared>> -> memref<10112x16xf32, #tpu.memory_space<vmem_shared>>
      tpu.enqueue_indirect_dma source(%arg7 : memref<128x16xf32, #tpu.memory_space<vmem>>) target(%dma_start3A_57 : memref<10112x16xf32, #tpu.memory_space<vmem_shared>>) offsets(%dma_start3A_54 : memref<128xi32, #tpu.memory_space<vmem>>) semaphore(%arg9 : memref<!tpu.dma_semaphore, #tpu.memory_space<semaphore_mem>>) {add = true}
      %add3A_58 = arith.constant 5 : i32
      %add3A_59 = arith.addi %mul3A_18, %add3A_58 : i32
      %dma_start3A_60 = arith.constant 0 : i32
      %dma_start3A_61 = tpu.memref_slice %arg6[%add3A_59, %dma_start3A_60] : memref<80x128xi32, #tpu.memory_space<vmem>> -> memref<1x128xi32, #tpu.memory_space<vmem>>
      %dma_start3A_62 = tpu.memref_squeeze %dma_start3A_61 : memref<1x128xi32, #tpu.memory_space<vmem>> -> memref<128xi32, #tpu.memory_space<vmem>>
      %dma_start3A_63 = arith.constant 0 : i32
      %dma_start3A_64 = arith.constant 0 : i32
      %dma_start3A_65 = tpu.memref_slice %arg8[%dma_start3A_63, %dma_start3A_64] : memref<10112x16xf32, #tpu.memory_space<vmem_shared>> -> memref<10112x16xf32, #tpu.memory_space<vmem_shared>>
      tpu.enqueue_indirect_dma source(%arg7 : memref<128x16xf32, #tpu.memory_space<vmem>>) target(%dma_start3A_65 : memref<10112x16xf32, #tpu.memory_space<vmem_shared>>) offsets(%dma_start3A_62 : memref<128xi32, #tpu.memory_space<vmem>>) semaphore(%arg9 : memref<!tpu.dma_semaphore, #tpu.memory_space<semaphore_mem>>) {add = true}
      %add3A_66 = arith.constant 6 : i32
      %add3A_67 = arith.addi %mul3A_18, %add3A_66 : i32
      %dma_start3A_68 = arith.constant 0 : i32
      %dma_start3A_69 = tpu.memref_slice %arg6[%add3A_67, %dma_start3A_68] : memref<80x128xi32, #tpu.memory_space<vmem>> -> memref<1x128xi32, #tpu.memory_space<vmem>>
      %dma_start3A_70 = tpu.memref_squeeze %dma_start3A_69 : memref<1x128xi32, #tpu.memory_space<vmem>> -> memref<128xi32, #tpu.memory_space<vmem>>
      %dma_start3A_71 = arith.constant 0 : i32
      %dma_start3A_72 = arith.constant 0 : i32
      %dma_start3A_73 = tpu.memref_slice %arg8[%dma_start3A_71, %dma_start3A_72] : memref<10112x16xf32, #tpu.memory_space<vmem_shared>> -> memref<10112x16xf32, #tpu.memory_space<vmem_shared>>
      tpu.enqueue_indirect_dma source(%arg7 : memref<128x16xf32, #tpu.memory_space<vmem>>) target(%dma_start3A_73 : memref<10112x16xf32, #tpu.memory_space<vmem_shared>>) offsets(%dma_start3A_70 : memref<128xi32, #tpu.memory_space<vmem>>) semaphore(%arg9 : memref<!tpu.dma_semaphore, #tpu.memory_space<semaphore_mem>>) {add = true}
      %add3A_74 = arith.constant 7 : i32
      %add3A_75 = arith.addi %mul3A_18, %add3A_74 : i32
      %dma_start3A_76 = arith.constant 0 : i32
      %dma_start3A_77 = tpu.memref_slice %arg6[%add3A_75, %dma_start3A_76] : memref<80x128xi32, #tpu.memory_space<vmem>> -> memref<1x128xi32, #tpu.memory_space<vmem>>
      %dma_start3A_78 = tpu.memref_squeeze %dma_start3A_77 : memref<1x128xi32, #tpu.memory_space<vmem>> -> memref<128xi32, #tpu.memory_space<vmem>>
      %dma_start3A_79 = arith.constant 0 : i32
      %dma_start3A_80 = arith.constant 0 : i32
      %dma_start3A_81 = tpu.memref_slice %arg8[%dma_start3A_79, %dma_start3A_80] : memref<10112x16xf32, #tpu.memory_space<vmem_shared>> -> memref<10112x16xf32, #tpu.memory_space<vmem_shared>>
      tpu.enqueue_indirect_dma source(%arg7 : memref<128x16xf32, #tpu.memory_space<vmem>>) target(%dma_start3A_81 : memref<10112x16xf32, #tpu.memory_space<vmem_shared>>) offsets(%dma_start3A_78 : memref<128xi32, #tpu.memory_space<vmem>>) semaphore(%arg9 : memref<!tpu.dma_semaphore, #tpu.memory_space<semaphore_mem>>) {add = true}
      %add3A_82 = arith.constant 0 : i32
      %add3A_83 = arith.addi %mul3A_18, %add3A_82 : i32
      %dma_wait3A = arith.constant 0 : i32
      %dma_wait3A_84 = tpu.memref_slice %arg6[%add3A_83, %dma_wait3A] : memref<80x128xi32, #tpu.memory_space<vmem>> -> memref<1x128xi32, #tpu.memory_space<vmem>>
      %dma_wait3A_85 = tpu.memref_squeeze %dma_wait3A_84 : memref<1x128xi32, #tpu.memory_space<vmem>> -> memref<128xi32, #tpu.memory_space<vmem>>
      %dma_wait3A_86 = arith.constant 0 : i32
      %dma_wait3A_87 = arith.constant 0 : i32
      %dma_wait3A_88 = tpu.memref_slice %arg8[%dma_wait3A_86, %dma_wait3A_87] : memref<10112x16xf32, #tpu.memory_space<vmem_shared>> -> memref<10112x16xf32, #tpu.memory_space<vmem_shared>>
      tpu.wait_indirect_dma semaphore(%arg9 : memref<!tpu.dma_semaphore, #tpu.memory_space<semaphore_mem>>) src(%arg7 : memref<128x16xf32, #tpu.memory_space<vmem>>) dst(%dma_wait3A_88 : memref<10112x16xf32, #tpu.memory_space<vmem_shared>>)
      %add3A_89 = arith.constant 1 : i32
      %add3A_90 = arith.addi %mul3A_18, %add3A_89 : i32
      %dma_wait3A_91 = arith.constant 0 : i32
      %dma_wait3A_92 = tpu.memref_slice %arg6[%add3A_90, %dma_wait3A_91] : memref<80x128xi32, #tpu.memory_space<vmem>> -> memref<1x128xi32, #tpu.memory_space<vmem>>
      %dma_wait3A_93 = tpu.memref_squeeze %dma_wait3A_92 : memref<1x128xi32, #tpu.memory_space<vmem>> -> memref<128xi32, #tpu.memory_space<vmem>>
      %dma_wait3A_94 = arith.constant 0 : i32
      %dma_wait3A_95 = arith.constant 0 : i32
      %dma_wait3A_96 = tpu.memref_slice %arg8[%dma_wait3A_94, %dma_wait3A_95] : memref<10112x16xf32, #tpu.memory_space<vmem_shared>> -> memref<10112x16xf32, #tpu.memory_space<vmem_shared>>
      tpu.wait_indirect_dma semaphore(%arg9 : memref<!tpu.dma_semaphore, #tpu.memory_space<semaphore_mem>>) src(%arg7 : memref<128x16xf32, #tpu.memory_space<vmem>>) dst(%dma_wait3A_96 : memref<10112x16xf32, #tpu.memory_space<vmem_shared>>)
      %add3A_97 = arith.constant 2 : i32
      %add3A_98 = arith.addi %mul3A_18, %add3A_97 : i32
      %dma_wait3A_99 = arith.constant 0 : i32
      %dma_wait3A_100 = tpu.memref_slice %arg6[%add3A_98, %dma_wait3A_99] : memref<80x128xi32, #tpu.memory_space<vmem>> -> memref<1x128xi32, #tpu.memory_space<vmem>>
      %dma_wait3A_101 = tpu.memref_squeeze %dma_wait3A_100 : memref<1x128xi32, #tpu.memory_space<vmem>> -> memref<128xi32, #tpu.memory_space<vmem>>
      %dma_wait3A_102 = arith.constant 0 : i32
      %dma_wait3A_103 = arith.constant 0 : i32
      %dma_wait3A_104 = tpu.memref_slice %arg8[%dma_wait3A_102, %dma_wait3A_103] : memref<10112x16xf32, #tpu.memory_space<vmem_shared>> -> memref<10112x16xf32, #tpu.memory_space<vmem_shared>>
      tpu.wait_indirect_dma semaphore(%arg9 : memref<!tpu.dma_semaphore, #tpu.memory_space<semaphore_mem>>) src(%arg7 : memref<128x16xf32, #tpu.memory_space<vmem>>) dst(%dma_wait3A_104 : memref<10112x16xf32, #tpu.memory_space<vmem_shared>>)
      %add3A_105 = arith.constant 3 : i32
      %add3A_106 = arith.addi %mul3A_18, %add3A_105 : i32
      %dma_wait3A_107 = arith.constant 0 : i32
      %dma_wait3A_108 = tpu.memref_slice %arg6[%add3A_106, %dma_wait3A_107] : memref<80x128xi32, #tpu.memory_space<vmem>> -> memref<1x128xi32, #tpu.memory_space<vmem>>
      %dma_wait3A_109 = tpu.memref_squeeze %dma_wait3A_108 : memref<1x128xi32, #tpu.memory_space<vmem>> -> memref<128xi32, #tpu.memory_space<vmem>>
      %dma_wait3A_110 = arith.constant 0 : i32
      %dma_wait3A_111 = arith.constant 0 : i32
      %dma_wait3A_112 = tpu.memref_slice %arg8[%dma_wait3A_110, %dma_wait3A_111] : memref<10112x16xf32, #tpu.memory_space<vmem_shared>> -> memref<10112x16xf32, #tpu.memory_space<vmem_shared>>
      tpu.wait_indirect_dma semaphore(%arg9 : memref<!tpu.dma_semaphore, #tpu.memory_space<semaphore_mem>>) src(%arg7 : memref<128x16xf32, #tpu.memory_space<vmem>>) dst(%dma_wait3A_112 : memref<10112x16xf32, #tpu.memory_space<vmem_shared>>)
      %add3A_113 = arith.constant 4 : i32
      %add3A_114 = arith.addi %mul3A_18, %add3A_113 : i32
      %dma_wait3A_115 = arith.constant 0 : i32
      %dma_wait3A_116 = tpu.memref_slice %arg6[%add3A_114, %dma_wait3A_115] : memref<80x128xi32, #tpu.memory_space<vmem>> -> memref<1x128xi32, #tpu.memory_space<vmem>>
      %dma_wait3A_117 = tpu.memref_squeeze %dma_wait3A_116 : memref<1x128xi32, #tpu.memory_space<vmem>> -> memref<128xi32, #tpu.memory_space<vmem>>
      %dma_wait3A_118 = arith.constant 0 : i32
      %dma_wait3A_119 = arith.constant 0 : i32
      %dma_wait3A_120 = tpu.memref_slice %arg8[%dma_wait3A_118, %dma_wait3A_119] : memref<10112x16xf32, #tpu.memory_space<vmem_shared>> -> memref<10112x16xf32, #tpu.memory_space<vmem_shared>>
      tpu.wait_indirect_dma semaphore(%arg9 : memref<!tpu.dma_semaphore, #tpu.memory_space<semaphore_mem>>) src(%arg7 : memref<128x16xf32, #tpu.memory_space<vmem>>) dst(%dma_wait3A_120 : memref<10112x16xf32, #tpu.memory_space<vmem_shared>>)
      %add3A_121 = arith.constant 5 : i32
      %add3A_122 = arith.addi %mul3A_18, %add3A_121 : i32
      %dma_wait3A_123 = arith.constant 0 : i32
      %dma_wait3A_124 = tpu.memref_slice %arg6[%add3A_122, %dma_wait3A_123] : memref<80x128xi32, #tpu.memory_space<vmem>> -> memref<1x128xi32, #tpu.memory_space<vmem>>
      %dma_wait3A_125 = tpu.memref_squeeze %dma_wait3A_124 : memref<1x128xi32, #tpu.memory_space<vmem>> -> memref<128xi32, #tpu.memory_space<vmem>>
      %dma_wait3A_126 = arith.constant 0 : i32
      %dma_wait3A_127 = arith.constant 0 : i32
      %dma_wait3A_128 = tpu.memref_slice %arg8[%dma_wait3A_126, %dma_wait3A_127] : memref<10112x16xf32, #tpu.memory_space<vmem_shared>> -> memref<10112x16xf32, #tpu.memory_space<vmem_shared>>
      tpu.wait_indirect_dma semaphore(%arg9 : memref<!tpu.dma_semaphore, #tpu.memory_space<semaphore_mem>>) src(%arg7 : memref<128x16xf32, #tpu.memory_space<vmem>>) dst(%dma_wait3A_128 : memref<10112x16xf32, #tpu.memory_space<vmem_shared>>)
      %add3A_129 = arith.constant 6 : i32
      %add3A_130 = arith.addi %mul3A_18, %add3A_129 : i32
      %dma_wait3A_131 = arith.constant 0 : i32
      %dma_wait3A_132 = tpu.memref_slice %arg6[%add3A_130, %dma_wait3A_131] : memref<80x128xi32, #tpu.memory_space<vmem>> -> memref<1x128xi32, #tpu.memory_space<vmem>>
      %dma_wait3A_133 = tpu.memref_squeeze %dma_wait3A_132 : memref<1x128xi32, #tpu.memory_space<vmem>> -> memref<128xi32, #tpu.memory_space<vmem>>
      %dma_wait3A_134 = arith.constant 0 : i32
      %dma_wait3A_135 = arith.constant 0 : i32
      %dma_wait3A_136 = tpu.memref_slice %arg8[%dma_wait3A_134, %dma_wait3A_135] : memref<10112x16xf32, #tpu.memory_space<vmem_shared>> -> memref<10112x16xf32, #tpu.memory_space<vmem_shared>>
      tpu.wait_indirect_dma semaphore(%arg9 : memref<!tpu.dma_semaphore, #tpu.memory_space<semaphore_mem>>) src(%arg7 : memref<128x16xf32, #tpu.memory_space<vmem>>) dst(%dma_wait3A_136 : memref<10112x16xf32, #tpu.memory_space<vmem_shared>>)
      %add3A_137 = arith.constant 7 : i32
      %add3A_138 = arith.addi %mul3A_18, %add3A_137 : i32
      %dma_wait3A_139 = arith.constant 0 : i32
      %dma_wait3A_140 = tpu.memref_slice %arg6[%add3A_138, %dma_wait3A_139] : memref<80x128xi32, #tpu.memory_space<vmem>> -> memref<1x128xi32, #tpu.memory_space<vmem>>
      %dma_wait3A_141 = tpu.memref_squeeze %dma_wait3A_140 : memref<1x128xi32, #tpu.memory_space<vmem>> -> memref<128xi32, #tpu.memory_space<vmem>>
      %dma_wait3A_142 = arith.constant 0 : i32
      %dma_wait3A_143 = arith.constant 0 : i32
      %dma_wait3A_144 = tpu.memref_slice %arg8[%dma_wait3A_142, %dma_wait3A_143] : memref<10112x16xf32, #tpu.memory_space<vmem_shared>> -> memref<10112x16xf32, #tpu.memory_space<vmem_shared>>
      tpu.wait_indirect_dma semaphore(%arg9 : memref<!tpu.dma_semaphore, #tpu.memory_space<semaphore_mem>>) src(%arg7 : memref<128x16xf32, #tpu.memory_space<vmem>>) dst(%dma_wait3A_144 : memref<10112x16xf32, #tpu.memory_space<vmem_shared>>)
    }
    %scan3A_6 = arith.constant 10 : i32
    %barrier3A_7 = arith.constant 0 : index
    tpu.barrier barrier_id(%barrier3A_7)
    %mul3A_8 = arith.constant 632 : i32
    %mul3A_9 = arith.muli %arg1, %mul3A_8 : i32
    %mul3A_10 = arith.constant 632 : i32
    %mul3A_11 = arith.muli %arg1, %mul3A_10 : i32
    "tpu.region"() ({
      %run_scoped3A = tpu.sem_alloc : memref<!tpu.dma_semaphore, #tpu.memory_space<semaphore_mem>>
      %dma_start3A = arith.constant 0 : i32
      %dma_start3A_12 = tpu.memref_slice %arg5[%arg0, %mul3A_11, %dma_start3A] : memref<2x10112x16xf32, #tpu.memory_space<hbm>> -> memref<1x632x16xf32, #tpu.memory_space<hbm>>
      %dma_start3A_13 = tpu.memref_squeeze %dma_start3A_12 : memref<1x632x16xf32, #tpu.memory_space<hbm>> -> memref<632x16xf32, #tpu.memory_space<hbm>>
      %dma_start3A_14 = arith.constant 0 : i32
      %dma_start3A_15 = tpu.memref_slice %arg8[%mul3A_9, %dma_start3A_14] : memref<10112x16xf32, #tpu.memory_space<vmem_shared>> -> memref<632x16xf32, #tpu.memory_space<vmem_shared>>
      tpu.enqueue_dma source(%dma_start3A_15 : memref<632x16xf32, #tpu.memory_space<vmem_shared>>) target(%dma_start3A_13 : memref<632x16xf32, #tpu.memory_space<hbm>>) target_semaphore(%run_scoped3A : memref<!tpu.dma_semaphore, #tpu.memory_space<semaphore_mem>>)
      %dma_wait3A = arith.constant 0 : i32
      %dma_wait3A_16 = tpu.memref_slice %arg5[%arg0, %mul3A_11, %dma_wait3A] : memref<2x10112x16xf32, #tpu.memory_space<hbm>> -> memref<1x632x16xf32, #tpu.memory_space<hbm>>
      %dma_wait3A_17 = tpu.memref_squeeze %dma_wait3A_16 : memref<1x632x16xf32, #tpu.memory_space<hbm>> -> memref<632x16xf32, #tpu.memory_space<hbm>>
      %dma_wait3A_18 = arith.constant 0 : i32
      %dma_wait3A_19 = tpu.memref_slice %arg8[%mul3A_9, %dma_wait3A_18] : memref<10112x16xf32, #tpu.memory_space<vmem_shared>> -> memref<632x16xf32, #tpu.memory_space<vmem_shared>>
      tpu.wait_dma2 semaphore(%run_scoped3A : memref<!tpu.dma_semaphore, #tpu.memory_space<semaphore_mem>>) src(%dma_wait3A_19 : memref<632x16xf32, #tpu.memory_space<vmem_shared>>) dst(%dma_wait3A_17 : memref<632x16xf32, #tpu.memory_space<hbm>>)
      tpu.yield
    }) : () -> ()
    return
  }
}

#map = affine_map<(d0, d1) -> (0, 0)>
#map1 = affine_map<(d0, d1) -> (0, 0, 0)>
module attributes {stable_mosaic.version = 14 : i64} {
  func.func @msg_k(%arg0: i32, %arg1: i32, %arg2: memref<10000x32xf32, #tpu.memory_space<hbm>>, %arg3: memref<32x80x128xi32, #tpu.memory_space<hbm>>, %arg4: memref<32x80x128xi32, #tpu.memory_space<hbm>>, %arg5: memref<632x32xf32, #tpu.memory_space<hbm>>, %arg6: memref<2x10112x32xf32, #tpu.memory_space<hbm>>, %arg7: memref<80x128xi32, #tpu.memory_space<vmem>>, %arg8: memref<80x128xi32, #tpu.memory_space<vmem>>, %arg9: memref<2x8x128x32xf32, #tpu.memory_space<vmem>>, %arg10: memref<10112x32xf32, #tpu.memory_space<vmem_shared>>, %arg11: memref<!tpu.dma_semaphore, #tpu.memory_space<semaphore_mem>>, %arg12: memref<!tpu.dma_semaphore, #tpu.memory_space<semaphore_mem>>) attributes {dimension_semantics = [#tpu.dimension_semantics<core_parallel>, #tpu.dimension_semantics<subcore_parallel>], iteration_bounds = array<i64: 2, 16>, scalar_prefetch = 0 : i64, scratch_operands = 6 : i64, tpu.core_type = #tpu.core_type<sc_vector_subcore>, window_params = [{transform_indices = #map}, {transform_indices = #map1}, {transform_indices = #map1}, {transform_indices = #map}, {transform_indices = #map1}]} {
    %mul3A = arith.constant 16 : i32
    %mul3A_0 = arith.muli %arg0, %mul3A : i32
    %add3A = arith.addi %mul3A_0, %arg1 : i32
    "tpu.region"() ({
      %run_scoped3A = tpu.sem_alloc : memref<!tpu.dma_semaphore, #tpu.memory_space<semaphore_mem>>
      %dma_start3A_212 = arith.constant 0 : i32
      %dma_start3A_213 = arith.constant 0 : i32
      %dma_start3A_214 = tpu.memref_slice %arg3[%add3A, %dma_start3A_212, %dma_start3A_213] : memref<32x80x128xi32, #tpu.memory_space<hbm>> -> memref<1x80x128xi32, #tpu.memory_space<hbm>>
      %dma_start3A_215 = tpu.memref_squeeze %dma_start3A_214 : memref<1x80x128xi32, #tpu.memory_space<hbm>> -> memref<80x128xi32, #tpu.memory_space<hbm>>
      %dma_start3A_216 = arith.constant 0 : i32
      %dma_start3A_217 = arith.constant 0 : i32
      %dma_start3A_218 = tpu.memref_slice %arg3[%add3A, %dma_start3A_216, %dma_start3A_217] : memref<32x80x128xi32, #tpu.memory_space<hbm>> -> memref<1x80x128xi32, #tpu.memory_space<hbm>>
      %dma_start3A_219 = tpu.memref_squeeze %dma_start3A_218 : memref<1x80x128xi32, #tpu.memory_space<hbm>> -> memref<80x128xi32, #tpu.memory_space<hbm>>
      tpu.enqueue_dma source(%dma_start3A_219 : memref<80x128xi32, #tpu.memory_space<hbm>>) target(%arg7 : memref<80x128xi32, #tpu.memory_space<vmem>>) target_semaphore(%run_scoped3A : memref<!tpu.dma_semaphore, #tpu.memory_space<semaphore_mem>>)
      %dma_wait3A_220 = arith.constant 0 : i32
      %dma_wait3A_221 = arith.constant 0 : i32
      %dma_wait3A_222 = tpu.memref_slice %arg3[%add3A, %dma_wait3A_220, %dma_wait3A_221] : memref<32x80x128xi32, #tpu.memory_space<hbm>> -> memref<1x80x128xi32, #tpu.memory_space<hbm>>
      %dma_wait3A_223 = tpu.memref_squeeze %dma_wait3A_222 : memref<1x80x128xi32, #tpu.memory_space<hbm>> -> memref<80x128xi32, #tpu.memory_space<hbm>>
      %dma_wait3A_224 = arith.constant 0 : i32
      %dma_wait3A_225 = arith.constant 0 : i32
      %dma_wait3A_226 = tpu.memref_slice %arg3[%add3A, %dma_wait3A_224, %dma_wait3A_225] : memref<32x80x128xi32, #tpu.memory_space<hbm>> -> memref<1x80x128xi32, #tpu.memory_space<hbm>>
      %dma_wait3A_227 = tpu.memref_squeeze %dma_wait3A_226 : memref<1x80x128xi32, #tpu.memory_space<hbm>> -> memref<80x128xi32, #tpu.memory_space<hbm>>
      tpu.wait_dma2 semaphore(%run_scoped3A : memref<!tpu.dma_semaphore, #tpu.memory_space<semaphore_mem>>) src(%dma_wait3A_227 : memref<80x128xi32, #tpu.memory_space<hbm>>) dst(%arg7 : memref<80x128xi32, #tpu.memory_space<vmem>>)
      tpu.yield
    }) : () -> ()
    "tpu.region"() ({
      %run_scoped3A = tpu.sem_alloc : memref<!tpu.dma_semaphore, #tpu.memory_space<semaphore_mem>>
      %dma_start3A_212 = arith.constant 0 : i32
      %dma_start3A_213 = arith.constant 0 : i32
      %dma_start3A_214 = tpu.memref_slice %arg4[%add3A, %dma_start3A_212, %dma_start3A_213] : memref<32x80x128xi32, #tpu.memory_space<hbm>> -> memref<1x80x128xi32, #tpu.memory_space<hbm>>
      %dma_start3A_215 = tpu.memref_squeeze %dma_start3A_214 : memref<1x80x128xi32, #tpu.memory_space<hbm>> -> memref<80x128xi32, #tpu.memory_space<hbm>>
      %dma_start3A_216 = arith.constant 0 : i32
      %dma_start3A_217 = arith.constant 0 : i32
      %dma_start3A_218 = tpu.memref_slice %arg4[%add3A, %dma_start3A_216, %dma_start3A_217] : memref<32x80x128xi32, #tpu.memory_space<hbm>> -> memref<1x80x128xi32, #tpu.memory_space<hbm>>
      %dma_start3A_219 = tpu.memref_squeeze %dma_start3A_218 : memref<1x80x128xi32, #tpu.memory_space<hbm>> -> memref<80x128xi32, #tpu.memory_space<hbm>>
      tpu.enqueue_dma source(%dma_start3A_219 : memref<80x128xi32, #tpu.memory_space<hbm>>) target(%arg8 : memref<80x128xi32, #tpu.memory_space<vmem>>) target_semaphore(%run_scoped3A : memref<!tpu.dma_semaphore, #tpu.memory_space<semaphore_mem>>)
      %dma_wait3A_220 = arith.constant 0 : i32
      %dma_wait3A_221 = arith.constant 0 : i32
      %dma_wait3A_222 = tpu.memref_slice %arg4[%add3A, %dma_wait3A_220, %dma_wait3A_221] : memref<32x80x128xi32, #tpu.memory_space<hbm>> -> memref<1x80x128xi32, #tpu.memory_space<hbm>>
      %dma_wait3A_223 = tpu.memref_squeeze %dma_wait3A_222 : memref<1x80x128xi32, #tpu.memory_space<hbm>> -> memref<80x128xi32, #tpu.memory_space<hbm>>
      %dma_wait3A_224 = arith.constant 0 : i32
      %dma_wait3A_225 = arith.constant 0 : i32
      %dma_wait3A_226 = tpu.memref_slice %arg4[%add3A, %dma_wait3A_224, %dma_wait3A_225] : memref<32x80x128xi32, #tpu.memory_space<hbm>> -> memref<1x80x128xi32, #tpu.memory_space<hbm>>
      %dma_wait3A_227 = tpu.memref_squeeze %dma_wait3A_226 : memref<1x80x128xi32, #tpu.memory_space<hbm>> -> memref<80x128xi32, #tpu.memory_space<hbm>>
      tpu.wait_dma2 semaphore(%run_scoped3A : memref<!tpu.dma_semaphore, #tpu.memory_space<semaphore_mem>>) src(%dma_wait3A_227 : memref<80x128xi32, #tpu.memory_space<hbm>>) dst(%arg8 : memref<80x128xi32, #tpu.memory_space<vmem>>)
      tpu.yield
    }) : () -> ()
    %mul3A_1 = arith.constant 632 : i32
    %mul3A_2 = arith.muli %arg1, %mul3A_1 : i32
    "tpu.region"() ({
      %run_scoped3A = tpu.sem_alloc : memref<!tpu.dma_semaphore, #tpu.memory_space<semaphore_mem>>
      %dma_start3A_212 = arith.constant 0 : i32
      %dma_start3A_213 = tpu.memref_slice %arg10[%mul3A_2, %dma_start3A_212] : memref<10112x32xf32, #tpu.memory_space<vmem_shared>> -> memref<632x32xf32, #tpu.memory_space<vmem_shared>>
      tpu.enqueue_dma source(%arg5 : memref<632x32xf32, #tpu.memory_space<hbm>>) target(%dma_start3A_213 : memref<632x32xf32, #tpu.memory_space<vmem_shared>>) target_semaphore(%run_scoped3A : memref<!tpu.dma_semaphore, #tpu.memory_space<semaphore_mem>>)
      %dma_wait3A_214 = arith.constant 0 : i32
      %dma_wait3A_215 = tpu.memref_slice %arg10[%mul3A_2, %dma_wait3A_214] : memref<10112x32xf32, #tpu.memory_space<vmem_shared>> -> memref<632x32xf32, #tpu.memory_space<vmem_shared>>
      tpu.wait_dma2 semaphore(%run_scoped3A : memref<!tpu.dma_semaphore, #tpu.memory_space<semaphore_mem>>) src(%arg5 : memref<632x32xf32, #tpu.memory_space<hbm>>) dst(%dma_wait3A_215 : memref<632x32xf32, #tpu.memory_space<vmem_shared>>)
      tpu.yield
    }) : () -> ()
    %barrier3A = arith.constant 0 : index
    tpu.barrier barrier_id(%barrier3A)
    %dma_start3A = arith.constant 0 : i32
    %dma_start3A_3 = arith.constant 0 : i32
    %dma_start3A_4 = arith.constant 0 : i32
    %dma_start3A_5 = arith.constant 0 : i32
    %dma_start3A_6 = arith.constant 0 : i32
    %dma_start3A_7 = tpu.memref_slice %arg9[%dma_start3A_3, %dma_start3A_4, %dma_start3A_5, %dma_start3A_6] : memref<2x8x128x32xf32, #tpu.memory_space<vmem>> -> memref<1x1x128x32xf32, #tpu.memory_space<vmem>>
    %dma_start3A_8 = tpu.memref_squeeze %dma_start3A_7 : memref<1x1x128x32xf32, #tpu.memory_space<vmem>> -> memref<128x32xf32, #tpu.memory_space<vmem>>
    %dma_start3A_9 = arith.constant 0 : i32
    %dma_start3A_10 = tpu.memref_slice %arg7[%dma_start3A, %dma_start3A_9] : memref<80x128xi32, #tpu.memory_space<vmem>> -> memref<1x128xi32, #tpu.memory_space<vmem>>
    %dma_start3A_11 = tpu.memref_squeeze %dma_start3A_10 : memref<1x128xi32, #tpu.memory_space<vmem>> -> memref<128xi32, #tpu.memory_space<vmem>>
    %dma_start3A_12 = arith.constant 0 : i32
    %dma_start3A_13 = arith.constant 0 : i32
    %dma_start3A_14 = tpu.memref_slice %arg2[%dma_start3A_12, %dma_start3A_13] : memref<10000x32xf32, #tpu.memory_space<hbm>> -> memref<10000x32xf32, #tpu.memory_space<hbm>>
    tpu.enqueue_indirect_dma source(%dma_start3A_14 : memref<10000x32xf32, #tpu.memory_space<hbm>>) target(%dma_start3A_8 : memref<128x32xf32, #tpu.memory_space<vmem>>) offsets(%dma_start3A_11 : memref<128xi32, #tpu.memory_space<vmem>>) semaphore(%arg11 : memref<!tpu.dma_semaphore, #tpu.memory_space<semaphore_mem>>)
    %dma_start3A_15 = arith.constant 1 : i32
    %dma_start3A_16 = arith.constant 0 : i32
    %dma_start3A_17 = arith.constant 1 : i32
    %dma_start3A_18 = arith.constant 0 : i32
    %dma_start3A_19 = arith.constant 0 : i32
    %dma_start3A_20 = tpu.memref_slice %arg9[%dma_start3A_16, %dma_start3A_17, %dma_start3A_18, %dma_start3A_19] : memref<2x8x128x32xf32, #tpu.memory_space<vmem>> -> memref<1x1x128x32xf32, #tpu.memory_space<vmem>>
    %dma_start3A_21 = tpu.memref_squeeze %dma_start3A_20 : memref<1x1x128x32xf32, #tpu.memory_space<vmem>> -> memref<128x32xf32, #tpu.memory_space<vmem>>
    %dma_start3A_22 = arith.constant 0 : i32
    %dma_start3A_23 = tpu.memref_slice %arg7[%dma_start3A_15, %dma_start3A_22] : memref<80x128xi32, #tpu.memory_space<vmem>> -> memref<1x128xi32, #tpu.memory_space<vmem>>
    %dma_start3A_24 = tpu.memref_squeeze %dma_start3A_23 : memref<1x128xi32, #tpu.memory_space<vmem>> -> memref<128xi32, #tpu.memory_space<vmem>>
    %dma_start3A_25 = arith.constant 0 : i32
    %dma_start3A_26 = arith.constant 0 : i32
    %dma_start3A_27 = tpu.memref_slice %arg2[%dma_start3A_25, %dma_start3A_26] : memref<10000x32xf32, #tpu.memory_space<hbm>> -> memref<10000x32xf32, #tpu.memory_space<hbm>>
    tpu.enqueue_indirect_dma source(%dma_start3A_27 : memref<10000x32xf32, #tpu.memory_space<hbm>>) target(%dma_start3A_21 : memref<128x32xf32, #tpu.memory_space<vmem>>) offsets(%dma_start3A_24 : memref<128xi32, #tpu.memory_space<vmem>>) semaphore(%arg11 : memref<!tpu.dma_semaphore, #tpu.memory_space<semaphore_mem>>)
    %dma_start3A_28 = arith.constant 2 : i32
    %dma_start3A_29 = arith.constant 0 : i32
    %dma_start3A_30 = arith.constant 2 : i32
    %dma_start3A_31 = arith.constant 0 : i32
    %dma_start3A_32 = arith.constant 0 : i32
    %dma_start3A_33 = tpu.memref_slice %arg9[%dma_start3A_29, %dma_start3A_30, %dma_start3A_31, %dma_start3A_32] : memref<2x8x128x32xf32, #tpu.memory_space<vmem>> -> memref<1x1x128x32xf32, #tpu.memory_space<vmem>>
    %dma_start3A_34 = tpu.memref_squeeze %dma_start3A_33 : memref<1x1x128x32xf32, #tpu.memory_space<vmem>> -> memref<128x32xf32, #tpu.memory_space<vmem>>
    %dma_start3A_35 = arith.constant 0 : i32
    %dma_start3A_36 = tpu.memref_slice %arg7[%dma_start3A_28, %dma_start3A_35] : memref<80x128xi32, #tpu.memory_space<vmem>> -> memref<1x128xi32, #tpu.memory_space<vmem>>
    %dma_start3A_37 = tpu.memref_squeeze %dma_start3A_36 : memref<1x128xi32, #tpu.memory_space<vmem>> -> memref<128xi32, #tpu.memory_space<vmem>>
    %dma_start3A_38 = arith.constant 0 : i32
    %dma_start3A_39 = arith.constant 0 : i32
    %dma_start3A_40 = tpu.memref_slice %arg2[%dma_start3A_38, %dma_start3A_39] : memref<10000x32xf32, #tpu.memory_space<hbm>> -> memref<10000x32xf32, #tpu.memory_space<hbm>>
    tpu.enqueue_indirect_dma source(%dma_start3A_40 : memref<10000x32xf32, #tpu.memory_space<hbm>>) target(%dma_start3A_34 : memref<128x32xf32, #tpu.memory_space<vmem>>) offsets(%dma_start3A_37 : memref<128xi32, #tpu.memory_space<vmem>>) semaphore(%arg11 : memref<!tpu.dma_semaphore, #tpu.memory_space<semaphore_mem>>)
    %dma_start3A_41 = arith.constant 3 : i32
    %dma_start3A_42 = arith.constant 0 : i32
    %dma_start3A_43 = arith.constant 3 : i32
    %dma_start3A_44 = arith.constant 0 : i32
    %dma_start3A_45 = arith.constant 0 : i32
    %dma_start3A_46 = tpu.memref_slice %arg9[%dma_start3A_42, %dma_start3A_43, %dma_start3A_44, %dma_start3A_45] : memref<2x8x128x32xf32, #tpu.memory_space<vmem>> -> memref<1x1x128x32xf32, #tpu.memory_space<vmem>>
    %dma_start3A_47 = tpu.memref_squeeze %dma_start3A_46 : memref<1x1x128x32xf32, #tpu.memory_space<vmem>> -> memref<128x32xf32, #tpu.memory_space<vmem>>
    %dma_start3A_48 = arith.constant 0 : i32
    %dma_start3A_49 = tpu.memref_slice %arg7[%dma_start3A_41, %dma_start3A_48] : memref<80x128xi32, #tpu.memory_space<vmem>> -> memref<1x128xi32, #tpu.memory_space<vmem>>
    %dma_start3A_50 = tpu.memref_squeeze %dma_start3A_49 : memref<1x128xi32, #tpu.memory_space<vmem>> -> memref<128xi32, #tpu.memory_space<vmem>>
    %dma_start3A_51 = arith.constant 0 : i32
    %dma_start3A_52 = arith.constant 0 : i32
    %dma_start3A_53 = tpu.memref_slice %arg2[%dma_start3A_51, %dma_start3A_52] : memref<10000x32xf32, #tpu.memory_space<hbm>> -> memref<10000x32xf32, #tpu.memory_space<hbm>>
    tpu.enqueue_indirect_dma source(%dma_start3A_53 : memref<10000x32xf32, #tpu.memory_space<hbm>>) target(%dma_start3A_47 : memref<128x32xf32, #tpu.memory_space<vmem>>) offsets(%dma_start3A_50 : memref<128xi32, #tpu.memory_space<vmem>>) semaphore(%arg11 : memref<!tpu.dma_semaphore, #tpu.memory_space<semaphore_mem>>)
    %dma_start3A_54 = arith.constant 4 : i32
    %dma_start3A_55 = arith.constant 0 : i32
    %dma_start3A_56 = arith.constant 4 : i32
    %dma_start3A_57 = arith.constant 0 : i32
    %dma_start3A_58 = arith.constant 0 : i32
    %dma_start3A_59 = tpu.memref_slice %arg9[%dma_start3A_55, %dma_start3A_56, %dma_start3A_57, %dma_start3A_58] : memref<2x8x128x32xf32, #tpu.memory_space<vmem>> -> memref<1x1x128x32xf32, #tpu.memory_space<vmem>>
    %dma_start3A_60 = tpu.memref_squeeze %dma_start3A_59 : memref<1x1x128x32xf32, #tpu.memory_space<vmem>> -> memref<128x32xf32, #tpu.memory_space<vmem>>
    %dma_start3A_61 = arith.constant 0 : i32
    %dma_start3A_62 = tpu.memref_slice %arg7[%dma_start3A_54, %dma_start3A_61] : memref<80x128xi32, #tpu.memory_space<vmem>> -> memref<1x128xi32, #tpu.memory_space<vmem>>
    %dma_start3A_63 = tpu.memref_squeeze %dma_start3A_62 : memref<1x128xi32, #tpu.memory_space<vmem>> -> memref<128xi32, #tpu.memory_space<vmem>>
    %dma_start3A_64 = arith.constant 0 : i32
    %dma_start3A_65 = arith.constant 0 : i32
    %dma_start3A_66 = tpu.memref_slice %arg2[%dma_start3A_64, %dma_start3A_65] : memref<10000x32xf32, #tpu.memory_space<hbm>> -> memref<10000x32xf32, #tpu.memory_space<hbm>>
    tpu.enqueue_indirect_dma source(%dma_start3A_66 : memref<10000x32xf32, #tpu.memory_space<hbm>>) target(%dma_start3A_60 : memref<128x32xf32, #tpu.memory_space<vmem>>) offsets(%dma_start3A_63 : memref<128xi32, #tpu.memory_space<vmem>>) semaphore(%arg11 : memref<!tpu.dma_semaphore, #tpu.memory_space<semaphore_mem>>)
    %dma_start3A_67 = arith.constant 5 : i32
    %dma_start3A_68 = arith.constant 0 : i32
    %dma_start3A_69 = arith.constant 5 : i32
    %dma_start3A_70 = arith.constant 0 : i32
    %dma_start3A_71 = arith.constant 0 : i32
    %dma_start3A_72 = tpu.memref_slice %arg9[%dma_start3A_68, %dma_start3A_69, %dma_start3A_70, %dma_start3A_71] : memref<2x8x128x32xf32, #tpu.memory_space<vmem>> -> memref<1x1x128x32xf32, #tpu.memory_space<vmem>>
    %dma_start3A_73 = tpu.memref_squeeze %dma_start3A_72 : memref<1x1x128x32xf32, #tpu.memory_space<vmem>> -> memref<128x32xf32, #tpu.memory_space<vmem>>
    %dma_start3A_74 = arith.constant 0 : i32
    %dma_start3A_75 = tpu.memref_slice %arg7[%dma_start3A_67, %dma_start3A_74] : memref<80x128xi32, #tpu.memory_space<vmem>> -> memref<1x128xi32, #tpu.memory_space<vmem>>
    %dma_start3A_76 = tpu.memref_squeeze %dma_start3A_75 : memref<1x128xi32, #tpu.memory_space<vmem>> -> memref<128xi32, #tpu.memory_space<vmem>>
    %dma_start3A_77 = arith.constant 0 : i32
    %dma_start3A_78 = arith.constant 0 : i32
    %dma_start3A_79 = tpu.memref_slice %arg2[%dma_start3A_77, %dma_start3A_78] : memref<10000x32xf32, #tpu.memory_space<hbm>> -> memref<10000x32xf32, #tpu.memory_space<hbm>>
    tpu.enqueue_indirect_dma source(%dma_start3A_79 : memref<10000x32xf32, #tpu.memory_space<hbm>>) target(%dma_start3A_73 : memref<128x32xf32, #tpu.memory_space<vmem>>) offsets(%dma_start3A_76 : memref<128xi32, #tpu.memory_space<vmem>>) semaphore(%arg11 : memref<!tpu.dma_semaphore, #tpu.memory_space<semaphore_mem>>)
    %dma_start3A_80 = arith.constant 6 : i32
    %dma_start3A_81 = arith.constant 0 : i32
    %dma_start3A_82 = arith.constant 6 : i32
    %dma_start3A_83 = arith.constant 0 : i32
    %dma_start3A_84 = arith.constant 0 : i32
    %dma_start3A_85 = tpu.memref_slice %arg9[%dma_start3A_81, %dma_start3A_82, %dma_start3A_83, %dma_start3A_84] : memref<2x8x128x32xf32, #tpu.memory_space<vmem>> -> memref<1x1x128x32xf32, #tpu.memory_space<vmem>>
    %dma_start3A_86 = tpu.memref_squeeze %dma_start3A_85 : memref<1x1x128x32xf32, #tpu.memory_space<vmem>> -> memref<128x32xf32, #tpu.memory_space<vmem>>
    %dma_start3A_87 = arith.constant 0 : i32
    %dma_start3A_88 = tpu.memref_slice %arg7[%dma_start3A_80, %dma_start3A_87] : memref<80x128xi32, #tpu.memory_space<vmem>> -> memref<1x128xi32, #tpu.memory_space<vmem>>
    %dma_start3A_89 = tpu.memref_squeeze %dma_start3A_88 : memref<1x128xi32, #tpu.memory_space<vmem>> -> memref<128xi32, #tpu.memory_space<vmem>>
    %dma_start3A_90 = arith.constant 0 : i32
    %dma_start3A_91 = arith.constant 0 : i32
    %dma_start3A_92 = tpu.memref_slice %arg2[%dma_start3A_90, %dma_start3A_91] : memref<10000x32xf32, #tpu.memory_space<hbm>> -> memref<10000x32xf32, #tpu.memory_space<hbm>>
    tpu.enqueue_indirect_dma source(%dma_start3A_92 : memref<10000x32xf32, #tpu.memory_space<hbm>>) target(%dma_start3A_86 : memref<128x32xf32, #tpu.memory_space<vmem>>) offsets(%dma_start3A_89 : memref<128xi32, #tpu.memory_space<vmem>>) semaphore(%arg11 : memref<!tpu.dma_semaphore, #tpu.memory_space<semaphore_mem>>)
    %dma_start3A_93 = arith.constant 7 : i32
    %dma_start3A_94 = arith.constant 0 : i32
    %dma_start3A_95 = arith.constant 7 : i32
    %dma_start3A_96 = arith.constant 0 : i32
    %dma_start3A_97 = arith.constant 0 : i32
    %dma_start3A_98 = tpu.memref_slice %arg9[%dma_start3A_94, %dma_start3A_95, %dma_start3A_96, %dma_start3A_97] : memref<2x8x128x32xf32, #tpu.memory_space<vmem>> -> memref<1x1x128x32xf32, #tpu.memory_space<vmem>>
    %dma_start3A_99 = tpu.memref_squeeze %dma_start3A_98 : memref<1x1x128x32xf32, #tpu.memory_space<vmem>> -> memref<128x32xf32, #tpu.memory_space<vmem>>
    %dma_start3A_100 = arith.constant 0 : i32
    %dma_start3A_101 = tpu.memref_slice %arg7[%dma_start3A_93, %dma_start3A_100] : memref<80x128xi32, #tpu.memory_space<vmem>> -> memref<1x128xi32, #tpu.memory_space<vmem>>
    %dma_start3A_102 = tpu.memref_squeeze %dma_start3A_101 : memref<1x128xi32, #tpu.memory_space<vmem>> -> memref<128xi32, #tpu.memory_space<vmem>>
    %dma_start3A_103 = arith.constant 0 : i32
    %dma_start3A_104 = arith.constant 0 : i32
    %dma_start3A_105 = tpu.memref_slice %arg2[%dma_start3A_103, %dma_start3A_104] : memref<10000x32xf32, #tpu.memory_space<hbm>> -> memref<10000x32xf32, #tpu.memory_space<hbm>>
    tpu.enqueue_indirect_dma source(%dma_start3A_105 : memref<10000x32xf32, #tpu.memory_space<hbm>>) target(%dma_start3A_99 : memref<128x32xf32, #tpu.memory_space<vmem>>) offsets(%dma_start3A_102 : memref<128xi32, #tpu.memory_space<vmem>>) semaphore(%arg11 : memref<!tpu.dma_semaphore, #tpu.memory_space<semaphore_mem>>)
    %scan3A = arith.constant 0 : i32
    %scan3A_106 = arith.constant 10 : i32
    %scan3A_107 = arith.addi %scan3A, %scan3A_106 : i32
    %scan3A_108 = arith.constant 1 : i32
    scf.for %scan3A_212 = %scan3A to %scan3A_107 step %scan3A_108  : i32 {
      %mul3A_213 = arith.constant 1 : i32
      %mul3A_214 = arith.muli %scan3A_212, %mul3A_213 : i32
      %add3A_215 = arith.constant 0 : i32
      %add3A_216 = arith.addi %add3A_215, %mul3A_214 : i32
      %rem3A_217 = arith.constant 2 : i32
      %rem3A_218 = arith.remsi %add3A_216, %rem3A_217 : i32
      %ge3A = arith.constant 1 : i32
      %ge3A_219 = arith.cmpi sge, %add3A_216, %ge3A : i32
      %convert_element_type3A = arith.extui %ge3A_219 : i1 to i32
      %cond3A = arith.constant 0 : i32
      %cond3A_220 = arith.cmpi ne, %convert_element_type3A, %cond3A : i32
      scf.if %cond3A_220 {
        %sub3A = arith.constant 1 : i32
        %sub3A_439 = arith.subi %add3A_216, %sub3A : i32
        %sub3A_440 = arith.constant 1 : i32
        %sub3A_441 = arith.subi %sub3A_440, %rem3A_218 : i32
        %mul3A_442 = arith.constant 8 : i32
        %mul3A_443 = arith.muli %sub3A_439, %mul3A_442 : i32
        %add3A_444 = arith.constant 0 : i32
        %add3A_445 = arith.addi %mul3A_443, %add3A_444 : i32
        %dma_wait3A_446 = arith.constant 0 : i32
        %dma_wait3A_447 = arith.constant 0 : i32
        %dma_wait3A_448 = arith.constant 0 : i32
        %dma_wait3A_449 = tpu.memref_slice %arg9[%sub3A_441, %dma_wait3A_446, %dma_wait3A_447, %dma_wait3A_448] : memref<2x8x128x32xf32, #tpu.memory_space<vmem>> -> memref<1x1x128x32xf32, #tpu.memory_space<vmem>>
        %dma_wait3A_450 = tpu.memref_squeeze %dma_wait3A_449 : memref<1x1x128x32xf32, #tpu.memory_space<vmem>> -> memref<128x32xf32, #tpu.memory_space<vmem>>
        %dma_wait3A_451 = arith.constant 0 : i32
        %dma_wait3A_452 = tpu.memref_slice %arg8[%add3A_445, %dma_wait3A_451] : memref<80x128xi32, #tpu.memory_space<vmem>> -> memref<1x128xi32, #tpu.memory_space<vmem>>
        %dma_wait3A_453 = tpu.memref_squeeze %dma_wait3A_452 : memref<1x128xi32, #tpu.memory_space<vmem>> -> memref<128xi32, #tpu.memory_space<vmem>>
        %dma_wait3A_454 = arith.constant 0 : i32
        %dma_wait3A_455 = arith.constant 0 : i32
        %dma_wait3A_456 = tpu.memref_slice %arg10[%dma_wait3A_454, %dma_wait3A_455] : memref<10112x32xf32, #tpu.memory_space<vmem_shared>> -> memref<10112x32xf32, #tpu.memory_space<vmem_shared>>
        tpu.wait_indirect_dma semaphore(%arg12 : memref<!tpu.dma_semaphore, #tpu.memory_space<semaphore_mem>>) src(%dma_wait3A_450 : memref<128x32xf32, #tpu.memory_space<vmem>>) dst(%dma_wait3A_456 : memref<10112x32xf32, #tpu.memory_space<vmem_shared>>)
        %add3A_457 = arith.constant 1 : i32
        %add3A_458 = arith.addi %mul3A_443, %add3A_457 : i32
        %dma_wait3A_459 = arith.constant 1 : i32
        %dma_wait3A_460 = arith.constant 0 : i32
        %dma_wait3A_461 = arith.constant 0 : i32
        %dma_wait3A_462 = tpu.memref_slice %arg9[%sub3A_441, %dma_wait3A_459, %dma_wait3A_460, %dma_wait3A_461] : memref<2x8x128x32xf32, #tpu.memory_space<vmem>> -> memref<1x1x128x32xf32, #tpu.memory_space<vmem>>
        %dma_wait3A_463 = tpu.memref_squeeze %dma_wait3A_462 : memref<1x1x128x32xf32, #tpu.memory_space<vmem>> -> memref<128x32xf32, #tpu.memory_space<vmem>>
        %dma_wait3A_464 = arith.constant 0 : i32
        %dma_wait3A_465 = tpu.memref_slice %arg8[%add3A_458, %dma_wait3A_464] : memref<80x128xi32, #tpu.memory_space<vmem>> -> memref<1x128xi32, #tpu.memory_space<vmem>>
        %dma_wait3A_466 = tpu.memref_squeeze %dma_wait3A_465 : memref<1x128xi32, #tpu.memory_space<vmem>> -> memref<128xi32, #tpu.memory_space<vmem>>
        %dma_wait3A_467 = arith.constant 0 : i32
        %dma_wait3A_468 = arith.constant 0 : i32
        %dma_wait3A_469 = tpu.memref_slice %arg10[%dma_wait3A_467, %dma_wait3A_468] : memref<10112x32xf32, #tpu.memory_space<vmem_shared>> -> memref<10112x32xf32, #tpu.memory_space<vmem_shared>>
        tpu.wait_indirect_dma semaphore(%arg12 : memref<!tpu.dma_semaphore, #tpu.memory_space<semaphore_mem>>) src(%dma_wait3A_463 : memref<128x32xf32, #tpu.memory_space<vmem>>) dst(%dma_wait3A_469 : memref<10112x32xf32, #tpu.memory_space<vmem_shared>>)
        %add3A_470 = arith.constant 2 : i32
        %add3A_471 = arith.addi %mul3A_443, %add3A_470 : i32
        %dma_wait3A_472 = arith.constant 2 : i32
        %dma_wait3A_473 = arith.constant 0 : i32
        %dma_wait3A_474 = arith.constant 0 : i32
        %dma_wait3A_475 = tpu.memref_slice %arg9[%sub3A_441, %dma_wait3A_472, %dma_wait3A_473, %dma_wait3A_474] : memref<2x8x128x32xf32, #tpu.memory_space<vmem>> -> memref<1x1x128x32xf32, #tpu.memory_space<vmem>>
        %dma_wait3A_476 = tpu.memref_squeeze %dma_wait3A_475 : memref<1x1x128x32xf32, #tpu.memory_space<vmem>> -> memref<128x32xf32, #tpu.memory_space<vmem>>
        %dma_wait3A_477 = arith.constant 0 : i32
        %dma_wait3A_478 = tpu.memref_slice %arg8[%add3A_471, %dma_wait3A_477] : memref<80x128xi32, #tpu.memory_space<vmem>> -> memref<1x128xi32, #tpu.memory_space<vmem>>
        %dma_wait3A_479 = tpu.memref_squeeze %dma_wait3A_478 : memref<1x128xi32, #tpu.memory_space<vmem>> -> memref<128xi32, #tpu.memory_space<vmem>>
        %dma_wait3A_480 = arith.constant 0 : i32
        %dma_wait3A_481 = arith.constant 0 : i32
        %dma_wait3A_482 = tpu.memref_slice %arg10[%dma_wait3A_480, %dma_wait3A_481] : memref<10112x32xf32, #tpu.memory_space<vmem_shared>> -> memref<10112x32xf32, #tpu.memory_space<vmem_shared>>
        tpu.wait_indirect_dma semaphore(%arg12 : memref<!tpu.dma_semaphore, #tpu.memory_space<semaphore_mem>>) src(%dma_wait3A_476 : memref<128x32xf32, #tpu.memory_space<vmem>>) dst(%dma_wait3A_482 : memref<10112x32xf32, #tpu.memory_space<vmem_shared>>)
        %add3A_483 = arith.constant 3 : i32
        %add3A_484 = arith.addi %mul3A_443, %add3A_483 : i32
        %dma_wait3A_485 = arith.constant 3 : i32
        %dma_wait3A_486 = arith.constant 0 : i32
        %dma_wait3A_487 = arith.constant 0 : i32
        %dma_wait3A_488 = tpu.memref_slice %arg9[%sub3A_441, %dma_wait3A_485, %dma_wait3A_486, %dma_wait3A_487] : memref<2x8x128x32xf32, #tpu.memory_space<vmem>> -> memref<1x1x128x32xf32, #tpu.memory_space<vmem>>
        %dma_wait3A_489 = tpu.memref_squeeze %dma_wait3A_488 : memref<1x1x128x32xf32, #tpu.memory_space<vmem>> -> memref<128x32xf32, #tpu.memory_space<vmem>>
        %dma_wait3A_490 = arith.constant 0 : i32
        %dma_wait3A_491 = tpu.memref_slice %arg8[%add3A_484, %dma_wait3A_490] : memref<80x128xi32, #tpu.memory_space<vmem>> -> memref<1x128xi32, #tpu.memory_space<vmem>>
        %dma_wait3A_492 = tpu.memref_squeeze %dma_wait3A_491 : memref<1x128xi32, #tpu.memory_space<vmem>> -> memref<128xi32, #tpu.memory_space<vmem>>
        %dma_wait3A_493 = arith.constant 0 : i32
        %dma_wait3A_494 = arith.constant 0 : i32
        %dma_wait3A_495 = tpu.memref_slice %arg10[%dma_wait3A_493, %dma_wait3A_494] : memref<10112x32xf32, #tpu.memory_space<vmem_shared>> -> memref<10112x32xf32, #tpu.memory_space<vmem_shared>>
        tpu.wait_indirect_dma semaphore(%arg12 : memref<!tpu.dma_semaphore, #tpu.memory_space<semaphore_mem>>) src(%dma_wait3A_489 : memref<128x32xf32, #tpu.memory_space<vmem>>) dst(%dma_wait3A_495 : memref<10112x32xf32, #tpu.memory_space<vmem_shared>>)
        %add3A_496 = arith.constant 4 : i32
        %add3A_497 = arith.addi %mul3A_443, %add3A_496 : i32
        %dma_wait3A_498 = arith.constant 4 : i32
        %dma_wait3A_499 = arith.constant 0 : i32
        %dma_wait3A_500 = arith.constant 0 : i32
        %dma_wait3A_501 = tpu.memref_slice %arg9[%sub3A_441, %dma_wait3A_498, %dma_wait3A_499, %dma_wait3A_500] : memref<2x8x128x32xf32, #tpu.memory_space<vmem>> -> memref<1x1x128x32xf32, #tpu.memory_space<vmem>>
        %dma_wait3A_502 = tpu.memref_squeeze %dma_wait3A_501 : memref<1x1x128x32xf32, #tpu.memory_space<vmem>> -> memref<128x32xf32, #tpu.memory_space<vmem>>
        %dma_wait3A_503 = arith.constant 0 : i32
        %dma_wait3A_504 = tpu.memref_slice %arg8[%add3A_497, %dma_wait3A_503] : memref<80x128xi32, #tpu.memory_space<vmem>> -> memref<1x128xi32, #tpu.memory_space<vmem>>
        %dma_wait3A_505 = tpu.memref_squeeze %dma_wait3A_504 : memref<1x128xi32, #tpu.memory_space<vmem>> -> memref<128xi32, #tpu.memory_space<vmem>>
        %dma_wait3A_506 = arith.constant 0 : i32
        %dma_wait3A_507 = arith.constant 0 : i32
        %dma_wait3A_508 = tpu.memref_slice %arg10[%dma_wait3A_506, %dma_wait3A_507] : memref<10112x32xf32, #tpu.memory_space<vmem_shared>> -> memref<10112x32xf32, #tpu.memory_space<vmem_shared>>
        tpu.wait_indirect_dma semaphore(%arg12 : memref<!tpu.dma_semaphore, #tpu.memory_space<semaphore_mem>>) src(%dma_wait3A_502 : memref<128x32xf32, #tpu.memory_space<vmem>>) dst(%dma_wait3A_508 : memref<10112x32xf32, #tpu.memory_space<vmem_shared>>)
        %add3A_509 = arith.constant 5 : i32
        %add3A_510 = arith.addi %mul3A_443, %add3A_509 : i32
        %dma_wait3A_511 = arith.constant 5 : i32
        %dma_wait3A_512 = arith.constant 0 : i32
        %dma_wait3A_513 = arith.constant 0 : i32
        %dma_wait3A_514 = tpu.memref_slice %arg9[%sub3A_441, %dma_wait3A_511, %dma_wait3A_512, %dma_wait3A_513] : memref<2x8x128x32xf32, #tpu.memory_space<vmem>> -> memref<1x1x128x32xf32, #tpu.memory_space<vmem>>
        %dma_wait3A_515 = tpu.memref_squeeze %dma_wait3A_514 : memref<1x1x128x32xf32, #tpu.memory_space<vmem>> -> memref<128x32xf32, #tpu.memory_space<vmem>>
        %dma_wait3A_516 = arith.constant 0 : i32
        %dma_wait3A_517 = tpu.memref_slice %arg8[%add3A_510, %dma_wait3A_516] : memref<80x128xi32, #tpu.memory_space<vmem>> -> memref<1x128xi32, #tpu.memory_space<vmem>>
        %dma_wait3A_518 = tpu.memref_squeeze %dma_wait3A_517 : memref<1x128xi32, #tpu.memory_space<vmem>> -> memref<128xi32, #tpu.memory_space<vmem>>
        %dma_wait3A_519 = arith.constant 0 : i32
        %dma_wait3A_520 = arith.constant 0 : i32
        %dma_wait3A_521 = tpu.memref_slice %arg10[%dma_wait3A_519, %dma_wait3A_520] : memref<10112x32xf32, #tpu.memory_space<vmem_shared>> -> memref<10112x32xf32, #tpu.memory_space<vmem_shared>>
        tpu.wait_indirect_dma semaphore(%arg12 : memref<!tpu.dma_semaphore, #tpu.memory_space<semaphore_mem>>) src(%dma_wait3A_515 : memref<128x32xf32, #tpu.memory_space<vmem>>) dst(%dma_wait3A_521 : memref<10112x32xf32, #tpu.memory_space<vmem_shared>>)
        %add3A_522 = arith.constant 6 : i32
        %add3A_523 = arith.addi %mul3A_443, %add3A_522 : i32
        %dma_wait3A_524 = arith.constant 6 : i32
        %dma_wait3A_525 = arith.constant 0 : i32
        %dma_wait3A_526 = arith.constant 0 : i32
        %dma_wait3A_527 = tpu.memref_slice %arg9[%sub3A_441, %dma_wait3A_524, %dma_wait3A_525, %dma_wait3A_526] : memref<2x8x128x32xf32, #tpu.memory_space<vmem>> -> memref<1x1x128x32xf32, #tpu.memory_space<vmem>>
        %dma_wait3A_528 = tpu.memref_squeeze %dma_wait3A_527 : memref<1x1x128x32xf32, #tpu.memory_space<vmem>> -> memref<128x32xf32, #tpu.memory_space<vmem>>
        %dma_wait3A_529 = arith.constant 0 : i32
        %dma_wait3A_530 = tpu.memref_slice %arg8[%add3A_523, %dma_wait3A_529] : memref<80x128xi32, #tpu.memory_space<vmem>> -> memref<1x128xi32, #tpu.memory_space<vmem>>
        %dma_wait3A_531 = tpu.memref_squeeze %dma_wait3A_530 : memref<1x128xi32, #tpu.memory_space<vmem>> -> memref<128xi32, #tpu.memory_space<vmem>>
        %dma_wait3A_532 = arith.constant 0 : i32
        %dma_wait3A_533 = arith.constant 0 : i32
        %dma_wait3A_534 = tpu.memref_slice %arg10[%dma_wait3A_532, %dma_wait3A_533] : memref<10112x32xf32, #tpu.memory_space<vmem_shared>> -> memref<10112x32xf32, #tpu.memory_space<vmem_shared>>
        tpu.wait_indirect_dma semaphore(%arg12 : memref<!tpu.dma_semaphore, #tpu.memory_space<semaphore_mem>>) src(%dma_wait3A_528 : memref<128x32xf32, #tpu.memory_space<vmem>>) dst(%dma_wait3A_534 : memref<10112x32xf32, #tpu.memory_space<vmem_shared>>)
        %add3A_535 = arith.constant 7 : i32
        %add3A_536 = arith.addi %mul3A_443, %add3A_535 : i32
        %dma_wait3A_537 = arith.constant 7 : i32
        %dma_wait3A_538 = arith.constant 0 : i32
        %dma_wait3A_539 = arith.constant 0 : i32
        %dma_wait3A_540 = tpu.memref_slice %arg9[%sub3A_441, %dma_wait3A_537, %dma_wait3A_538, %dma_wait3A_539] : memref<2x8x128x32xf32, #tpu.memory_space<vmem>> -> memref<1x1x128x32xf32, #tpu.memory_space<vmem>>
        %dma_wait3A_541 = tpu.memref_squeeze %dma_wait3A_540 : memref<1x1x128x32xf32, #tpu.memory_space<vmem>> -> memref<128x32xf32, #tpu.memory_space<vmem>>
        %dma_wait3A_542 = arith.constant 0 : i32
        %dma_wait3A_543 = tpu.memref_slice %arg8[%add3A_536, %dma_wait3A_542] : memref<80x128xi32, #tpu.memory_space<vmem>> -> memref<1x128xi32, #tpu.memory_space<vmem>>
        %dma_wait3A_544 = tpu.memref_squeeze %dma_wait3A_543 : memref<1x128xi32, #tpu.memory_space<vmem>> -> memref<128xi32, #tpu.memory_space<vmem>>
        %dma_wait3A_545 = arith.constant 0 : i32
        %dma_wait3A_546 = arith.constant 0 : i32
        %dma_wait3A_547 = tpu.memref_slice %arg10[%dma_wait3A_545, %dma_wait3A_546] : memref<10112x32xf32, #tpu.memory_space<vmem_shared>> -> memref<10112x32xf32, #tpu.memory_space<vmem_shared>>
        tpu.wait_indirect_dma semaphore(%arg12 : memref<!tpu.dma_semaphore, #tpu.memory_space<semaphore_mem>>) src(%dma_wait3A_541 : memref<128x32xf32, #tpu.memory_space<vmem>>) dst(%dma_wait3A_547 : memref<10112x32xf32, #tpu.memory_space<vmem_shared>>)
      } else {
      }
      %add3A_221 = arith.constant 1 : i32
      %add3A_222 = arith.addi %add3A_216, %add3A_221 : i32
      %lt3A = arith.constant 10 : i32
      %lt3A_223 = arith.cmpi slt, %add3A_222, %lt3A : i32
      %convert_element_type3A_224 = arith.extui %lt3A_223 : i1 to i32
      %cond3A_225 = arith.constant 0 : i32
      %cond3A_226 = arith.cmpi ne, %convert_element_type3A_224, %cond3A_225 : i32
      scf.if %cond3A_226 {
        %add3A_439 = arith.constant 1 : i32
        %add3A_440 = arith.addi %add3A_216, %add3A_439 : i32
        %sub3A = arith.constant 1 : i32
        %sub3A_441 = arith.subi %sub3A, %rem3A_218 : i32
        %mul3A_442 = arith.constant 8 : i32
        %mul3A_443 = arith.muli %add3A_440, %mul3A_442 : i32
        %add3A_444 = arith.constant 0 : i32
        %add3A_445 = arith.addi %mul3A_443, %add3A_444 : i32
        %dma_start3A_446 = arith.constant 0 : i32
        %dma_start3A_447 = arith.constant 0 : i32
        %dma_start3A_448 = arith.constant 0 : i32
        %dma_start3A_449 = tpu.memref_slice %arg9[%sub3A_441, %dma_start3A_446, %dma_start3A_447, %dma_start3A_448] : memref<2x8x128x32xf32, #tpu.memory_space<vmem>> -> memref<1x1x128x32xf32, #tpu.memory_space<vmem>>
        %dma_start3A_450 = tpu.memref_squeeze %dma_start3A_449 : memref<1x1x128x32xf32, #tpu.memory_space<vmem>> -> memref<128x32xf32, #tpu.memory_space<vmem>>
        %dma_start3A_451 = arith.constant 0 : i32
        %dma_start3A_452 = tpu.memref_slice %arg7[%add3A_445, %dma_start3A_451] : memref<80x128xi32, #tpu.memory_space<vmem>> -> memref<1x128xi32, #tpu.memory_space<vmem>>
        %dma_start3A_453 = tpu.memref_squeeze %dma_start3A_452 : memref<1x128xi32, #tpu.memory_space<vmem>> -> memref<128xi32, #tpu.memory_space<vmem>>
        %dma_start3A_454 = arith.constant 0 : i32
        %dma_start3A_455 = arith.constant 0 : i32
        %dma_start3A_456 = tpu.memref_slice %arg2[%dma_start3A_454, %dma_start3A_455] : memref<10000x32xf32, #tpu.memory_space<hbm>> -> memref<10000x32xf32, #tpu.memory_space<hbm>>
        tpu.enqueue_indirect_dma source(%dma_start3A_456 : memref<10000x32xf32, #tpu.memory_space<hbm>>) target(%dma_start3A_450 : memref<128x32xf32, #tpu.memory_space<vmem>>) offsets(%dma_start3A_453 : memref<128xi32, #tpu.memory_space<vmem>>) semaphore(%arg11 : memref<!tpu.dma_semaphore, #tpu.memory_space<semaphore_mem>>)
        %add3A_457 = arith.constant 1 : i32
        %add3A_458 = arith.addi %mul3A_443, %add3A_457 : i32
        %dma_start3A_459 = arith.constant 1 : i32
        %dma_start3A_460 = arith.constant 0 : i32
        %dma_start3A_461 = arith.constant 0 : i32
        %dma_start3A_462 = tpu.memref_slice %arg9[%sub3A_441, %dma_start3A_459, %dma_start3A_460, %dma_start3A_461] : memref<2x8x128x32xf32, #tpu.memory_space<vmem>> -> memref<1x1x128x32xf32, #tpu.memory_space<vmem>>
        %dma_start3A_463 = tpu.memref_squeeze %dma_start3A_462 : memref<1x1x128x32xf32, #tpu.memory_space<vmem>> -> memref<128x32xf32, #tpu.memory_space<vmem>>
        %dma_start3A_464 = arith.constant 0 : i32
        %dma_start3A_465 = tpu.memref_slice %arg7[%add3A_458, %dma_start3A_464] : memref<80x128xi32, #tpu.memory_space<vmem>> -> memref<1x128xi32, #tpu.memory_space<vmem>>
        %dma_start3A_466 = tpu.memref_squeeze %dma_start3A_465 : memref<1x128xi32, #tpu.memory_space<vmem>> -> memref<128xi32, #tpu.memory_space<vmem>>
        %dma_start3A_467 = arith.constant 0 : i32
        %dma_start3A_468 = arith.constant 0 : i32
        %dma_start3A_469 = tpu.memref_slice %arg2[%dma_start3A_467, %dma_start3A_468] : memref<10000x32xf32, #tpu.memory_space<hbm>> -> memref<10000x32xf32, #tpu.memory_space<hbm>>
        tpu.enqueue_indirect_dma source(%dma_start3A_469 : memref<10000x32xf32, #tpu.memory_space<hbm>>) target(%dma_start3A_463 : memref<128x32xf32, #tpu.memory_space<vmem>>) offsets(%dma_start3A_466 : memref<128xi32, #tpu.memory_space<vmem>>) semaphore(%arg11 : memref<!tpu.dma_semaphore, #tpu.memory_space<semaphore_mem>>)
        %add3A_470 = arith.constant 2 : i32
        %add3A_471 = arith.addi %mul3A_443, %add3A_470 : i32
        %dma_start3A_472 = arith.constant 2 : i32
        %dma_start3A_473 = arith.constant 0 : i32
        %dma_start3A_474 = arith.constant 0 : i32
        %dma_start3A_475 = tpu.memref_slice %arg9[%sub3A_441, %dma_start3A_472, %dma_start3A_473, %dma_start3A_474] : memref<2x8x128x32xf32, #tpu.memory_space<vmem>> -> memref<1x1x128x32xf32, #tpu.memory_space<vmem>>
        %dma_start3A_476 = tpu.memref_squeeze %dma_start3A_475 : memref<1x1x128x32xf32, #tpu.memory_space<vmem>> -> memref<128x32xf32, #tpu.memory_space<vmem>>
        %dma_start3A_477 = arith.constant 0 : i32
        %dma_start3A_478 = tpu.memref_slice %arg7[%add3A_471, %dma_start3A_477] : memref<80x128xi32, #tpu.memory_space<vmem>> -> memref<1x128xi32, #tpu.memory_space<vmem>>
        %dma_start3A_479 = tpu.memref_squeeze %dma_start3A_478 : memref<1x128xi32, #tpu.memory_space<vmem>> -> memref<128xi32, #tpu.memory_space<vmem>>
        %dma_start3A_480 = arith.constant 0 : i32
        %dma_start3A_481 = arith.constant 0 : i32
        %dma_start3A_482 = tpu.memref_slice %arg2[%dma_start3A_480, %dma_start3A_481] : memref<10000x32xf32, #tpu.memory_space<hbm>> -> memref<10000x32xf32, #tpu.memory_space<hbm>>
        tpu.enqueue_indirect_dma source(%dma_start3A_482 : memref<10000x32xf32, #tpu.memory_space<hbm>>) target(%dma_start3A_476 : memref<128x32xf32, #tpu.memory_space<vmem>>) offsets(%dma_start3A_479 : memref<128xi32, #tpu.memory_space<vmem>>) semaphore(%arg11 : memref<!tpu.dma_semaphore, #tpu.memory_space<semaphore_mem>>)
        %add3A_483 = arith.constant 3 : i32
        %add3A_484 = arith.addi %mul3A_443, %add3A_483 : i32
        %dma_start3A_485 = arith.constant 3 : i32
        %dma_start3A_486 = arith.constant 0 : i32
        %dma_start3A_487 = arith.constant 0 : i32
        %dma_start3A_488 = tpu.memref_slice %arg9[%sub3A_441, %dma_start3A_485, %dma_start3A_486, %dma_start3A_487] : memref<2x8x128x32xf32, #tpu.memory_space<vmem>> -> memref<1x1x128x32xf32, #tpu.memory_space<vmem>>
        %dma_start3A_489 = tpu.memref_squeeze %dma_start3A_488 : memref<1x1x128x32xf32, #tpu.memory_space<vmem>> -> memref<128x32xf32, #tpu.memory_space<vmem>>
        %dma_start3A_490 = arith.constant 0 : i32
        %dma_start3A_491 = tpu.memref_slice %arg7[%add3A_484, %dma_start3A_490] : memref<80x128xi32, #tpu.memory_space<vmem>> -> memref<1x128xi32, #tpu.memory_space<vmem>>
        %dma_start3A_492 = tpu.memref_squeeze %dma_start3A_491 : memref<1x128xi32, #tpu.memory_space<vmem>> -> memref<128xi32, #tpu.memory_space<vmem>>
        %dma_start3A_493 = arith.constant 0 : i32
        %dma_start3A_494 = arith.constant 0 : i32
        %dma_start3A_495 = tpu.memref_slice %arg2[%dma_start3A_493, %dma_start3A_494] : memref<10000x32xf32, #tpu.memory_space<hbm>> -> memref<10000x32xf32, #tpu.memory_space<hbm>>
        tpu.enqueue_indirect_dma source(%dma_start3A_495 : memref<10000x32xf32, #tpu.memory_space<hbm>>) target(%dma_start3A_489 : memref<128x32xf32, #tpu.memory_space<vmem>>) offsets(%dma_start3A_492 : memref<128xi32, #tpu.memory_space<vmem>>) semaphore(%arg11 : memref<!tpu.dma_semaphore, #tpu.memory_space<semaphore_mem>>)
        %add3A_496 = arith.constant 4 : i32
        %add3A_497 = arith.addi %mul3A_443, %add3A_496 : i32
        %dma_start3A_498 = arith.constant 4 : i32
        %dma_start3A_499 = arith.constant 0 : i32
        %dma_start3A_500 = arith.constant 0 : i32
        %dma_start3A_501 = tpu.memref_slice %arg9[%sub3A_441, %dma_start3A_498, %dma_start3A_499, %dma_start3A_500] : memref<2x8x128x32xf32, #tpu.memory_space<vmem>> -> memref<1x1x128x32xf32, #tpu.memory_space<vmem>>
        %dma_start3A_502 = tpu.memref_squeeze %dma_start3A_501 : memref<1x1x128x32xf32, #tpu.memory_space<vmem>> -> memref<128x32xf32, #tpu.memory_space<vmem>>
        %dma_start3A_503 = arith.constant 0 : i32
        %dma_start3A_504 = tpu.memref_slice %arg7[%add3A_497, %dma_start3A_503] : memref<80x128xi32, #tpu.memory_space<vmem>> -> memref<1x128xi32, #tpu.memory_space<vmem>>
        %dma_start3A_505 = tpu.memref_squeeze %dma_start3A_504 : memref<1x128xi32, #tpu.memory_space<vmem>> -> memref<128xi32, #tpu.memory_space<vmem>>
        %dma_start3A_506 = arith.constant 0 : i32
        %dma_start3A_507 = arith.constant 0 : i32
        %dma_start3A_508 = tpu.memref_slice %arg2[%dma_start3A_506, %dma_start3A_507] : memref<10000x32xf32, #tpu.memory_space<hbm>> -> memref<10000x32xf32, #tpu.memory_space<hbm>>
        tpu.enqueue_indirect_dma source(%dma_start3A_508 : memref<10000x32xf32, #tpu.memory_space<hbm>>) target(%dma_start3A_502 : memref<128x32xf32, #tpu.memory_space<vmem>>) offsets(%dma_start3A_505 : memref<128xi32, #tpu.memory_space<vmem>>) semaphore(%arg11 : memref<!tpu.dma_semaphore, #tpu.memory_space<semaphore_mem>>)
        %add3A_509 = arith.constant 5 : i32
        %add3A_510 = arith.addi %mul3A_443, %add3A_509 : i32
        %dma_start3A_511 = arith.constant 5 : i32
        %dma_start3A_512 = arith.constant 0 : i32
        %dma_start3A_513 = arith.constant 0 : i32
        %dma_start3A_514 = tpu.memref_slice %arg9[%sub3A_441, %dma_start3A_511, %dma_start3A_512, %dma_start3A_513] : memref<2x8x128x32xf32, #tpu.memory_space<vmem>> -> memref<1x1x128x32xf32, #tpu.memory_space<vmem>>
        %dma_start3A_515 = tpu.memref_squeeze %dma_start3A_514 : memref<1x1x128x32xf32, #tpu.memory_space<vmem>> -> memref<128x32xf32, #tpu.memory_space<vmem>>
        %dma_start3A_516 = arith.constant 0 : i32
        %dma_start3A_517 = tpu.memref_slice %arg7[%add3A_510, %dma_start3A_516] : memref<80x128xi32, #tpu.memory_space<vmem>> -> memref<1x128xi32, #tpu.memory_space<vmem>>
        %dma_start3A_518 = tpu.memref_squeeze %dma_start3A_517 : memref<1x128xi32, #tpu.memory_space<vmem>> -> memref<128xi32, #tpu.memory_space<vmem>>
        %dma_start3A_519 = arith.constant 0 : i32
        %dma_start3A_520 = arith.constant 0 : i32
        %dma_start3A_521 = tpu.memref_slice %arg2[%dma_start3A_519, %dma_start3A_520] : memref<10000x32xf32, #tpu.memory_space<hbm>> -> memref<10000x32xf32, #tpu.memory_space<hbm>>
        tpu.enqueue_indirect_dma source(%dma_start3A_521 : memref<10000x32xf32, #tpu.memory_space<hbm>>) target(%dma_start3A_515 : memref<128x32xf32, #tpu.memory_space<vmem>>) offsets(%dma_start3A_518 : memref<128xi32, #tpu.memory_space<vmem>>) semaphore(%arg11 : memref<!tpu.dma_semaphore, #tpu.memory_space<semaphore_mem>>)
        %add3A_522 = arith.constant 6 : i32
        %add3A_523 = arith.addi %mul3A_443, %add3A_522 : i32
        %dma_start3A_524 = arith.constant 6 : i32
        %dma_start3A_525 = arith.constant 0 : i32
        %dma_start3A_526 = arith.constant 0 : i32
        %dma_start3A_527 = tpu.memref_slice %arg9[%sub3A_441, %dma_start3A_524, %dma_start3A_525, %dma_start3A_526] : memref<2x8x128x32xf32, #tpu.memory_space<vmem>> -> memref<1x1x128x32xf32, #tpu.memory_space<vmem>>
        %dma_start3A_528 = tpu.memref_squeeze %dma_start3A_527 : memref<1x1x128x32xf32, #tpu.memory_space<vmem>> -> memref<128x32xf32, #tpu.memory_space<vmem>>
        %dma_start3A_529 = arith.constant 0 : i32
        %dma_start3A_530 = tpu.memref_slice %arg7[%add3A_523, %dma_start3A_529] : memref<80x128xi32, #tpu.memory_space<vmem>> -> memref<1x128xi32, #tpu.memory_space<vmem>>
        %dma_start3A_531 = tpu.memref_squeeze %dma_start3A_530 : memref<1x128xi32, #tpu.memory_space<vmem>> -> memref<128xi32, #tpu.memory_space<vmem>>
        %dma_start3A_532 = arith.constant 0 : i32
        %dma_start3A_533 = arith.constant 0 : i32
        %dma_start3A_534 = tpu.memref_slice %arg2[%dma_start3A_532, %dma_start3A_533] : memref<10000x32xf32, #tpu.memory_space<hbm>> -> memref<10000x32xf32, #tpu.memory_space<hbm>>
        tpu.enqueue_indirect_dma source(%dma_start3A_534 : memref<10000x32xf32, #tpu.memory_space<hbm>>) target(%dma_start3A_528 : memref<128x32xf32, #tpu.memory_space<vmem>>) offsets(%dma_start3A_531 : memref<128xi32, #tpu.memory_space<vmem>>) semaphore(%arg11 : memref<!tpu.dma_semaphore, #tpu.memory_space<semaphore_mem>>)
        %add3A_535 = arith.constant 7 : i32
        %add3A_536 = arith.addi %mul3A_443, %add3A_535 : i32
        %dma_start3A_537 = arith.constant 7 : i32
        %dma_start3A_538 = arith.constant 0 : i32
        %dma_start3A_539 = arith.constant 0 : i32
        %dma_start3A_540 = tpu.memref_slice %arg9[%sub3A_441, %dma_start3A_537, %dma_start3A_538, %dma_start3A_539] : memref<2x8x128x32xf32, #tpu.memory_space<vmem>> -> memref<1x1x128x32xf32, #tpu.memory_space<vmem>>
        %dma_start3A_541 = tpu.memref_squeeze %dma_start3A_540 : memref<1x1x128x32xf32, #tpu.memory_space<vmem>> -> memref<128x32xf32, #tpu.memory_space<vmem>>
        %dma_start3A_542 = arith.constant 0 : i32
        %dma_start3A_543 = tpu.memref_slice %arg7[%add3A_536, %dma_start3A_542] : memref<80x128xi32, #tpu.memory_space<vmem>> -> memref<1x128xi32, #tpu.memory_space<vmem>>
        %dma_start3A_544 = tpu.memref_squeeze %dma_start3A_543 : memref<1x128xi32, #tpu.memory_space<vmem>> -> memref<128xi32, #tpu.memory_space<vmem>>
        %dma_start3A_545 = arith.constant 0 : i32
        %dma_start3A_546 = arith.constant 0 : i32
        %dma_start3A_547 = tpu.memref_slice %arg2[%dma_start3A_545, %dma_start3A_546] : memref<10000x32xf32, #tpu.memory_space<hbm>> -> memref<10000x32xf32, #tpu.memory_space<hbm>>
        tpu.enqueue_indirect_dma source(%dma_start3A_547 : memref<10000x32xf32, #tpu.memory_space<hbm>>) target(%dma_start3A_541 : memref<128x32xf32, #tpu.memory_space<vmem>>) offsets(%dma_start3A_544 : memref<128xi32, #tpu.memory_space<vmem>>) semaphore(%arg11 : memref<!tpu.dma_semaphore, #tpu.memory_space<semaphore_mem>>)
      } else {
      }
      %mul3A_227 = arith.constant 8 : i32
      %mul3A_228 = arith.muli %add3A_216, %mul3A_227 : i32
      %add3A_229 = arith.constant 0 : i32
      %add3A_230 = arith.addi %mul3A_228, %add3A_229 : i32
      %dma_wait3A_231 = arith.constant 0 : i32
      %dma_wait3A_232 = arith.constant 0 : i32
      %dma_wait3A_233 = arith.constant 0 : i32
      %dma_wait3A_234 = tpu.memref_slice %arg9[%rem3A_218, %dma_wait3A_231, %dma_wait3A_232, %dma_wait3A_233] : memref<2x8x128x32xf32, #tpu.memory_space<vmem>> -> memref<1x1x128x32xf32, #tpu.memory_space<vmem>>
      %dma_wait3A_235 = tpu.memref_squeeze %dma_wait3A_234 : memref<1x1x128x32xf32, #tpu.memory_space<vmem>> -> memref<128x32xf32, #tpu.memory_space<vmem>>
      %dma_wait3A_236 = arith.constant 0 : i32
      %dma_wait3A_237 = tpu.memref_slice %arg7[%add3A_230, %dma_wait3A_236] : memref<80x128xi32, #tpu.memory_space<vmem>> -> memref<1x128xi32, #tpu.memory_space<vmem>>
      %dma_wait3A_238 = tpu.memref_squeeze %dma_wait3A_237 : memref<1x128xi32, #tpu.memory_space<vmem>> -> memref<128xi32, #tpu.memory_space<vmem>>
      %dma_wait3A_239 = arith.constant 0 : i32
      %dma_wait3A_240 = arith.constant 0 : i32
      %dma_wait3A_241 = tpu.memref_slice %arg2[%dma_wait3A_239, %dma_wait3A_240] : memref<10000x32xf32, #tpu.memory_space<hbm>> -> memref<10000x32xf32, #tpu.memory_space<hbm>>
      tpu.wait_indirect_dma semaphore(%arg11 : memref<!tpu.dma_semaphore, #tpu.memory_space<semaphore_mem>>) src(%dma_wait3A_241 : memref<10000x32xf32, #tpu.memory_space<hbm>>) dst(%dma_wait3A_235 : memref<128x32xf32, #tpu.memory_space<vmem>>)
      %add3A_242 = arith.constant 1 : i32
      %add3A_243 = arith.addi %mul3A_228, %add3A_242 : i32
      %dma_wait3A_244 = arith.constant 1 : i32
      %dma_wait3A_245 = arith.constant 0 : i32
      %dma_wait3A_246 = arith.constant 0 : i32
      %dma_wait3A_247 = tpu.memref_slice %arg9[%rem3A_218, %dma_wait3A_244, %dma_wait3A_245, %dma_wait3A_246] : memref<2x8x128x32xf32, #tpu.memory_space<vmem>> -> memref<1x1x128x32xf32, #tpu.memory_space<vmem>>
      %dma_wait3A_248 = tpu.memref_squeeze %dma_wait3A_247 : memref<1x1x128x32xf32, #tpu.memory_space<vmem>> -> memref<128x32xf32, #tpu.memory_space<vmem>>
      %dma_wait3A_249 = arith.constant 0 : i32
      %dma_wait3A_250 = tpu.memref_slice %arg7[%add3A_243, %dma_wait3A_249] : memref<80x128xi32, #tpu.memory_space<vmem>> -> memref<1x128xi32, #tpu.memory_space<vmem>>
      %dma_wait3A_251 = tpu.memref_squeeze %dma_wait3A_250 : memref<1x128xi32, #tpu.memory_space<vmem>> -> memref<128xi32, #tpu.memory_space<vmem>>
      %dma_wait3A_252 = arith.constant 0 : i32
      %dma_wait3A_253 = arith.constant 0 : i32
      %dma_wait3A_254 = tpu.memref_slice %arg2[%dma_wait3A_252, %dma_wait3A_253] : memref<10000x32xf32, #tpu.memory_space<hbm>> -> memref<10000x32xf32, #tpu.memory_space<hbm>>
      tpu.wait_indirect_dma semaphore(%arg11 : memref<!tpu.dma_semaphore, #tpu.memory_space<semaphore_mem>>) src(%dma_wait3A_254 : memref<10000x32xf32, #tpu.memory_space<hbm>>) dst(%dma_wait3A_248 : memref<128x32xf32, #tpu.memory_space<vmem>>)
      %add3A_255 = arith.constant 2 : i32
      %add3A_256 = arith.addi %mul3A_228, %add3A_255 : i32
      %dma_wait3A_257 = arith.constant 2 : i32
      %dma_wait3A_258 = arith.constant 0 : i32
      %dma_wait3A_259 = arith.constant 0 : i32
      %dma_wait3A_260 = tpu.memref_slice %arg9[%rem3A_218, %dma_wait3A_257, %dma_wait3A_258, %dma_wait3A_259] : memref<2x8x128x32xf32, #tpu.memory_space<vmem>> -> memref<1x1x128x32xf32, #tpu.memory_space<vmem>>
      %dma_wait3A_261 = tpu.memref_squeeze %dma_wait3A_260 : memref<1x1x128x32xf32, #tpu.memory_space<vmem>> -> memref<128x32xf32, #tpu.memory_space<vmem>>
      %dma_wait3A_262 = arith.constant 0 : i32
      %dma_wait3A_263 = tpu.memref_slice %arg7[%add3A_256, %dma_wait3A_262] : memref<80x128xi32, #tpu.memory_space<vmem>> -> memref<1x128xi32, #tpu.memory_space<vmem>>
      %dma_wait3A_264 = tpu.memref_squeeze %dma_wait3A_263 : memref<1x128xi32, #tpu.memory_space<vmem>> -> memref<128xi32, #tpu.memory_space<vmem>>
      %dma_wait3A_265 = arith.constant 0 : i32
      %dma_wait3A_266 = arith.constant 0 : i32
      %dma_wait3A_267 = tpu.memref_slice %arg2[%dma_wait3A_265, %dma_wait3A_266] : memref<10000x32xf32, #tpu.memory_space<hbm>> -> memref<10000x32xf32, #tpu.memory_space<hbm>>
      tpu.wait_indirect_dma semaphore(%arg11 : memref<!tpu.dma_semaphore, #tpu.memory_space<semaphore_mem>>) src(%dma_wait3A_267 : memref<10000x32xf32, #tpu.memory_space<hbm>>) dst(%dma_wait3A_261 : memref<128x32xf32, #tpu.memory_space<vmem>>)
      %add3A_268 = arith.constant 3 : i32
      %add3A_269 = arith.addi %mul3A_228, %add3A_268 : i32
      %dma_wait3A_270 = arith.constant 3 : i32
      %dma_wait3A_271 = arith.constant 0 : i32
      %dma_wait3A_272 = arith.constant 0 : i32
      %dma_wait3A_273 = tpu.memref_slice %arg9[%rem3A_218, %dma_wait3A_270, %dma_wait3A_271, %dma_wait3A_272] : memref<2x8x128x32xf32, #tpu.memory_space<vmem>> -> memref<1x1x128x32xf32, #tpu.memory_space<vmem>>
      %dma_wait3A_274 = tpu.memref_squeeze %dma_wait3A_273 : memref<1x1x128x32xf32, #tpu.memory_space<vmem>> -> memref<128x32xf32, #tpu.memory_space<vmem>>
      %dma_wait3A_275 = arith.constant 0 : i32
      %dma_wait3A_276 = tpu.memref_slice %arg7[%add3A_269, %dma_wait3A_275] : memref<80x128xi32, #tpu.memory_space<vmem>> -> memref<1x128xi32, #tpu.memory_space<vmem>>
      %dma_wait3A_277 = tpu.memref_squeeze %dma_wait3A_276 : memref<1x128xi32, #tpu.memory_space<vmem>> -> memref<128xi32, #tpu.memory_space<vmem>>
      %dma_wait3A_278 = arith.constant 0 : i32
      %dma_wait3A_279 = arith.constant 0 : i32
      %dma_wait3A_280 = tpu.memref_slice %arg2[%dma_wait3A_278, %dma_wait3A_279] : memref<10000x32xf32, #tpu.memory_space<hbm>> -> memref<10000x32xf32, #tpu.memory_space<hbm>>
      tpu.wait_indirect_dma semaphore(%arg11 : memref<!tpu.dma_semaphore, #tpu.memory_space<semaphore_mem>>) src(%dma_wait3A_280 : memref<10000x32xf32, #tpu.memory_space<hbm>>) dst(%dma_wait3A_274 : memref<128x32xf32, #tpu.memory_space<vmem>>)
      %add3A_281 = arith.constant 4 : i32
      %add3A_282 = arith.addi %mul3A_228, %add3A_281 : i32
      %dma_wait3A_283 = arith.constant 4 : i32
      %dma_wait3A_284 = arith.constant 0 : i32
      %dma_wait3A_285 = arith.constant 0 : i32
      %dma_wait3A_286 = tpu.memref_slice %arg9[%rem3A_218, %dma_wait3A_283, %dma_wait3A_284, %dma_wait3A_285] : memref<2x8x128x32xf32, #tpu.memory_space<vmem>> -> memref<1x1x128x32xf32, #tpu.memory_space<vmem>>
      %dma_wait3A_287 = tpu.memref_squeeze %dma_wait3A_286 : memref<1x1x128x32xf32, #tpu.memory_space<vmem>> -> memref<128x32xf32, #tpu.memory_space<vmem>>
      %dma_wait3A_288 = arith.constant 0 : i32
      %dma_wait3A_289 = tpu.memref_slice %arg7[%add3A_282, %dma_wait3A_288] : memref<80x128xi32, #tpu.memory_space<vmem>> -> memref<1x128xi32, #tpu.memory_space<vmem>>
      %dma_wait3A_290 = tpu.memref_squeeze %dma_wait3A_289 : memref<1x128xi32, #tpu.memory_space<vmem>> -> memref<128xi32, #tpu.memory_space<vmem>>
      %dma_wait3A_291 = arith.constant 0 : i32
      %dma_wait3A_292 = arith.constant 0 : i32
      %dma_wait3A_293 = tpu.memref_slice %arg2[%dma_wait3A_291, %dma_wait3A_292] : memref<10000x32xf32, #tpu.memory_space<hbm>> -> memref<10000x32xf32, #tpu.memory_space<hbm>>
      tpu.wait_indirect_dma semaphore(%arg11 : memref<!tpu.dma_semaphore, #tpu.memory_space<semaphore_mem>>) src(%dma_wait3A_293 : memref<10000x32xf32, #tpu.memory_space<hbm>>) dst(%dma_wait3A_287 : memref<128x32xf32, #tpu.memory_space<vmem>>)
      %add3A_294 = arith.constant 5 : i32
      %add3A_295 = arith.addi %mul3A_228, %add3A_294 : i32
      %dma_wait3A_296 = arith.constant 5 : i32
      %dma_wait3A_297 = arith.constant 0 : i32
      %dma_wait3A_298 = arith.constant 0 : i32
      %dma_wait3A_299 = tpu.memref_slice %arg9[%rem3A_218, %dma_wait3A_296, %dma_wait3A_297, %dma_wait3A_298] : memref<2x8x128x32xf32, #tpu.memory_space<vmem>> -> memref<1x1x128x32xf32, #tpu.memory_space<vmem>>
      %dma_wait3A_300 = tpu.memref_squeeze %dma_wait3A_299 : memref<1x1x128x32xf32, #tpu.memory_space<vmem>> -> memref<128x32xf32, #tpu.memory_space<vmem>>
      %dma_wait3A_301 = arith.constant 0 : i32
      %dma_wait3A_302 = tpu.memref_slice %arg7[%add3A_295, %dma_wait3A_301] : memref<80x128xi32, #tpu.memory_space<vmem>> -> memref<1x128xi32, #tpu.memory_space<vmem>>
      %dma_wait3A_303 = tpu.memref_squeeze %dma_wait3A_302 : memref<1x128xi32, #tpu.memory_space<vmem>> -> memref<128xi32, #tpu.memory_space<vmem>>
      %dma_wait3A_304 = arith.constant 0 : i32
      %dma_wait3A_305 = arith.constant 0 : i32
      %dma_wait3A_306 = tpu.memref_slice %arg2[%dma_wait3A_304, %dma_wait3A_305] : memref<10000x32xf32, #tpu.memory_space<hbm>> -> memref<10000x32xf32, #tpu.memory_space<hbm>>
      tpu.wait_indirect_dma semaphore(%arg11 : memref<!tpu.dma_semaphore, #tpu.memory_space<semaphore_mem>>) src(%dma_wait3A_306 : memref<10000x32xf32, #tpu.memory_space<hbm>>) dst(%dma_wait3A_300 : memref<128x32xf32, #tpu.memory_space<vmem>>)
      %add3A_307 = arith.constant 6 : i32
      %add3A_308 = arith.addi %mul3A_228, %add3A_307 : i32
      %dma_wait3A_309 = arith.constant 6 : i32
      %dma_wait3A_310 = arith.constant 0 : i32
      %dma_wait3A_311 = arith.constant 0 : i32
      %dma_wait3A_312 = tpu.memref_slice %arg9[%rem3A_218, %dma_wait3A_309, %dma_wait3A_310, %dma_wait3A_311] : memref<2x8x128x32xf32, #tpu.memory_space<vmem>> -> memref<1x1x128x32xf32, #tpu.memory_space<vmem>>
      %dma_wait3A_313 = tpu.memref_squeeze %dma_wait3A_312 : memref<1x1x128x32xf32, #tpu.memory_space<vmem>> -> memref<128x32xf32, #tpu.memory_space<vmem>>
      %dma_wait3A_314 = arith.constant 0 : i32
      %dma_wait3A_315 = tpu.memref_slice %arg7[%add3A_308, %dma_wait3A_314] : memref<80x128xi32, #tpu.memory_space<vmem>> -> memref<1x128xi32, #tpu.memory_space<vmem>>
      %dma_wait3A_316 = tpu.memref_squeeze %dma_wait3A_315 : memref<1x128xi32, #tpu.memory_space<vmem>> -> memref<128xi32, #tpu.memory_space<vmem>>
      %dma_wait3A_317 = arith.constant 0 : i32
      %dma_wait3A_318 = arith.constant 0 : i32
      %dma_wait3A_319 = tpu.memref_slice %arg2[%dma_wait3A_317, %dma_wait3A_318] : memref<10000x32xf32, #tpu.memory_space<hbm>> -> memref<10000x32xf32, #tpu.memory_space<hbm>>
      tpu.wait_indirect_dma semaphore(%arg11 : memref<!tpu.dma_semaphore, #tpu.memory_space<semaphore_mem>>) src(%dma_wait3A_319 : memref<10000x32xf32, #tpu.memory_space<hbm>>) dst(%dma_wait3A_313 : memref<128x32xf32, #tpu.memory_space<vmem>>)
      %add3A_320 = arith.constant 7 : i32
      %add3A_321 = arith.addi %mul3A_228, %add3A_320 : i32
      %dma_wait3A_322 = arith.constant 7 : i32
      %dma_wait3A_323 = arith.constant 0 : i32
      %dma_wait3A_324 = arith.constant 0 : i32
      %dma_wait3A_325 = tpu.memref_slice %arg9[%rem3A_218, %dma_wait3A_322, %dma_wait3A_323, %dma_wait3A_324] : memref<2x8x128x32xf32, #tpu.memory_space<vmem>> -> memref<1x1x128x32xf32, #tpu.memory_space<vmem>>
      %dma_wait3A_326 = tpu.memref_squeeze %dma_wait3A_325 : memref<1x1x128x32xf32, #tpu.memory_space<vmem>> -> memref<128x32xf32, #tpu.memory_space<vmem>>
      %dma_wait3A_327 = arith.constant 0 : i32
      %dma_wait3A_328 = tpu.memref_slice %arg7[%add3A_321, %dma_wait3A_327] : memref<80x128xi32, #tpu.memory_space<vmem>> -> memref<1x128xi32, #tpu.memory_space<vmem>>
      %dma_wait3A_329 = tpu.memref_squeeze %dma_wait3A_328 : memref<1x128xi32, #tpu.memory_space<vmem>> -> memref<128xi32, #tpu.memory_space<vmem>>
      %dma_wait3A_330 = arith.constant 0 : i32
      %dma_wait3A_331 = arith.constant 0 : i32
      %dma_wait3A_332 = tpu.memref_slice %arg2[%dma_wait3A_330, %dma_wait3A_331] : memref<10000x32xf32, #tpu.memory_space<hbm>> -> memref<10000x32xf32, #tpu.memory_space<hbm>>
      tpu.wait_indirect_dma semaphore(%arg11 : memref<!tpu.dma_semaphore, #tpu.memory_space<semaphore_mem>>) src(%dma_wait3A_332 : memref<10000x32xf32, #tpu.memory_space<hbm>>) dst(%dma_wait3A_326 : memref<128x32xf32, #tpu.memory_space<vmem>>)
      %mul3A_333 = arith.constant 8 : i32
      %mul3A_334 = arith.muli %add3A_216, %mul3A_333 : i32
      %add3A_335 = arith.constant 0 : i32
      %add3A_336 = arith.addi %mul3A_334, %add3A_335 : i32
      %dma_start3A_337 = arith.constant 0 : i32
      %dma_start3A_338 = arith.constant 0 : i32
      %dma_start3A_339 = arith.constant 0 : i32
      %dma_start3A_340 = tpu.memref_slice %arg9[%rem3A_218, %dma_start3A_337, %dma_start3A_338, %dma_start3A_339] : memref<2x8x128x32xf32, #tpu.memory_space<vmem>> -> memref<1x1x128x32xf32, #tpu.memory_space<vmem>>
      %dma_start3A_341 = tpu.memref_squeeze %dma_start3A_340 : memref<1x1x128x32xf32, #tpu.memory_space<vmem>> -> memref<128x32xf32, #tpu.memory_space<vmem>>
      %dma_start3A_342 = arith.constant 0 : i32
      %dma_start3A_343 = tpu.memref_slice %arg8[%add3A_336, %dma_start3A_342] : memref<80x128xi32, #tpu.memory_space<vmem>> -> memref<1x128xi32, #tpu.memory_space<vmem>>
      %dma_start3A_344 = tpu.memref_squeeze %dma_start3A_343 : memref<1x128xi32, #tpu.memory_space<vmem>> -> memref<128xi32, #tpu.memory_space<vmem>>
      %dma_start3A_345 = arith.constant 0 : i32
      %dma_start3A_346 = arith.constant 0 : i32
      %dma_start3A_347 = tpu.memref_slice %arg10[%dma_start3A_345, %dma_start3A_346] : memref<10112x32xf32, #tpu.memory_space<vmem_shared>> -> memref<10112x32xf32, #tpu.memory_space<vmem_shared>>
      tpu.enqueue_indirect_dma source(%dma_start3A_341 : memref<128x32xf32, #tpu.memory_space<vmem>>) target(%dma_start3A_347 : memref<10112x32xf32, #tpu.memory_space<vmem_shared>>) offsets(%dma_start3A_344 : memref<128xi32, #tpu.memory_space<vmem>>) semaphore(%arg12 : memref<!tpu.dma_semaphore, #tpu.memory_space<semaphore_mem>>) {add = true}
      %add3A_348 = arith.constant 1 : i32
      %add3A_349 = arith.addi %mul3A_334, %add3A_348 : i32
      %dma_start3A_350 = arith.constant 1 : i32
      %dma_start3A_351 = arith.constant 0 : i32
      %dma_start3A_352 = arith.constant 0 : i32
      %dma_start3A_353 = tpu.memref_slice %arg9[%rem3A_218, %dma_start3A_350, %dma_start3A_351, %dma_start3A_352] : memref<2x8x128x32xf32, #tpu.memory_space<vmem>> -> memref<1x1x128x32xf32, #tpu.memory_space<vmem>>
      %dma_start3A_354 = tpu.memref_squeeze %dma_start3A_353 : memref<1x1x128x32xf32, #tpu.memory_space<vmem>> -> memref<128x32xf32, #tpu.memory_space<vmem>>
      %dma_start3A_355 = arith.constant 0 : i32
      %dma_start3A_356 = tpu.memref_slice %arg8[%add3A_349, %dma_start3A_355] : memref<80x128xi32, #tpu.memory_space<vmem>> -> memref<1x128xi32, #tpu.memory_space<vmem>>
      %dma_start3A_357 = tpu.memref_squeeze %dma_start3A_356 : memref<1x128xi32, #tpu.memory_space<vmem>> -> memref<128xi32, #tpu.memory_space<vmem>>
      %dma_start3A_358 = arith.constant 0 : i32
      %dma_start3A_359 = arith.constant 0 : i32
      %dma_start3A_360 = tpu.memref_slice %arg10[%dma_start3A_358, %dma_start3A_359] : memref<10112x32xf32, #tpu.memory_space<vmem_shared>> -> memref<10112x32xf32, #tpu.memory_space<vmem_shared>>
      tpu.enqueue_indirect_dma source(%dma_start3A_354 : memref<128x32xf32, #tpu.memory_space<vmem>>) target(%dma_start3A_360 : memref<10112x32xf32, #tpu.memory_space<vmem_shared>>) offsets(%dma_start3A_357 : memref<128xi32, #tpu.memory_space<vmem>>) semaphore(%arg12 : memref<!tpu.dma_semaphore, #tpu.memory_space<semaphore_mem>>) {add = true}
      %add3A_361 = arith.constant 2 : i32
      %add3A_362 = arith.addi %mul3A_334, %add3A_361 : i32
      %dma_start3A_363 = arith.constant 2 : i32
      %dma_start3A_364 = arith.constant 0 : i32
      %dma_start3A_365 = arith.constant 0 : i32
      %dma_start3A_366 = tpu.memref_slice %arg9[%rem3A_218, %dma_start3A_363, %dma_start3A_364, %dma_start3A_365] : memref<2x8x128x32xf32, #tpu.memory_space<vmem>> -> memref<1x1x128x32xf32, #tpu.memory_space<vmem>>
      %dma_start3A_367 = tpu.memref_squeeze %dma_start3A_366 : memref<1x1x128x32xf32, #tpu.memory_space<vmem>> -> memref<128x32xf32, #tpu.memory_space<vmem>>
      %dma_start3A_368 = arith.constant 0 : i32
      %dma_start3A_369 = tpu.memref_slice %arg8[%add3A_362, %dma_start3A_368] : memref<80x128xi32, #tpu.memory_space<vmem>> -> memref<1x128xi32, #tpu.memory_space<vmem>>
      %dma_start3A_370 = tpu.memref_squeeze %dma_start3A_369 : memref<1x128xi32, #tpu.memory_space<vmem>> -> memref<128xi32, #tpu.memory_space<vmem>>
      %dma_start3A_371 = arith.constant 0 : i32
      %dma_start3A_372 = arith.constant 0 : i32
      %dma_start3A_373 = tpu.memref_slice %arg10[%dma_start3A_371, %dma_start3A_372] : memref<10112x32xf32, #tpu.memory_space<vmem_shared>> -> memref<10112x32xf32, #tpu.memory_space<vmem_shared>>
      tpu.enqueue_indirect_dma source(%dma_start3A_367 : memref<128x32xf32, #tpu.memory_space<vmem>>) target(%dma_start3A_373 : memref<10112x32xf32, #tpu.memory_space<vmem_shared>>) offsets(%dma_start3A_370 : memref<128xi32, #tpu.memory_space<vmem>>) semaphore(%arg12 : memref<!tpu.dma_semaphore, #tpu.memory_space<semaphore_mem>>) {add = true}
      %add3A_374 = arith.constant 3 : i32
      %add3A_375 = arith.addi %mul3A_334, %add3A_374 : i32
      %dma_start3A_376 = arith.constant 3 : i32
      %dma_start3A_377 = arith.constant 0 : i32
      %dma_start3A_378 = arith.constant 0 : i32
      %dma_start3A_379 = tpu.memref_slice %arg9[%rem3A_218, %dma_start3A_376, %dma_start3A_377, %dma_start3A_378] : memref<2x8x128x32xf32, #tpu.memory_space<vmem>> -> memref<1x1x128x32xf32, #tpu.memory_space<vmem>>
      %dma_start3A_380 = tpu.memref_squeeze %dma_start3A_379 : memref<1x1x128x32xf32, #tpu.memory_space<vmem>> -> memref<128x32xf32, #tpu.memory_space<vmem>>
      %dma_start3A_381 = arith.constant 0 : i32
      %dma_start3A_382 = tpu.memref_slice %arg8[%add3A_375, %dma_start3A_381] : memref<80x128xi32, #tpu.memory_space<vmem>> -> memref<1x128xi32, #tpu.memory_space<vmem>>
      %dma_start3A_383 = tpu.memref_squeeze %dma_start3A_382 : memref<1x128xi32, #tpu.memory_space<vmem>> -> memref<128xi32, #tpu.memory_space<vmem>>
      %dma_start3A_384 = arith.constant 0 : i32
      %dma_start3A_385 = arith.constant 0 : i32
      %dma_start3A_386 = tpu.memref_slice %arg10[%dma_start3A_384, %dma_start3A_385] : memref<10112x32xf32, #tpu.memory_space<vmem_shared>> -> memref<10112x32xf32, #tpu.memory_space<vmem_shared>>
      tpu.enqueue_indirect_dma source(%dma_start3A_380 : memref<128x32xf32, #tpu.memory_space<vmem>>) target(%dma_start3A_386 : memref<10112x32xf32, #tpu.memory_space<vmem_shared>>) offsets(%dma_start3A_383 : memref<128xi32, #tpu.memory_space<vmem>>) semaphore(%arg12 : memref<!tpu.dma_semaphore, #tpu.memory_space<semaphore_mem>>) {add = true}
      %add3A_387 = arith.constant 4 : i32
      %add3A_388 = arith.addi %mul3A_334, %add3A_387 : i32
      %dma_start3A_389 = arith.constant 4 : i32
      %dma_start3A_390 = arith.constant 0 : i32
      %dma_start3A_391 = arith.constant 0 : i32
      %dma_start3A_392 = tpu.memref_slice %arg9[%rem3A_218, %dma_start3A_389, %dma_start3A_390, %dma_start3A_391] : memref<2x8x128x32xf32, #tpu.memory_space<vmem>> -> memref<1x1x128x32xf32, #tpu.memory_space<vmem>>
      %dma_start3A_393 = tpu.memref_squeeze %dma_start3A_392 : memref<1x1x128x32xf32, #tpu.memory_space<vmem>> -> memref<128x32xf32, #tpu.memory_space<vmem>>
      %dma_start3A_394 = arith.constant 0 : i32
      %dma_start3A_395 = tpu.memref_slice %arg8[%add3A_388, %dma_start3A_394] : memref<80x128xi32, #tpu.memory_space<vmem>> -> memref<1x128xi32, #tpu.memory_space<vmem>>
      %dma_start3A_396 = tpu.memref_squeeze %dma_start3A_395 : memref<1x128xi32, #tpu.memory_space<vmem>> -> memref<128xi32, #tpu.memory_space<vmem>>
      %dma_start3A_397 = arith.constant 0 : i32
      %dma_start3A_398 = arith.constant 0 : i32
      %dma_start3A_399 = tpu.memref_slice %arg10[%dma_start3A_397, %dma_start3A_398] : memref<10112x32xf32, #tpu.memory_space<vmem_shared>> -> memref<10112x32xf32, #tpu.memory_space<vmem_shared>>
      tpu.enqueue_indirect_dma source(%dma_start3A_393 : memref<128x32xf32, #tpu.memory_space<vmem>>) target(%dma_start3A_399 : memref<10112x32xf32, #tpu.memory_space<vmem_shared>>) offsets(%dma_start3A_396 : memref<128xi32, #tpu.memory_space<vmem>>) semaphore(%arg12 : memref<!tpu.dma_semaphore, #tpu.memory_space<semaphore_mem>>) {add = true}
      %add3A_400 = arith.constant 5 : i32
      %add3A_401 = arith.addi %mul3A_334, %add3A_400 : i32
      %dma_start3A_402 = arith.constant 5 : i32
      %dma_start3A_403 = arith.constant 0 : i32
      %dma_start3A_404 = arith.constant 0 : i32
      %dma_start3A_405 = tpu.memref_slice %arg9[%rem3A_218, %dma_start3A_402, %dma_start3A_403, %dma_start3A_404] : memref<2x8x128x32xf32, #tpu.memory_space<vmem>> -> memref<1x1x128x32xf32, #tpu.memory_space<vmem>>
      %dma_start3A_406 = tpu.memref_squeeze %dma_start3A_405 : memref<1x1x128x32xf32, #tpu.memory_space<vmem>> -> memref<128x32xf32, #tpu.memory_space<vmem>>
      %dma_start3A_407 = arith.constant 0 : i32
      %dma_start3A_408 = tpu.memref_slice %arg8[%add3A_401, %dma_start3A_407] : memref<80x128xi32, #tpu.memory_space<vmem>> -> memref<1x128xi32, #tpu.memory_space<vmem>>
      %dma_start3A_409 = tpu.memref_squeeze %dma_start3A_408 : memref<1x128xi32, #tpu.memory_space<vmem>> -> memref<128xi32, #tpu.memory_space<vmem>>
      %dma_start3A_410 = arith.constant 0 : i32
      %dma_start3A_411 = arith.constant 0 : i32
      %dma_start3A_412 = tpu.memref_slice %arg10[%dma_start3A_410, %dma_start3A_411] : memref<10112x32xf32, #tpu.memory_space<vmem_shared>> -> memref<10112x32xf32, #tpu.memory_space<vmem_shared>>
      tpu.enqueue_indirect_dma source(%dma_start3A_406 : memref<128x32xf32, #tpu.memory_space<vmem>>) target(%dma_start3A_412 : memref<10112x32xf32, #tpu.memory_space<vmem_shared>>) offsets(%dma_start3A_409 : memref<128xi32, #tpu.memory_space<vmem>>) semaphore(%arg12 : memref<!tpu.dma_semaphore, #tpu.memory_space<semaphore_mem>>) {add = true}
      %add3A_413 = arith.constant 6 : i32
      %add3A_414 = arith.addi %mul3A_334, %add3A_413 : i32
      %dma_start3A_415 = arith.constant 6 : i32
      %dma_start3A_416 = arith.constant 0 : i32
      %dma_start3A_417 = arith.constant 0 : i32
      %dma_start3A_418 = tpu.memref_slice %arg9[%rem3A_218, %dma_start3A_415, %dma_start3A_416, %dma_start3A_417] : memref<2x8x128x32xf32, #tpu.memory_space<vmem>> -> memref<1x1x128x32xf32, #tpu.memory_space<vmem>>
      %dma_start3A_419 = tpu.memref_squeeze %dma_start3A_418 : memref<1x1x128x32xf32, #tpu.memory_space<vmem>> -> memref<128x32xf32, #tpu.memory_space<vmem>>
      %dma_start3A_420 = arith.constant 0 : i32
      %dma_start3A_421 = tpu.memref_slice %arg8[%add3A_414, %dma_start3A_420] : memref<80x128xi32, #tpu.memory_space<vmem>> -> memref<1x128xi32, #tpu.memory_space<vmem>>
      %dma_start3A_422 = tpu.memref_squeeze %dma_start3A_421 : memref<1x128xi32, #tpu.memory_space<vmem>> -> memref<128xi32, #tpu.memory_space<vmem>>
      %dma_start3A_423 = arith.constant 0 : i32
      %dma_start3A_424 = arith.constant 0 : i32
      %dma_start3A_425 = tpu.memref_slice %arg10[%dma_start3A_423, %dma_start3A_424] : memref<10112x32xf32, #tpu.memory_space<vmem_shared>> -> memref<10112x32xf32, #tpu.memory_space<vmem_shared>>
      tpu.enqueue_indirect_dma source(%dma_start3A_419 : memref<128x32xf32, #tpu.memory_space<vmem>>) target(%dma_start3A_425 : memref<10112x32xf32, #tpu.memory_space<vmem_shared>>) offsets(%dma_start3A_422 : memref<128xi32, #tpu.memory_space<vmem>>) semaphore(%arg12 : memref<!tpu.dma_semaphore, #tpu.memory_space<semaphore_mem>>) {add = true}
      %add3A_426 = arith.constant 7 : i32
      %add3A_427 = arith.addi %mul3A_334, %add3A_426 : i32
      %dma_start3A_428 = arith.constant 7 : i32
      %dma_start3A_429 = arith.constant 0 : i32
      %dma_start3A_430 = arith.constant 0 : i32
      %dma_start3A_431 = tpu.memref_slice %arg9[%rem3A_218, %dma_start3A_428, %dma_start3A_429, %dma_start3A_430] : memref<2x8x128x32xf32, #tpu.memory_space<vmem>> -> memref<1x1x128x32xf32, #tpu.memory_space<vmem>>
      %dma_start3A_432 = tpu.memref_squeeze %dma_start3A_431 : memref<1x1x128x32xf32, #tpu.memory_space<vmem>> -> memref<128x32xf32, #tpu.memory_space<vmem>>
      %dma_start3A_433 = arith.constant 0 : i32
      %dma_start3A_434 = tpu.memref_slice %arg8[%add3A_427, %dma_start3A_433] : memref<80x128xi32, #tpu.memory_space<vmem>> -> memref<1x128xi32, #tpu.memory_space<vmem>>
      %dma_start3A_435 = tpu.memref_squeeze %dma_start3A_434 : memref<1x128xi32, #tpu.memory_space<vmem>> -> memref<128xi32, #tpu.memory_space<vmem>>
      %dma_start3A_436 = arith.constant 0 : i32
      %dma_start3A_437 = arith.constant 0 : i32
      %dma_start3A_438 = tpu.memref_slice %arg10[%dma_start3A_436, %dma_start3A_437] : memref<10112x32xf32, #tpu.memory_space<vmem_shared>> -> memref<10112x32xf32, #tpu.memory_space<vmem_shared>>
      tpu.enqueue_indirect_dma source(%dma_start3A_432 : memref<128x32xf32, #tpu.memory_space<vmem>>) target(%dma_start3A_438 : memref<10112x32xf32, #tpu.memory_space<vmem_shared>>) offsets(%dma_start3A_435 : memref<128xi32, #tpu.memory_space<vmem>>) semaphore(%arg12 : memref<!tpu.dma_semaphore, #tpu.memory_space<semaphore_mem>>) {add = true}
    }
    %scan3A_109 = arith.constant 10 : i32
    %rem3A = arith.constant 9 : i32
    %rem3A_110 = arith.constant 2 : i32
    %rem3A_111 = arith.remsi %rem3A, %rem3A_110 : i32
    %dma_wait3A = arith.constant 0 : i32
    %dma_wait3A_112 = arith.constant 72 : i32
    %dma_wait3A_113 = arith.constant 0 : i32
    %dma_wait3A_114 = arith.constant 0 : i32
    %dma_wait3A_115 = tpu.memref_slice %arg9[%rem3A_111, %dma_wait3A, %dma_wait3A_113, %dma_wait3A_114] : memref<2x8x128x32xf32, #tpu.memory_space<vmem>> -> memref<1x1x128x32xf32, #tpu.memory_space<vmem>>
    %dma_wait3A_116 = tpu.memref_squeeze %dma_wait3A_115 : memref<1x1x128x32xf32, #tpu.memory_space<vmem>> -> memref<128x32xf32, #tpu.memory_space<vmem>>
    %dma_wait3A_117 = arith.constant 0 : i32
    %dma_wait3A_118 = tpu.memref_slice %arg8[%dma_wait3A_112, %dma_wait3A_117] : memref<80x128xi32, #tpu.memory_space<vmem>> -> memref<1x128xi32, #tpu.memory_space<vmem>>
    %dma_wait3A_119 = tpu.memref_squeeze %dma_wait3A_118 : memref<1x128xi32, #tpu.memory_space<vmem>> -> memref<128xi32, #tpu.memory_space<vmem>>
    %dma_wait3A_120 = arith.constant 0 : i32
    %dma_wait3A_121 = arith.constant 0 : i32
    %dma_wait3A_122 = tpu.memref_slice %arg10[%dma_wait3A_120, %dma_wait3A_121] : memref<10112x32xf32, #tpu.memory_space<vmem_shared>> -> memref<10112x32xf32, #tpu.memory_space<vmem_shared>>
    tpu.wait_indirect_dma semaphore(%arg12 : memref<!tpu.dma_semaphore, #tpu.memory_space<semaphore_mem>>) src(%dma_wait3A_116 : memref<128x32xf32, #tpu.memory_space<vmem>>) dst(%dma_wait3A_122 : memref<10112x32xf32, #tpu.memory_space<vmem_shared>>)
    %dma_wait3A_123 = arith.constant 1 : i32
    %dma_wait3A_124 = arith.constant 73 : i32
    %dma_wait3A_125 = arith.constant 0 : i32
    %dma_wait3A_126 = arith.constant 0 : i32
    %dma_wait3A_127 = tpu.memref_slice %arg9[%rem3A_111, %dma_wait3A_123, %dma_wait3A_125, %dma_wait3A_126] : memref<2x8x128x32xf32, #tpu.memory_space<vmem>> -> memref<1x1x128x32xf32, #tpu.memory_space<vmem>>
    %dma_wait3A_128 = tpu.memref_squeeze %dma_wait3A_127 : memref<1x1x128x32xf32, #tpu.memory_space<vmem>> -> memref<128x32xf32, #tpu.memory_space<vmem>>
    %dma_wait3A_129 = arith.constant 0 : i32
    %dma_wait3A_130 = tpu.memref_slice %arg8[%dma_wait3A_124, %dma_wait3A_129] : memref<80x128xi32, #tpu.memory_space<vmem>> -> memref<1x128xi32, #tpu.memory_space<vmem>>
    %dma_wait3A_131 = tpu.memref_squeeze %dma_wait3A_130 : memref<1x128xi32, #tpu.memory_space<vmem>> -> memref<128xi32, #tpu.memory_space<vmem>>
    %dma_wait3A_132 = arith.constant 0 : i32
    %dma_wait3A_133 = arith.constant 0 : i32
    %dma_wait3A_134 = tpu.memref_slice %arg10[%dma_wait3A_132, %dma_wait3A_133] : memref<10112x32xf32, #tpu.memory_space<vmem_shared>> -> memref<10112x32xf32, #tpu.memory_space<vmem_shared>>
    tpu.wait_indirect_dma semaphore(%arg12 : memref<!tpu.dma_semaphore, #tpu.memory_space<semaphore_mem>>) src(%dma_wait3A_128 : memref<128x32xf32, #tpu.memory_space<vmem>>) dst(%dma_wait3A_134 : memref<10112x32xf32, #tpu.memory_space<vmem_shared>>)
    %dma_wait3A_135 = arith.constant 2 : i32
    %dma_wait3A_136 = arith.constant 74 : i32
    %dma_wait3A_137 = arith.constant 0 : i32
    %dma_wait3A_138 = arith.constant 0 : i32
    %dma_wait3A_139 = tpu.memref_slice %arg9[%rem3A_111, %dma_wait3A_135, %dma_wait3A_137, %dma_wait3A_138] : memref<2x8x128x32xf32, #tpu.memory_space<vmem>> -> memref<1x1x128x32xf32, #tpu.memory_space<vmem>>
    %dma_wait3A_140 = tpu.memref_squeeze %dma_wait3A_139 : memref<1x1x128x32xf32, #tpu.memory_space<vmem>> -> memref<128x32xf32, #tpu.memory_space<vmem>>
    %dma_wait3A_141 = arith.constant 0 : i32
    %dma_wait3A_142 = tpu.memref_slice %arg8[%dma_wait3A_136, %dma_wait3A_141] : memref<80x128xi32, #tpu.memory_space<vmem>> -> memref<1x128xi32, #tpu.memory_space<vmem>>
    %dma_wait3A_143 = tpu.memref_squeeze %dma_wait3A_142 : memref<1x128xi32, #tpu.memory_space<vmem>> -> memref<128xi32, #tpu.memory_space<vmem>>
    %dma_wait3A_144 = arith.constant 0 : i32
    %dma_wait3A_145 = arith.constant 0 : i32
    %dma_wait3A_146 = tpu.memref_slice %arg10[%dma_wait3A_144, %dma_wait3A_145] : memref<10112x32xf32, #tpu.memory_space<vmem_shared>> -> memref<10112x32xf32, #tpu.memory_space<vmem_shared>>
    tpu.wait_indirect_dma semaphore(%arg12 : memref<!tpu.dma_semaphore, #tpu.memory_space<semaphore_mem>>) src(%dma_wait3A_140 : memref<128x32xf32, #tpu.memory_space<vmem>>) dst(%dma_wait3A_146 : memref<10112x32xf32, #tpu.memory_space<vmem_shared>>)
    %dma_wait3A_147 = arith.constant 3 : i32
    %dma_wait3A_148 = arith.constant 75 : i32
    %dma_wait3A_149 = arith.constant 0 : i32
    %dma_wait3A_150 = arith.constant 0 : i32
    %dma_wait3A_151 = tpu.memref_slice %arg9[%rem3A_111, %dma_wait3A_147, %dma_wait3A_149, %dma_wait3A_150] : memref<2x8x128x32xf32, #tpu.memory_space<vmem>> -> memref<1x1x128x32xf32, #tpu.memory_space<vmem>>
    %dma_wait3A_152 = tpu.memref_squeeze %dma_wait3A_151 : memref<1x1x128x32xf32, #tpu.memory_space<vmem>> -> memref<128x32xf32, #tpu.memory_space<vmem>>
    %dma_wait3A_153 = arith.constant 0 : i32
    %dma_wait3A_154 = tpu.memref_slice %arg8[%dma_wait3A_148, %dma_wait3A_153] : memref<80x128xi32, #tpu.memory_space<vmem>> -> memref<1x128xi32, #tpu.memory_space<vmem>>
    %dma_wait3A_155 = tpu.memref_squeeze %dma_wait3A_154 : memref<1x128xi32, #tpu.memory_space<vmem>> -> memref<128xi32, #tpu.memory_space<vmem>>
    %dma_wait3A_156 = arith.constant 0 : i32
    %dma_wait3A_157 = arith.constant 0 : i32
    %dma_wait3A_158 = tpu.memref_slice %arg10[%dma_wait3A_156, %dma_wait3A_157] : memref<10112x32xf32, #tpu.memory_space<vmem_shared>> -> memref<10112x32xf32, #tpu.memory_space<vmem_shared>>
    tpu.wait_indirect_dma semaphore(%arg12 : memref<!tpu.dma_semaphore, #tpu.memory_space<semaphore_mem>>) src(%dma_wait3A_152 : memref<128x32xf32, #tpu.memory_space<vmem>>) dst(%dma_wait3A_158 : memref<10112x32xf32, #tpu.memory_space<vmem_shared>>)
    %dma_wait3A_159 = arith.constant 4 : i32
    %dma_wait3A_160 = arith.constant 76 : i32
    %dma_wait3A_161 = arith.constant 0 : i32
    %dma_wait3A_162 = arith.constant 0 : i32
    %dma_wait3A_163 = tpu.memref_slice %arg9[%rem3A_111, %dma_wait3A_159, %dma_wait3A_161, %dma_wait3A_162] : memref<2x8x128x32xf32, #tpu.memory_space<vmem>> -> memref<1x1x128x32xf32, #tpu.memory_space<vmem>>
    %dma_wait3A_164 = tpu.memref_squeeze %dma_wait3A_163 : memref<1x1x128x32xf32, #tpu.memory_space<vmem>> -> memref<128x32xf32, #tpu.memory_space<vmem>>
    %dma_wait3A_165 = arith.constant 0 : i32
    %dma_wait3A_166 = tpu.memref_slice %arg8[%dma_wait3A_160, %dma_wait3A_165] : memref<80x128xi32, #tpu.memory_space<vmem>> -> memref<1x128xi32, #tpu.memory_space<vmem>>
    %dma_wait3A_167 = tpu.memref_squeeze %dma_wait3A_166 : memref<1x128xi32, #tpu.memory_space<vmem>> -> memref<128xi32, #tpu.memory_space<vmem>>
    %dma_wait3A_168 = arith.constant 0 : i32
    %dma_wait3A_169 = arith.constant 0 : i32
    %dma_wait3A_170 = tpu.memref_slice %arg10[%dma_wait3A_168, %dma_wait3A_169] : memref<10112x32xf32, #tpu.memory_space<vmem_shared>> -> memref<10112x32xf32, #tpu.memory_space<vmem_shared>>
    tpu.wait_indirect_dma semaphore(%arg12 : memref<!tpu.dma_semaphore, #tpu.memory_space<semaphore_mem>>) src(%dma_wait3A_164 : memref<128x32xf32, #tpu.memory_space<vmem>>) dst(%dma_wait3A_170 : memref<10112x32xf32, #tpu.memory_space<vmem_shared>>)
    %dma_wait3A_171 = arith.constant 5 : i32
    %dma_wait3A_172 = arith.constant 77 : i32
    %dma_wait3A_173 = arith.constant 0 : i32
    %dma_wait3A_174 = arith.constant 0 : i32
    %dma_wait3A_175 = tpu.memref_slice %arg9[%rem3A_111, %dma_wait3A_171, %dma_wait3A_173, %dma_wait3A_174] : memref<2x8x128x32xf32, #tpu.memory_space<vmem>> -> memref<1x1x128x32xf32, #tpu.memory_space<vmem>>
    %dma_wait3A_176 = tpu.memref_squeeze %dma_wait3A_175 : memref<1x1x128x32xf32, #tpu.memory_space<vmem>> -> memref<128x32xf32, #tpu.memory_space<vmem>>
    %dma_wait3A_177 = arith.constant 0 : i32
    %dma_wait3A_178 = tpu.memref_slice %arg8[%dma_wait3A_172, %dma_wait3A_177] : memref<80x128xi32, #tpu.memory_space<vmem>> -> memref<1x128xi32, #tpu.memory_space<vmem>>
    %dma_wait3A_179 = tpu.memref_squeeze %dma_wait3A_178 : memref<1x128xi32, #tpu.memory_space<vmem>> -> memref<128xi32, #tpu.memory_space<vmem>>
    %dma_wait3A_180 = arith.constant 0 : i32
    %dma_wait3A_181 = arith.constant 0 : i32
    %dma_wait3A_182 = tpu.memref_slice %arg10[%dma_wait3A_180, %dma_wait3A_181] : memref<10112x32xf32, #tpu.memory_space<vmem_shared>> -> memref<10112x32xf32, #tpu.memory_space<vmem_shared>>
    tpu.wait_indirect_dma semaphore(%arg12 : memref<!tpu.dma_semaphore, #tpu.memory_space<semaphore_mem>>) src(%dma_wait3A_176 : memref<128x32xf32, #tpu.memory_space<vmem>>) dst(%dma_wait3A_182 : memref<10112x32xf32, #tpu.memory_space<vmem_shared>>)
    %dma_wait3A_183 = arith.constant 6 : i32
    %dma_wait3A_184 = arith.constant 78 : i32
    %dma_wait3A_185 = arith.constant 0 : i32
    %dma_wait3A_186 = arith.constant 0 : i32
    %dma_wait3A_187 = tpu.memref_slice %arg9[%rem3A_111, %dma_wait3A_183, %dma_wait3A_185, %dma_wait3A_186] : memref<2x8x128x32xf32, #tpu.memory_space<vmem>> -> memref<1x1x128x32xf32, #tpu.memory_space<vmem>>
    %dma_wait3A_188 = tpu.memref_squeeze %dma_wait3A_187 : memref<1x1x128x32xf32, #tpu.memory_space<vmem>> -> memref<128x32xf32, #tpu.memory_space<vmem>>
    %dma_wait3A_189 = arith.constant 0 : i32
    %dma_wait3A_190 = tpu.memref_slice %arg8[%dma_wait3A_184, %dma_wait3A_189] : memref<80x128xi32, #tpu.memory_space<vmem>> -> memref<1x128xi32, #tpu.memory_space<vmem>>
    %dma_wait3A_191 = tpu.memref_squeeze %dma_wait3A_190 : memref<1x128xi32, #tpu.memory_space<vmem>> -> memref<128xi32, #tpu.memory_space<vmem>>
    %dma_wait3A_192 = arith.constant 0 : i32
    %dma_wait3A_193 = arith.constant 0 : i32
    %dma_wait3A_194 = tpu.memref_slice %arg10[%dma_wait3A_192, %dma_wait3A_193] : memref<10112x32xf32, #tpu.memory_space<vmem_shared>> -> memref<10112x32xf32, #tpu.memory_space<vmem_shared>>
    tpu.wait_indirect_dma semaphore(%arg12 : memref<!tpu.dma_semaphore, #tpu.memory_space<semaphore_mem>>) src(%dma_wait3A_188 : memref<128x32xf32, #tpu.memory_space<vmem>>) dst(%dma_wait3A_194 : memref<10112x32xf32, #tpu.memory_space<vmem_shared>>)
    %dma_wait3A_195 = arith.constant 7 : i32
    %dma_wait3A_196 = arith.constant 79 : i32
    %dma_wait3A_197 = arith.constant 0 : i32
    %dma_wait3A_198 = arith.constant 0 : i32
    %dma_wait3A_199 = tpu.memref_slice %arg9[%rem3A_111, %dma_wait3A_195, %dma_wait3A_197, %dma_wait3A_198] : memref<2x8x128x32xf32, #tpu.memory_space<vmem>> -> memref<1x1x128x32xf32, #tpu.memory_space<vmem>>
    %dma_wait3A_200 = tpu.memref_squeeze %dma_wait3A_199 : memref<1x1x128x32xf32, #tpu.memory_space<vmem>> -> memref<128x32xf32, #tpu.memory_space<vmem>>
    %dma_wait3A_201 = arith.constant 0 : i32
    %dma_wait3A_202 = tpu.memref_slice %arg8[%dma_wait3A_196, %dma_wait3A_201] : memref<80x128xi32, #tpu.memory_space<vmem>> -> memref<1x128xi32, #tpu.memory_space<vmem>>
    %dma_wait3A_203 = tpu.memref_squeeze %dma_wait3A_202 : memref<1x128xi32, #tpu.memory_space<vmem>> -> memref<128xi32, #tpu.memory_space<vmem>>
    %dma_wait3A_204 = arith.constant 0 : i32
    %dma_wait3A_205 = arith.constant 0 : i32
    %dma_wait3A_206 = tpu.memref_slice %arg10[%dma_wait3A_204, %dma_wait3A_205] : memref<10112x32xf32, #tpu.memory_space<vmem_shared>> -> memref<10112x32xf32, #tpu.memory_space<vmem_shared>>
    tpu.wait_indirect_dma semaphore(%arg12 : memref<!tpu.dma_semaphore, #tpu.memory_space<semaphore_mem>>) src(%dma_wait3A_200 : memref<128x32xf32, #tpu.memory_space<vmem>>) dst(%dma_wait3A_206 : memref<10112x32xf32, #tpu.memory_space<vmem_shared>>)
    %barrier3A_207 = arith.constant 0 : index
    tpu.barrier barrier_id(%barrier3A_207)
    %mul3A_208 = arith.constant 632 : i32
    %mul3A_209 = arith.muli %arg1, %mul3A_208 : i32
    %mul3A_210 = arith.constant 632 : i32
    %mul3A_211 = arith.muli %arg1, %mul3A_210 : i32
    "tpu.region"() ({
      %run_scoped3A = tpu.sem_alloc : memref<!tpu.dma_semaphore, #tpu.memory_space<semaphore_mem>>
      %dma_start3A_212 = arith.constant 0 : i32
      %dma_start3A_213 = tpu.memref_slice %arg6[%arg0, %mul3A_211, %dma_start3A_212] : memref<2x10112x32xf32, #tpu.memory_space<hbm>> -> memref<1x632x32xf32, #tpu.memory_space<hbm>>
      %dma_start3A_214 = tpu.memref_squeeze %dma_start3A_213 : memref<1x632x32xf32, #tpu.memory_space<hbm>> -> memref<632x32xf32, #tpu.memory_space<hbm>>
      %dma_start3A_215 = arith.constant 0 : i32
      %dma_start3A_216 = tpu.memref_slice %arg10[%mul3A_209, %dma_start3A_215] : memref<10112x32xf32, #tpu.memory_space<vmem_shared>> -> memref<632x32xf32, #tpu.memory_space<vmem_shared>>
      tpu.enqueue_dma source(%dma_start3A_216 : memref<632x32xf32, #tpu.memory_space<vmem_shared>>) target(%dma_start3A_214 : memref<632x32xf32, #tpu.memory_space<hbm>>) target_semaphore(%run_scoped3A : memref<!tpu.dma_semaphore, #tpu.memory_space<semaphore_mem>>)
      %dma_wait3A_217 = arith.constant 0 : i32
      %dma_wait3A_218 = tpu.memref_slice %arg6[%arg0, %mul3A_211, %dma_wait3A_217] : memref<2x10112x32xf32, #tpu.memory_space<hbm>> -> memref<1x632x32xf32, #tpu.memory_space<hbm>>
      %dma_wait3A_219 = tpu.memref_squeeze %dma_wait3A_218 : memref<1x632x32xf32, #tpu.memory_space<hbm>> -> memref<632x32xf32, #tpu.memory_space<hbm>>
      %dma_wait3A_220 = arith.constant 0 : i32
      %dma_wait3A_221 = tpu.memref_slice %arg10[%mul3A_209, %dma_wait3A_220] : memref<10112x32xf32, #tpu.memory_space<vmem_shared>> -> memref<632x32xf32, #tpu.memory_space<vmem_shared>>
      tpu.wait_dma2 semaphore(%run_scoped3A : memref<!tpu.dma_semaphore, #tpu.memory_space<semaphore_mem>>) src(%dma_wait3A_221 : memref<632x32xf32, #tpu.memory_space<vmem_shared>>) dst(%dma_wait3A_219 : memref<632x32xf32, #tpu.memory_space<hbm>>)
      tpu.yield
    }) : () -> ()
    return
  }
}

#map = affine_map<(d0, d1) -> (0, 0)>
#map1 = affine_map<(d0, d1) -> (0, 0, 0)>
module attributes {stable_mosaic.version = 14 : i64} {
  func.func @msg_k(%arg0: i32, %arg1: i32, %arg2: memref<10000x16xf32, #tpu.memory_space<hbm>>, %arg3: memref<32x80x128xi32, #tpu.memory_space<hbm>>, %arg4: memref<32x80x128xi32, #tpu.memory_space<hbm>>, %arg5: memref<632x16xf32, #tpu.memory_space<hbm>>, %arg6: memref<2x10112x16xf32, #tpu.memory_space<hbm>>, %arg7: memref<80x128xi32, #tpu.memory_space<vmem>>, %arg8: memref<80x128xi32, #tpu.memory_space<vmem>>, %arg9: memref<2x8x128x16xf32, #tpu.memory_space<vmem>>, %arg10: memref<10112x16xf32, #tpu.memory_space<vmem_shared>>, %arg11: memref<!tpu.dma_semaphore, #tpu.memory_space<semaphore_mem>>, %arg12: memref<!tpu.dma_semaphore, #tpu.memory_space<semaphore_mem>>) attributes {dimension_semantics = [#tpu.dimension_semantics<core_parallel>, #tpu.dimension_semantics<subcore_parallel>], iteration_bounds = array<i64: 2, 16>, scalar_prefetch = 0 : i64, scratch_operands = 6 : i64, tpu.core_type = #tpu.core_type<sc_vector_subcore>, window_params = [{transform_indices = #map}, {transform_indices = #map1}, {transform_indices = #map1}, {transform_indices = #map}, {transform_indices = #map1}]} {
    %mul3A = arith.constant 16 : i32
    %mul3A_0 = arith.muli %arg0, %mul3A : i32
    %add3A = arith.addi %mul3A_0, %arg1 : i32
    "tpu.region"() ({
      %run_scoped3A = tpu.sem_alloc : memref<!tpu.dma_semaphore, #tpu.memory_space<semaphore_mem>>
      %dma_start3A_212 = arith.constant 0 : i32
      %dma_start3A_213 = arith.constant 0 : i32
      %dma_start3A_214 = tpu.memref_slice %arg3[%add3A, %dma_start3A_212, %dma_start3A_213] : memref<32x80x128xi32, #tpu.memory_space<hbm>> -> memref<1x80x128xi32, #tpu.memory_space<hbm>>
      %dma_start3A_215 = tpu.memref_squeeze %dma_start3A_214 : memref<1x80x128xi32, #tpu.memory_space<hbm>> -> memref<80x128xi32, #tpu.memory_space<hbm>>
      %dma_start3A_216 = arith.constant 0 : i32
      %dma_start3A_217 = arith.constant 0 : i32
      %dma_start3A_218 = tpu.memref_slice %arg3[%add3A, %dma_start3A_216, %dma_start3A_217] : memref<32x80x128xi32, #tpu.memory_space<hbm>> -> memref<1x80x128xi32, #tpu.memory_space<hbm>>
      %dma_start3A_219 = tpu.memref_squeeze %dma_start3A_218 : memref<1x80x128xi32, #tpu.memory_space<hbm>> -> memref<80x128xi32, #tpu.memory_space<hbm>>
      tpu.enqueue_dma source(%dma_start3A_219 : memref<80x128xi32, #tpu.memory_space<hbm>>) target(%arg7 : memref<80x128xi32, #tpu.memory_space<vmem>>) target_semaphore(%run_scoped3A : memref<!tpu.dma_semaphore, #tpu.memory_space<semaphore_mem>>)
      %dma_wait3A_220 = arith.constant 0 : i32
      %dma_wait3A_221 = arith.constant 0 : i32
      %dma_wait3A_222 = tpu.memref_slice %arg3[%add3A, %dma_wait3A_220, %dma_wait3A_221] : memref<32x80x128xi32, #tpu.memory_space<hbm>> -> memref<1x80x128xi32, #tpu.memory_space<hbm>>
      %dma_wait3A_223 = tpu.memref_squeeze %dma_wait3A_222 : memref<1x80x128xi32, #tpu.memory_space<hbm>> -> memref<80x128xi32, #tpu.memory_space<hbm>>
      %dma_wait3A_224 = arith.constant 0 : i32
      %dma_wait3A_225 = arith.constant 0 : i32
      %dma_wait3A_226 = tpu.memref_slice %arg3[%add3A, %dma_wait3A_224, %dma_wait3A_225] : memref<32x80x128xi32, #tpu.memory_space<hbm>> -> memref<1x80x128xi32, #tpu.memory_space<hbm>>
      %dma_wait3A_227 = tpu.memref_squeeze %dma_wait3A_226 : memref<1x80x128xi32, #tpu.memory_space<hbm>> -> memref<80x128xi32, #tpu.memory_space<hbm>>
      tpu.wait_dma2 semaphore(%run_scoped3A : memref<!tpu.dma_semaphore, #tpu.memory_space<semaphore_mem>>) src(%dma_wait3A_227 : memref<80x128xi32, #tpu.memory_space<hbm>>) dst(%arg7 : memref<80x128xi32, #tpu.memory_space<vmem>>)
      tpu.yield
    }) : () -> ()
    "tpu.region"() ({
      %run_scoped3A = tpu.sem_alloc : memref<!tpu.dma_semaphore, #tpu.memory_space<semaphore_mem>>
      %dma_start3A_212 = arith.constant 0 : i32
      %dma_start3A_213 = arith.constant 0 : i32
      %dma_start3A_214 = tpu.memref_slice %arg4[%add3A, %dma_start3A_212, %dma_start3A_213] : memref<32x80x128xi32, #tpu.memory_space<hbm>> -> memref<1x80x128xi32, #tpu.memory_space<hbm>>
      %dma_start3A_215 = tpu.memref_squeeze %dma_start3A_214 : memref<1x80x128xi32, #tpu.memory_space<hbm>> -> memref<80x128xi32, #tpu.memory_space<hbm>>
      %dma_start3A_216 = arith.constant 0 : i32
      %dma_start3A_217 = arith.constant 0 : i32
      %dma_start3A_218 = tpu.memref_slice %arg4[%add3A, %dma_start3A_216, %dma_start3A_217] : memref<32x80x128xi32, #tpu.memory_space<hbm>> -> memref<1x80x128xi32, #tpu.memory_space<hbm>>
      %dma_start3A_219 = tpu.memref_squeeze %dma_start3A_218 : memref<1x80x128xi32, #tpu.memory_space<hbm>> -> memref<80x128xi32, #tpu.memory_space<hbm>>
      tpu.enqueue_dma source(%dma_start3A_219 : memref<80x128xi32, #tpu.memory_space<hbm>>) target(%arg8 : memref<80x128xi32, #tpu.memory_space<vmem>>) target_semaphore(%run_scoped3A : memref<!tpu.dma_semaphore, #tpu.memory_space<semaphore_mem>>)
      %dma_wait3A_220 = arith.constant 0 : i32
      %dma_wait3A_221 = arith.constant 0 : i32
      %dma_wait3A_222 = tpu.memref_slice %arg4[%add3A, %dma_wait3A_220, %dma_wait3A_221] : memref<32x80x128xi32, #tpu.memory_space<hbm>> -> memref<1x80x128xi32, #tpu.memory_space<hbm>>
      %dma_wait3A_223 = tpu.memref_squeeze %dma_wait3A_222 : memref<1x80x128xi32, #tpu.memory_space<hbm>> -> memref<80x128xi32, #tpu.memory_space<hbm>>
      %dma_wait3A_224 = arith.constant 0 : i32
      %dma_wait3A_225 = arith.constant 0 : i32
      %dma_wait3A_226 = tpu.memref_slice %arg4[%add3A, %dma_wait3A_224, %dma_wait3A_225] : memref<32x80x128xi32, #tpu.memory_space<hbm>> -> memref<1x80x128xi32, #tpu.memory_space<hbm>>
      %dma_wait3A_227 = tpu.memref_squeeze %dma_wait3A_226 : memref<1x80x128xi32, #tpu.memory_space<hbm>> -> memref<80x128xi32, #tpu.memory_space<hbm>>
      tpu.wait_dma2 semaphore(%run_scoped3A : memref<!tpu.dma_semaphore, #tpu.memory_space<semaphore_mem>>) src(%dma_wait3A_227 : memref<80x128xi32, #tpu.memory_space<hbm>>) dst(%arg8 : memref<80x128xi32, #tpu.memory_space<vmem>>)
      tpu.yield
    }) : () -> ()
    %mul3A_1 = arith.constant 632 : i32
    %mul3A_2 = arith.muli %arg1, %mul3A_1 : i32
    "tpu.region"() ({
      %run_scoped3A = tpu.sem_alloc : memref<!tpu.dma_semaphore, #tpu.memory_space<semaphore_mem>>
      %dma_start3A_212 = arith.constant 0 : i32
      %dma_start3A_213 = tpu.memref_slice %arg10[%mul3A_2, %dma_start3A_212] : memref<10112x16xf32, #tpu.memory_space<vmem_shared>> -> memref<632x16xf32, #tpu.memory_space<vmem_shared>>
      tpu.enqueue_dma source(%arg5 : memref<632x16xf32, #tpu.memory_space<hbm>>) target(%dma_start3A_213 : memref<632x16xf32, #tpu.memory_space<vmem_shared>>) target_semaphore(%run_scoped3A : memref<!tpu.dma_semaphore, #tpu.memory_space<semaphore_mem>>)
      %dma_wait3A_214 = arith.constant 0 : i32
      %dma_wait3A_215 = tpu.memref_slice %arg10[%mul3A_2, %dma_wait3A_214] : memref<10112x16xf32, #tpu.memory_space<vmem_shared>> -> memref<632x16xf32, #tpu.memory_space<vmem_shared>>
      tpu.wait_dma2 semaphore(%run_scoped3A : memref<!tpu.dma_semaphore, #tpu.memory_space<semaphore_mem>>) src(%arg5 : memref<632x16xf32, #tpu.memory_space<hbm>>) dst(%dma_wait3A_215 : memref<632x16xf32, #tpu.memory_space<vmem_shared>>)
      tpu.yield
    }) : () -> ()
    %barrier3A = arith.constant 0 : index
    tpu.barrier barrier_id(%barrier3A)
    %dma_start3A = arith.constant 0 : i32
    %dma_start3A_3 = arith.constant 0 : i32
    %dma_start3A_4 = arith.constant 0 : i32
    %dma_start3A_5 = arith.constant 0 : i32
    %dma_start3A_6 = arith.constant 0 : i32
    %dma_start3A_7 = tpu.memref_slice %arg9[%dma_start3A_3, %dma_start3A_4, %dma_start3A_5, %dma_start3A_6] : memref<2x8x128x16xf32, #tpu.memory_space<vmem>> -> memref<1x1x128x16xf32, #tpu.memory_space<vmem>>
    %dma_start3A_8 = tpu.memref_squeeze %dma_start3A_7 : memref<1x1x128x16xf32, #tpu.memory_space<vmem>> -> memref<128x16xf32, #tpu.memory_space<vmem>>
    %dma_start3A_9 = arith.constant 0 : i32
    %dma_start3A_10 = tpu.memref_slice %arg7[%dma_start3A, %dma_start3A_9] : memref<80x128xi32, #tpu.memory_space<vmem>> -> memref<1x128xi32, #tpu.memory_space<vmem>>
    %dma_start3A_11 = tpu.memref_squeeze %dma_start3A_10 : memref<1x128xi32, #tpu.memory_space<vmem>> -> memref<128xi32, #tpu.memory_space<vmem>>
    %dma_start3A_12 = arith.constant 0 : i32
    %dma_start3A_13 = arith.constant 0 : i32
    %dma_start3A_14 = tpu.memref_slice %arg2[%dma_start3A_12, %dma_start3A_13] : memref<10000x16xf32, #tpu.memory_space<hbm>> -> memref<10000x16xf32, #tpu.memory_space<hbm>>
    tpu.enqueue_indirect_dma source(%dma_start3A_14 : memref<10000x16xf32, #tpu.memory_space<hbm>>) target(%dma_start3A_8 : memref<128x16xf32, #tpu.memory_space<vmem>>) offsets(%dma_start3A_11 : memref<128xi32, #tpu.memory_space<vmem>>) semaphore(%arg11 : memref<!tpu.dma_semaphore, #tpu.memory_space<semaphore_mem>>)
    %dma_start3A_15 = arith.constant 1 : i32
    %dma_start3A_16 = arith.constant 0 : i32
    %dma_start3A_17 = arith.constant 1 : i32
    %dma_start3A_18 = arith.constant 0 : i32
    %dma_start3A_19 = arith.constant 0 : i32
    %dma_start3A_20 = tpu.memref_slice %arg9[%dma_start3A_16, %dma_start3A_17, %dma_start3A_18, %dma_start3A_19] : memref<2x8x128x16xf32, #tpu.memory_space<vmem>> -> memref<1x1x128x16xf32, #tpu.memory_space<vmem>>
    %dma_start3A_21 = tpu.memref_squeeze %dma_start3A_20 : memref<1x1x128x16xf32, #tpu.memory_space<vmem>> -> memref<128x16xf32, #tpu.memory_space<vmem>>
    %dma_start3A_22 = arith.constant 0 : i32
    %dma_start3A_23 = tpu.memref_slice %arg7[%dma_start3A_15, %dma_start3A_22] : memref<80x128xi32, #tpu.memory_space<vmem>> -> memref<1x128xi32, #tpu.memory_space<vmem>>
    %dma_start3A_24 = tpu.memref_squeeze %dma_start3A_23 : memref<1x128xi32, #tpu.memory_space<vmem>> -> memref<128xi32, #tpu.memory_space<vmem>>
    %dma_start3A_25 = arith.constant 0 : i32
    %dma_start3A_26 = arith.constant 0 : i32
    %dma_start3A_27 = tpu.memref_slice %arg2[%dma_start3A_25, %dma_start3A_26] : memref<10000x16xf32, #tpu.memory_space<hbm>> -> memref<10000x16xf32, #tpu.memory_space<hbm>>
    tpu.enqueue_indirect_dma source(%dma_start3A_27 : memref<10000x16xf32, #tpu.memory_space<hbm>>) target(%dma_start3A_21 : memref<128x16xf32, #tpu.memory_space<vmem>>) offsets(%dma_start3A_24 : memref<128xi32, #tpu.memory_space<vmem>>) semaphore(%arg11 : memref<!tpu.dma_semaphore, #tpu.memory_space<semaphore_mem>>)
    %dma_start3A_28 = arith.constant 2 : i32
    %dma_start3A_29 = arith.constant 0 : i32
    %dma_start3A_30 = arith.constant 2 : i32
    %dma_start3A_31 = arith.constant 0 : i32
    %dma_start3A_32 = arith.constant 0 : i32
    %dma_start3A_33 = tpu.memref_slice %arg9[%dma_start3A_29, %dma_start3A_30, %dma_start3A_31, %dma_start3A_32] : memref<2x8x128x16xf32, #tpu.memory_space<vmem>> -> memref<1x1x128x16xf32, #tpu.memory_space<vmem>>
    %dma_start3A_34 = tpu.memref_squeeze %dma_start3A_33 : memref<1x1x128x16xf32, #tpu.memory_space<vmem>> -> memref<128x16xf32, #tpu.memory_space<vmem>>
    %dma_start3A_35 = arith.constant 0 : i32
    %dma_start3A_36 = tpu.memref_slice %arg7[%dma_start3A_28, %dma_start3A_35] : memref<80x128xi32, #tpu.memory_space<vmem>> -> memref<1x128xi32, #tpu.memory_space<vmem>>
    %dma_start3A_37 = tpu.memref_squeeze %dma_start3A_36 : memref<1x128xi32, #tpu.memory_space<vmem>> -> memref<128xi32, #tpu.memory_space<vmem>>
    %dma_start3A_38 = arith.constant 0 : i32
    %dma_start3A_39 = arith.constant 0 : i32
    %dma_start3A_40 = tpu.memref_slice %arg2[%dma_start3A_38, %dma_start3A_39] : memref<10000x16xf32, #tpu.memory_space<hbm>> -> memref<10000x16xf32, #tpu.memory_space<hbm>>
    tpu.enqueue_indirect_dma source(%dma_start3A_40 : memref<10000x16xf32, #tpu.memory_space<hbm>>) target(%dma_start3A_34 : memref<128x16xf32, #tpu.memory_space<vmem>>) offsets(%dma_start3A_37 : memref<128xi32, #tpu.memory_space<vmem>>) semaphore(%arg11 : memref<!tpu.dma_semaphore, #tpu.memory_space<semaphore_mem>>)
    %dma_start3A_41 = arith.constant 3 : i32
    %dma_start3A_42 = arith.constant 0 : i32
    %dma_start3A_43 = arith.constant 3 : i32
    %dma_start3A_44 = arith.constant 0 : i32
    %dma_start3A_45 = arith.constant 0 : i32
    %dma_start3A_46 = tpu.memref_slice %arg9[%dma_start3A_42, %dma_start3A_43, %dma_start3A_44, %dma_start3A_45] : memref<2x8x128x16xf32, #tpu.memory_space<vmem>> -> memref<1x1x128x16xf32, #tpu.memory_space<vmem>>
    %dma_start3A_47 = tpu.memref_squeeze %dma_start3A_46 : memref<1x1x128x16xf32, #tpu.memory_space<vmem>> -> memref<128x16xf32, #tpu.memory_space<vmem>>
    %dma_start3A_48 = arith.constant 0 : i32
    %dma_start3A_49 = tpu.memref_slice %arg7[%dma_start3A_41, %dma_start3A_48] : memref<80x128xi32, #tpu.memory_space<vmem>> -> memref<1x128xi32, #tpu.memory_space<vmem>>
    %dma_start3A_50 = tpu.memref_squeeze %dma_start3A_49 : memref<1x128xi32, #tpu.memory_space<vmem>> -> memref<128xi32, #tpu.memory_space<vmem>>
    %dma_start3A_51 = arith.constant 0 : i32
    %dma_start3A_52 = arith.constant 0 : i32
    %dma_start3A_53 = tpu.memref_slice %arg2[%dma_start3A_51, %dma_start3A_52] : memref<10000x16xf32, #tpu.memory_space<hbm>> -> memref<10000x16xf32, #tpu.memory_space<hbm>>
    tpu.enqueue_indirect_dma source(%dma_start3A_53 : memref<10000x16xf32, #tpu.memory_space<hbm>>) target(%dma_start3A_47 : memref<128x16xf32, #tpu.memory_space<vmem>>) offsets(%dma_start3A_50 : memref<128xi32, #tpu.memory_space<vmem>>) semaphore(%arg11 : memref<!tpu.dma_semaphore, #tpu.memory_space<semaphore_mem>>)
    %dma_start3A_54 = arith.constant 4 : i32
    %dma_start3A_55 = arith.constant 0 : i32
    %dma_start3A_56 = arith.constant 4 : i32
    %dma_start3A_57 = arith.constant 0 : i32
    %dma_start3A_58 = arith.constant 0 : i32
    %dma_start3A_59 = tpu.memref_slice %arg9[%dma_start3A_55, %dma_start3A_56, %dma_start3A_57, %dma_start3A_58] : memref<2x8x128x16xf32, #tpu.memory_space<vmem>> -> memref<1x1x128x16xf32, #tpu.memory_space<vmem>>
    %dma_start3A_60 = tpu.memref_squeeze %dma_start3A_59 : memref<1x1x128x16xf32, #tpu.memory_space<vmem>> -> memref<128x16xf32, #tpu.memory_space<vmem>>
    %dma_start3A_61 = arith.constant 0 : i32
    %dma_start3A_62 = tpu.memref_slice %arg7[%dma_start3A_54, %dma_start3A_61] : memref<80x128xi32, #tpu.memory_space<vmem>> -> memref<1x128xi32, #tpu.memory_space<vmem>>
    %dma_start3A_63 = tpu.memref_squeeze %dma_start3A_62 : memref<1x128xi32, #tpu.memory_space<vmem>> -> memref<128xi32, #tpu.memory_space<vmem>>
    %dma_start3A_64 = arith.constant 0 : i32
    %dma_start3A_65 = arith.constant 0 : i32
    %dma_start3A_66 = tpu.memref_slice %arg2[%dma_start3A_64, %dma_start3A_65] : memref<10000x16xf32, #tpu.memory_space<hbm>> -> memref<10000x16xf32, #tpu.memory_space<hbm>>
    tpu.enqueue_indirect_dma source(%dma_start3A_66 : memref<10000x16xf32, #tpu.memory_space<hbm>>) target(%dma_start3A_60 : memref<128x16xf32, #tpu.memory_space<vmem>>) offsets(%dma_start3A_63 : memref<128xi32, #tpu.memory_space<vmem>>) semaphore(%arg11 : memref<!tpu.dma_semaphore, #tpu.memory_space<semaphore_mem>>)
    %dma_start3A_67 = arith.constant 5 : i32
    %dma_start3A_68 = arith.constant 0 : i32
    %dma_start3A_69 = arith.constant 5 : i32
    %dma_start3A_70 = arith.constant 0 : i32
    %dma_start3A_71 = arith.constant 0 : i32
    %dma_start3A_72 = tpu.memref_slice %arg9[%dma_start3A_68, %dma_start3A_69, %dma_start3A_70, %dma_start3A_71] : memref<2x8x128x16xf32, #tpu.memory_space<vmem>> -> memref<1x1x128x16xf32, #tpu.memory_space<vmem>>
    %dma_start3A_73 = tpu.memref_squeeze %dma_start3A_72 : memref<1x1x128x16xf32, #tpu.memory_space<vmem>> -> memref<128x16xf32, #tpu.memory_space<vmem>>
    %dma_start3A_74 = arith.constant 0 : i32
    %dma_start3A_75 = tpu.memref_slice %arg7[%dma_start3A_67, %dma_start3A_74] : memref<80x128xi32, #tpu.memory_space<vmem>> -> memref<1x128xi32, #tpu.memory_space<vmem>>
    %dma_start3A_76 = tpu.memref_squeeze %dma_start3A_75 : memref<1x128xi32, #tpu.memory_space<vmem>> -> memref<128xi32, #tpu.memory_space<vmem>>
    %dma_start3A_77 = arith.constant 0 : i32
    %dma_start3A_78 = arith.constant 0 : i32
    %dma_start3A_79 = tpu.memref_slice %arg2[%dma_start3A_77, %dma_start3A_78] : memref<10000x16xf32, #tpu.memory_space<hbm>> -> memref<10000x16xf32, #tpu.memory_space<hbm>>
    tpu.enqueue_indirect_dma source(%dma_start3A_79 : memref<10000x16xf32, #tpu.memory_space<hbm>>) target(%dma_start3A_73 : memref<128x16xf32, #tpu.memory_space<vmem>>) offsets(%dma_start3A_76 : memref<128xi32, #tpu.memory_space<vmem>>) semaphore(%arg11 : memref<!tpu.dma_semaphore, #tpu.memory_space<semaphore_mem>>)
    %dma_start3A_80 = arith.constant 6 : i32
    %dma_start3A_81 = arith.constant 0 : i32
    %dma_start3A_82 = arith.constant 6 : i32
    %dma_start3A_83 = arith.constant 0 : i32
    %dma_start3A_84 = arith.constant 0 : i32
    %dma_start3A_85 = tpu.memref_slice %arg9[%dma_start3A_81, %dma_start3A_82, %dma_start3A_83, %dma_start3A_84] : memref<2x8x128x16xf32, #tpu.memory_space<vmem>> -> memref<1x1x128x16xf32, #tpu.memory_space<vmem>>
    %dma_start3A_86 = tpu.memref_squeeze %dma_start3A_85 : memref<1x1x128x16xf32, #tpu.memory_space<vmem>> -> memref<128x16xf32, #tpu.memory_space<vmem>>
    %dma_start3A_87 = arith.constant 0 : i32
    %dma_start3A_88 = tpu.memref_slice %arg7[%dma_start3A_80, %dma_start3A_87] : memref<80x128xi32, #tpu.memory_space<vmem>> -> memref<1x128xi32, #tpu.memory_space<vmem>>
    %dma_start3A_89 = tpu.memref_squeeze %dma_start3A_88 : memref<1x128xi32, #tpu.memory_space<vmem>> -> memref<128xi32, #tpu.memory_space<vmem>>
    %dma_start3A_90 = arith.constant 0 : i32
    %dma_start3A_91 = arith.constant 0 : i32
    %dma_start3A_92 = tpu.memref_slice %arg2[%dma_start3A_90, %dma_start3A_91] : memref<10000x16xf32, #tpu.memory_space<hbm>> -> memref<10000x16xf32, #tpu.memory_space<hbm>>
    tpu.enqueue_indirect_dma source(%dma_start3A_92 : memref<10000x16xf32, #tpu.memory_space<hbm>>) target(%dma_start3A_86 : memref<128x16xf32, #tpu.memory_space<vmem>>) offsets(%dma_start3A_89 : memref<128xi32, #tpu.memory_space<vmem>>) semaphore(%arg11 : memref<!tpu.dma_semaphore, #tpu.memory_space<semaphore_mem>>)
    %dma_start3A_93 = arith.constant 7 : i32
    %dma_start3A_94 = arith.constant 0 : i32
    %dma_start3A_95 = arith.constant 7 : i32
    %dma_start3A_96 = arith.constant 0 : i32
    %dma_start3A_97 = arith.constant 0 : i32
    %dma_start3A_98 = tpu.memref_slice %arg9[%dma_start3A_94, %dma_start3A_95, %dma_start3A_96, %dma_start3A_97] : memref<2x8x128x16xf32, #tpu.memory_space<vmem>> -> memref<1x1x128x16xf32, #tpu.memory_space<vmem>>
    %dma_start3A_99 = tpu.memref_squeeze %dma_start3A_98 : memref<1x1x128x16xf32, #tpu.memory_space<vmem>> -> memref<128x16xf32, #tpu.memory_space<vmem>>
    %dma_start3A_100 = arith.constant 0 : i32
    %dma_start3A_101 = tpu.memref_slice %arg7[%dma_start3A_93, %dma_start3A_100] : memref<80x128xi32, #tpu.memory_space<vmem>> -> memref<1x128xi32, #tpu.memory_space<vmem>>
    %dma_start3A_102 = tpu.memref_squeeze %dma_start3A_101 : memref<1x128xi32, #tpu.memory_space<vmem>> -> memref<128xi32, #tpu.memory_space<vmem>>
    %dma_start3A_103 = arith.constant 0 : i32
    %dma_start3A_104 = arith.constant 0 : i32
    %dma_start3A_105 = tpu.memref_slice %arg2[%dma_start3A_103, %dma_start3A_104] : memref<10000x16xf32, #tpu.memory_space<hbm>> -> memref<10000x16xf32, #tpu.memory_space<hbm>>
    tpu.enqueue_indirect_dma source(%dma_start3A_105 : memref<10000x16xf32, #tpu.memory_space<hbm>>) target(%dma_start3A_99 : memref<128x16xf32, #tpu.memory_space<vmem>>) offsets(%dma_start3A_102 : memref<128xi32, #tpu.memory_space<vmem>>) semaphore(%arg11 : memref<!tpu.dma_semaphore, #tpu.memory_space<semaphore_mem>>)
    %scan3A = arith.constant 0 : i32
    %scan3A_106 = arith.constant 10 : i32
    %scan3A_107 = arith.addi %scan3A, %scan3A_106 : i32
    %scan3A_108 = arith.constant 1 : i32
    scf.for %scan3A_212 = %scan3A to %scan3A_107 step %scan3A_108  : i32 {
      %mul3A_213 = arith.constant 1 : i32
      %mul3A_214 = arith.muli %scan3A_212, %mul3A_213 : i32
      %add3A_215 = arith.constant 0 : i32
      %add3A_216 = arith.addi %add3A_215, %mul3A_214 : i32
      %rem3A_217 = arith.constant 2 : i32
      %rem3A_218 = arith.remsi %add3A_216, %rem3A_217 : i32
      %ge3A = arith.constant 1 : i32
      %ge3A_219 = arith.cmpi sge, %add3A_216, %ge3A : i32
      %convert_element_type3A = arith.extui %ge3A_219 : i1 to i32
      %cond3A = arith.constant 0 : i32
      %cond3A_220 = arith.cmpi ne, %convert_element_type3A, %cond3A : i32
      scf.if %cond3A_220 {
        %sub3A = arith.constant 1 : i32
        %sub3A_439 = arith.subi %add3A_216, %sub3A : i32
        %sub3A_440 = arith.constant 1 : i32
        %sub3A_441 = arith.subi %sub3A_440, %rem3A_218 : i32
        %mul3A_442 = arith.constant 8 : i32
        %mul3A_443 = arith.muli %sub3A_439, %mul3A_442 : i32
        %add3A_444 = arith.constant 0 : i32
        %add3A_445 = arith.addi %mul3A_443, %add3A_444 : i32
        %dma_wait3A_446 = arith.constant 0 : i32
        %dma_wait3A_447 = arith.constant 0 : i32
        %dma_wait3A_448 = arith.constant 0 : i32
        %dma_wait3A_449 = tpu.memref_slice %arg9[%sub3A_441, %dma_wait3A_446, %dma_wait3A_447, %dma_wait3A_448] : memref<2x8x128x16xf32, #tpu.memory_space<vmem>> -> memref<1x1x128x16xf32, #tpu.memory_space<vmem>>
        %dma_wait3A_450 = tpu.memref_squeeze %dma_wait3A_449 : memref<1x1x128x16xf32, #tpu.memory_space<vmem>> -> memref<128x16xf32, #tpu.memory_space<vmem>>
        %dma_wait3A_451 = arith.constant 0 : i32
        %dma_wait3A_452 = tpu.memref_slice %arg8[%add3A_445, %dma_wait3A_451] : memref<80x128xi32, #tpu.memory_space<vmem>> -> memref<1x128xi32, #tpu.memory_space<vmem>>
        %dma_wait3A_453 = tpu.memref_squeeze %dma_wait3A_452 : memref<1x128xi32, #tpu.memory_space<vmem>> -> memref<128xi32, #tpu.memory_space<vmem>>
        %dma_wait3A_454 = arith.constant 0 : i32
        %dma_wait3A_455 = arith.constant 0 : i32
        %dma_wait3A_456 = tpu.memref_slice %arg10[%dma_wait3A_454, %dma_wait3A_455] : memref<10112x16xf32, #tpu.memory_space<vmem_shared>> -> memref<10112x16xf32, #tpu.memory_space<vmem_shared>>
        tpu.wait_indirect_dma semaphore(%arg12 : memref<!tpu.dma_semaphore, #tpu.memory_space<semaphore_mem>>) src(%dma_wait3A_450 : memref<128x16xf32, #tpu.memory_space<vmem>>) dst(%dma_wait3A_456 : memref<10112x16xf32, #tpu.memory_space<vmem_shared>>)
        %add3A_457 = arith.constant 1 : i32
        %add3A_458 = arith.addi %mul3A_443, %add3A_457 : i32
        %dma_wait3A_459 = arith.constant 1 : i32
        %dma_wait3A_460 = arith.constant 0 : i32
        %dma_wait3A_461 = arith.constant 0 : i32
        %dma_wait3A_462 = tpu.memref_slice %arg9[%sub3A_441, %dma_wait3A_459, %dma_wait3A_460, %dma_wait3A_461] : memref<2x8x128x16xf32, #tpu.memory_space<vmem>> -> memref<1x1x128x16xf32, #tpu.memory_space<vmem>>
        %dma_wait3A_463 = tpu.memref_squeeze %dma_wait3A_462 : memref<1x1x128x16xf32, #tpu.memory_space<vmem>> -> memref<128x16xf32, #tpu.memory_space<vmem>>
        %dma_wait3A_464 = arith.constant 0 : i32
        %dma_wait3A_465 = tpu.memref_slice %arg8[%add3A_458, %dma_wait3A_464] : memref<80x128xi32, #tpu.memory_space<vmem>> -> memref<1x128xi32, #tpu.memory_space<vmem>>
        %dma_wait3A_466 = tpu.memref_squeeze %dma_wait3A_465 : memref<1x128xi32, #tpu.memory_space<vmem>> -> memref<128xi32, #tpu.memory_space<vmem>>
        %dma_wait3A_467 = arith.constant 0 : i32
        %dma_wait3A_468 = arith.constant 0 : i32
        %dma_wait3A_469 = tpu.memref_slice %arg10[%dma_wait3A_467, %dma_wait3A_468] : memref<10112x16xf32, #tpu.memory_space<vmem_shared>> -> memref<10112x16xf32, #tpu.memory_space<vmem_shared>>
        tpu.wait_indirect_dma semaphore(%arg12 : memref<!tpu.dma_semaphore, #tpu.memory_space<semaphore_mem>>) src(%dma_wait3A_463 : memref<128x16xf32, #tpu.memory_space<vmem>>) dst(%dma_wait3A_469 : memref<10112x16xf32, #tpu.memory_space<vmem_shared>>)
        %add3A_470 = arith.constant 2 : i32
        %add3A_471 = arith.addi %mul3A_443, %add3A_470 : i32
        %dma_wait3A_472 = arith.constant 2 : i32
        %dma_wait3A_473 = arith.constant 0 : i32
        %dma_wait3A_474 = arith.constant 0 : i32
        %dma_wait3A_475 = tpu.memref_slice %arg9[%sub3A_441, %dma_wait3A_472, %dma_wait3A_473, %dma_wait3A_474] : memref<2x8x128x16xf32, #tpu.memory_space<vmem>> -> memref<1x1x128x16xf32, #tpu.memory_space<vmem>>
        %dma_wait3A_476 = tpu.memref_squeeze %dma_wait3A_475 : memref<1x1x128x16xf32, #tpu.memory_space<vmem>> -> memref<128x16xf32, #tpu.memory_space<vmem>>
        %dma_wait3A_477 = arith.constant 0 : i32
        %dma_wait3A_478 = tpu.memref_slice %arg8[%add3A_471, %dma_wait3A_477] : memref<80x128xi32, #tpu.memory_space<vmem>> -> memref<1x128xi32, #tpu.memory_space<vmem>>
        %dma_wait3A_479 = tpu.memref_squeeze %dma_wait3A_478 : memref<1x128xi32, #tpu.memory_space<vmem>> -> memref<128xi32, #tpu.memory_space<vmem>>
        %dma_wait3A_480 = arith.constant 0 : i32
        %dma_wait3A_481 = arith.constant 0 : i32
        %dma_wait3A_482 = tpu.memref_slice %arg10[%dma_wait3A_480, %dma_wait3A_481] : memref<10112x16xf32, #tpu.memory_space<vmem_shared>> -> memref<10112x16xf32, #tpu.memory_space<vmem_shared>>
        tpu.wait_indirect_dma semaphore(%arg12 : memref<!tpu.dma_semaphore, #tpu.memory_space<semaphore_mem>>) src(%dma_wait3A_476 : memref<128x16xf32, #tpu.memory_space<vmem>>) dst(%dma_wait3A_482 : memref<10112x16xf32, #tpu.memory_space<vmem_shared>>)
        %add3A_483 = arith.constant 3 : i32
        %add3A_484 = arith.addi %mul3A_443, %add3A_483 : i32
        %dma_wait3A_485 = arith.constant 3 : i32
        %dma_wait3A_486 = arith.constant 0 : i32
        %dma_wait3A_487 = arith.constant 0 : i32
        %dma_wait3A_488 = tpu.memref_slice %arg9[%sub3A_441, %dma_wait3A_485, %dma_wait3A_486, %dma_wait3A_487] : memref<2x8x128x16xf32, #tpu.memory_space<vmem>> -> memref<1x1x128x16xf32, #tpu.memory_space<vmem>>
        %dma_wait3A_489 = tpu.memref_squeeze %dma_wait3A_488 : memref<1x1x128x16xf32, #tpu.memory_space<vmem>> -> memref<128x16xf32, #tpu.memory_space<vmem>>
        %dma_wait3A_490 = arith.constant 0 : i32
        %dma_wait3A_491 = tpu.memref_slice %arg8[%add3A_484, %dma_wait3A_490] : memref<80x128xi32, #tpu.memory_space<vmem>> -> memref<1x128xi32, #tpu.memory_space<vmem>>
        %dma_wait3A_492 = tpu.memref_squeeze %dma_wait3A_491 : memref<1x128xi32, #tpu.memory_space<vmem>> -> memref<128xi32, #tpu.memory_space<vmem>>
        %dma_wait3A_493 = arith.constant 0 : i32
        %dma_wait3A_494 = arith.constant 0 : i32
        %dma_wait3A_495 = tpu.memref_slice %arg10[%dma_wait3A_493, %dma_wait3A_494] : memref<10112x16xf32, #tpu.memory_space<vmem_shared>> -> memref<10112x16xf32, #tpu.memory_space<vmem_shared>>
        tpu.wait_indirect_dma semaphore(%arg12 : memref<!tpu.dma_semaphore, #tpu.memory_space<semaphore_mem>>) src(%dma_wait3A_489 : memref<128x16xf32, #tpu.memory_space<vmem>>) dst(%dma_wait3A_495 : memref<10112x16xf32, #tpu.memory_space<vmem_shared>>)
        %add3A_496 = arith.constant 4 : i32
        %add3A_497 = arith.addi %mul3A_443, %add3A_496 : i32
        %dma_wait3A_498 = arith.constant 4 : i32
        %dma_wait3A_499 = arith.constant 0 : i32
        %dma_wait3A_500 = arith.constant 0 : i32
        %dma_wait3A_501 = tpu.memref_slice %arg9[%sub3A_441, %dma_wait3A_498, %dma_wait3A_499, %dma_wait3A_500] : memref<2x8x128x16xf32, #tpu.memory_space<vmem>> -> memref<1x1x128x16xf32, #tpu.memory_space<vmem>>
        %dma_wait3A_502 = tpu.memref_squeeze %dma_wait3A_501 : memref<1x1x128x16xf32, #tpu.memory_space<vmem>> -> memref<128x16xf32, #tpu.memory_space<vmem>>
        %dma_wait3A_503 = arith.constant 0 : i32
        %dma_wait3A_504 = tpu.memref_slice %arg8[%add3A_497, %dma_wait3A_503] : memref<80x128xi32, #tpu.memory_space<vmem>> -> memref<1x128xi32, #tpu.memory_space<vmem>>
        %dma_wait3A_505 = tpu.memref_squeeze %dma_wait3A_504 : memref<1x128xi32, #tpu.memory_space<vmem>> -> memref<128xi32, #tpu.memory_space<vmem>>
        %dma_wait3A_506 = arith.constant 0 : i32
        %dma_wait3A_507 = arith.constant 0 : i32
        %dma_wait3A_508 = tpu.memref_slice %arg10[%dma_wait3A_506, %dma_wait3A_507] : memref<10112x16xf32, #tpu.memory_space<vmem_shared>> -> memref<10112x16xf32, #tpu.memory_space<vmem_shared>>
        tpu.wait_indirect_dma semaphore(%arg12 : memref<!tpu.dma_semaphore, #tpu.memory_space<semaphore_mem>>) src(%dma_wait3A_502 : memref<128x16xf32, #tpu.memory_space<vmem>>) dst(%dma_wait3A_508 : memref<10112x16xf32, #tpu.memory_space<vmem_shared>>)
        %add3A_509 = arith.constant 5 : i32
        %add3A_510 = arith.addi %mul3A_443, %add3A_509 : i32
        %dma_wait3A_511 = arith.constant 5 : i32
        %dma_wait3A_512 = arith.constant 0 : i32
        %dma_wait3A_513 = arith.constant 0 : i32
        %dma_wait3A_514 = tpu.memref_slice %arg9[%sub3A_441, %dma_wait3A_511, %dma_wait3A_512, %dma_wait3A_513] : memref<2x8x128x16xf32, #tpu.memory_space<vmem>> -> memref<1x1x128x16xf32, #tpu.memory_space<vmem>>
        %dma_wait3A_515 = tpu.memref_squeeze %dma_wait3A_514 : memref<1x1x128x16xf32, #tpu.memory_space<vmem>> -> memref<128x16xf32, #tpu.memory_space<vmem>>
        %dma_wait3A_516 = arith.constant 0 : i32
        %dma_wait3A_517 = tpu.memref_slice %arg8[%add3A_510, %dma_wait3A_516] : memref<80x128xi32, #tpu.memory_space<vmem>> -> memref<1x128xi32, #tpu.memory_space<vmem>>
        %dma_wait3A_518 = tpu.memref_squeeze %dma_wait3A_517 : memref<1x128xi32, #tpu.memory_space<vmem>> -> memref<128xi32, #tpu.memory_space<vmem>>
        %dma_wait3A_519 = arith.constant 0 : i32
        %dma_wait3A_520 = arith.constant 0 : i32
        %dma_wait3A_521 = tpu.memref_slice %arg10[%dma_wait3A_519, %dma_wait3A_520] : memref<10112x16xf32, #tpu.memory_space<vmem_shared>> -> memref<10112x16xf32, #tpu.memory_space<vmem_shared>>
        tpu.wait_indirect_dma semaphore(%arg12 : memref<!tpu.dma_semaphore, #tpu.memory_space<semaphore_mem>>) src(%dma_wait3A_515 : memref<128x16xf32, #tpu.memory_space<vmem>>) dst(%dma_wait3A_521 : memref<10112x16xf32, #tpu.memory_space<vmem_shared>>)
        %add3A_522 = arith.constant 6 : i32
        %add3A_523 = arith.addi %mul3A_443, %add3A_522 : i32
        %dma_wait3A_524 = arith.constant 6 : i32
        %dma_wait3A_525 = arith.constant 0 : i32
        %dma_wait3A_526 = arith.constant 0 : i32
        %dma_wait3A_527 = tpu.memref_slice %arg9[%sub3A_441, %dma_wait3A_524, %dma_wait3A_525, %dma_wait3A_526] : memref<2x8x128x16xf32, #tpu.memory_space<vmem>> -> memref<1x1x128x16xf32, #tpu.memory_space<vmem>>
        %dma_wait3A_528 = tpu.memref_squeeze %dma_wait3A_527 : memref<1x1x128x16xf32, #tpu.memory_space<vmem>> -> memref<128x16xf32, #tpu.memory_space<vmem>>
        %dma_wait3A_529 = arith.constant 0 : i32
        %dma_wait3A_530 = tpu.memref_slice %arg8[%add3A_523, %dma_wait3A_529] : memref<80x128xi32, #tpu.memory_space<vmem>> -> memref<1x128xi32, #tpu.memory_space<vmem>>
        %dma_wait3A_531 = tpu.memref_squeeze %dma_wait3A_530 : memref<1x128xi32, #tpu.memory_space<vmem>> -> memref<128xi32, #tpu.memory_space<vmem>>
        %dma_wait3A_532 = arith.constant 0 : i32
        %dma_wait3A_533 = arith.constant 0 : i32
        %dma_wait3A_534 = tpu.memref_slice %arg10[%dma_wait3A_532, %dma_wait3A_533] : memref<10112x16xf32, #tpu.memory_space<vmem_shared>> -> memref<10112x16xf32, #tpu.memory_space<vmem_shared>>
        tpu.wait_indirect_dma semaphore(%arg12 : memref<!tpu.dma_semaphore, #tpu.memory_space<semaphore_mem>>) src(%dma_wait3A_528 : memref<128x16xf32, #tpu.memory_space<vmem>>) dst(%dma_wait3A_534 : memref<10112x16xf32, #tpu.memory_space<vmem_shared>>)
        %add3A_535 = arith.constant 7 : i32
        %add3A_536 = arith.addi %mul3A_443, %add3A_535 : i32
        %dma_wait3A_537 = arith.constant 7 : i32
        %dma_wait3A_538 = arith.constant 0 : i32
        %dma_wait3A_539 = arith.constant 0 : i32
        %dma_wait3A_540 = tpu.memref_slice %arg9[%sub3A_441, %dma_wait3A_537, %dma_wait3A_538, %dma_wait3A_539] : memref<2x8x128x16xf32, #tpu.memory_space<vmem>> -> memref<1x1x128x16xf32, #tpu.memory_space<vmem>>
        %dma_wait3A_541 = tpu.memref_squeeze %dma_wait3A_540 : memref<1x1x128x16xf32, #tpu.memory_space<vmem>> -> memref<128x16xf32, #tpu.memory_space<vmem>>
        %dma_wait3A_542 = arith.constant 0 : i32
        %dma_wait3A_543 = tpu.memref_slice %arg8[%add3A_536, %dma_wait3A_542] : memref<80x128xi32, #tpu.memory_space<vmem>> -> memref<1x128xi32, #tpu.memory_space<vmem>>
        %dma_wait3A_544 = tpu.memref_squeeze %dma_wait3A_543 : memref<1x128xi32, #tpu.memory_space<vmem>> -> memref<128xi32, #tpu.memory_space<vmem>>
        %dma_wait3A_545 = arith.constant 0 : i32
        %dma_wait3A_546 = arith.constant 0 : i32
        %dma_wait3A_547 = tpu.memref_slice %arg10[%dma_wait3A_545, %dma_wait3A_546] : memref<10112x16xf32, #tpu.memory_space<vmem_shared>> -> memref<10112x16xf32, #tpu.memory_space<vmem_shared>>
        tpu.wait_indirect_dma semaphore(%arg12 : memref<!tpu.dma_semaphore, #tpu.memory_space<semaphore_mem>>) src(%dma_wait3A_541 : memref<128x16xf32, #tpu.memory_space<vmem>>) dst(%dma_wait3A_547 : memref<10112x16xf32, #tpu.memory_space<vmem_shared>>)
      } else {
      }
      %add3A_221 = arith.constant 1 : i32
      %add3A_222 = arith.addi %add3A_216, %add3A_221 : i32
      %lt3A = arith.constant 10 : i32
      %lt3A_223 = arith.cmpi slt, %add3A_222, %lt3A : i32
      %convert_element_type3A_224 = arith.extui %lt3A_223 : i1 to i32
      %cond3A_225 = arith.constant 0 : i32
      %cond3A_226 = arith.cmpi ne, %convert_element_type3A_224, %cond3A_225 : i32
      scf.if %cond3A_226 {
        %add3A_439 = arith.constant 1 : i32
        %add3A_440 = arith.addi %add3A_216, %add3A_439 : i32
        %sub3A = arith.constant 1 : i32
        %sub3A_441 = arith.subi %sub3A, %rem3A_218 : i32
        %mul3A_442 = arith.constant 8 : i32
        %mul3A_443 = arith.muli %add3A_440, %mul3A_442 : i32
        %add3A_444 = arith.constant 0 : i32
        %add3A_445 = arith.addi %mul3A_443, %add3A_444 : i32
        %dma_start3A_446 = arith.constant 0 : i32
        %dma_start3A_447 = arith.constant 0 : i32
        %dma_start3A_448 = arith.constant 0 : i32
        %dma_start3A_449 = tpu.memref_slice %arg9[%sub3A_441, %dma_start3A_446, %dma_start3A_447, %dma_start3A_448] : memref<2x8x128x16xf32, #tpu.memory_space<vmem>> -> memref<1x1x128x16xf32, #tpu.memory_space<vmem>>
        %dma_start3A_450 = tpu.memref_squeeze %dma_start3A_449 : memref<1x1x128x16xf32, #tpu.memory_space<vmem>> -> memref<128x16xf32, #tpu.memory_space<vmem>>
        %dma_start3A_451 = arith.constant 0 : i32
        %dma_start3A_452 = tpu.memref_slice %arg7[%add3A_445, %dma_start3A_451] : memref<80x128xi32, #tpu.memory_space<vmem>> -> memref<1x128xi32, #tpu.memory_space<vmem>>
        %dma_start3A_453 = tpu.memref_squeeze %dma_start3A_452 : memref<1x128xi32, #tpu.memory_space<vmem>> -> memref<128xi32, #tpu.memory_space<vmem>>
        %dma_start3A_454 = arith.constant 0 : i32
        %dma_start3A_455 = arith.constant 0 : i32
        %dma_start3A_456 = tpu.memref_slice %arg2[%dma_start3A_454, %dma_start3A_455] : memref<10000x16xf32, #tpu.memory_space<hbm>> -> memref<10000x16xf32, #tpu.memory_space<hbm>>
        tpu.enqueue_indirect_dma source(%dma_start3A_456 : memref<10000x16xf32, #tpu.memory_space<hbm>>) target(%dma_start3A_450 : memref<128x16xf32, #tpu.memory_space<vmem>>) offsets(%dma_start3A_453 : memref<128xi32, #tpu.memory_space<vmem>>) semaphore(%arg11 : memref<!tpu.dma_semaphore, #tpu.memory_space<semaphore_mem>>)
        %add3A_457 = arith.constant 1 : i32
        %add3A_458 = arith.addi %mul3A_443, %add3A_457 : i32
        %dma_start3A_459 = arith.constant 1 : i32
        %dma_start3A_460 = arith.constant 0 : i32
        %dma_start3A_461 = arith.constant 0 : i32
        %dma_start3A_462 = tpu.memref_slice %arg9[%sub3A_441, %dma_start3A_459, %dma_start3A_460, %dma_start3A_461] : memref<2x8x128x16xf32, #tpu.memory_space<vmem>> -> memref<1x1x128x16xf32, #tpu.memory_space<vmem>>
        %dma_start3A_463 = tpu.memref_squeeze %dma_start3A_462 : memref<1x1x128x16xf32, #tpu.memory_space<vmem>> -> memref<128x16xf32, #tpu.memory_space<vmem>>
        %dma_start3A_464 = arith.constant 0 : i32
        %dma_start3A_465 = tpu.memref_slice %arg7[%add3A_458, %dma_start3A_464] : memref<80x128xi32, #tpu.memory_space<vmem>> -> memref<1x128xi32, #tpu.memory_space<vmem>>
        %dma_start3A_466 = tpu.memref_squeeze %dma_start3A_465 : memref<1x128xi32, #tpu.memory_space<vmem>> -> memref<128xi32, #tpu.memory_space<vmem>>
        %dma_start3A_467 = arith.constant 0 : i32
        %dma_start3A_468 = arith.constant 0 : i32
        %dma_start3A_469 = tpu.memref_slice %arg2[%dma_start3A_467, %dma_start3A_468] : memref<10000x16xf32, #tpu.memory_space<hbm>> -> memref<10000x16xf32, #tpu.memory_space<hbm>>
        tpu.enqueue_indirect_dma source(%dma_start3A_469 : memref<10000x16xf32, #tpu.memory_space<hbm>>) target(%dma_start3A_463 : memref<128x16xf32, #tpu.memory_space<vmem>>) offsets(%dma_start3A_466 : memref<128xi32, #tpu.memory_space<vmem>>) semaphore(%arg11 : memref<!tpu.dma_semaphore, #tpu.memory_space<semaphore_mem>>)
        %add3A_470 = arith.constant 2 : i32
        %add3A_471 = arith.addi %mul3A_443, %add3A_470 : i32
        %dma_start3A_472 = arith.constant 2 : i32
        %dma_start3A_473 = arith.constant 0 : i32
        %dma_start3A_474 = arith.constant 0 : i32
        %dma_start3A_475 = tpu.memref_slice %arg9[%sub3A_441, %dma_start3A_472, %dma_start3A_473, %dma_start3A_474] : memref<2x8x128x16xf32, #tpu.memory_space<vmem>> -> memref<1x1x128x16xf32, #tpu.memory_space<vmem>>
        %dma_start3A_476 = tpu.memref_squeeze %dma_start3A_475 : memref<1x1x128x16xf32, #tpu.memory_space<vmem>> -> memref<128x16xf32, #tpu.memory_space<vmem>>
        %dma_start3A_477 = arith.constant 0 : i32
        %dma_start3A_478 = tpu.memref_slice %arg7[%add3A_471, %dma_start3A_477] : memref<80x128xi32, #tpu.memory_space<vmem>> -> memref<1x128xi32, #tpu.memory_space<vmem>>
        %dma_start3A_479 = tpu.memref_squeeze %dma_start3A_478 : memref<1x128xi32, #tpu.memory_space<vmem>> -> memref<128xi32, #tpu.memory_space<vmem>>
        %dma_start3A_480 = arith.constant 0 : i32
        %dma_start3A_481 = arith.constant 0 : i32
        %dma_start3A_482 = tpu.memref_slice %arg2[%dma_start3A_480, %dma_start3A_481] : memref<10000x16xf32, #tpu.memory_space<hbm>> -> memref<10000x16xf32, #tpu.memory_space<hbm>>
        tpu.enqueue_indirect_dma source(%dma_start3A_482 : memref<10000x16xf32, #tpu.memory_space<hbm>>) target(%dma_start3A_476 : memref<128x16xf32, #tpu.memory_space<vmem>>) offsets(%dma_start3A_479 : memref<128xi32, #tpu.memory_space<vmem>>) semaphore(%arg11 : memref<!tpu.dma_semaphore, #tpu.memory_space<semaphore_mem>>)
        %add3A_483 = arith.constant 3 : i32
        %add3A_484 = arith.addi %mul3A_443, %add3A_483 : i32
        %dma_start3A_485 = arith.constant 3 : i32
        %dma_start3A_486 = arith.constant 0 : i32
        %dma_start3A_487 = arith.constant 0 : i32
        %dma_start3A_488 = tpu.memref_slice %arg9[%sub3A_441, %dma_start3A_485, %dma_start3A_486, %dma_start3A_487] : memref<2x8x128x16xf32, #tpu.memory_space<vmem>> -> memref<1x1x128x16xf32, #tpu.memory_space<vmem>>
        %dma_start3A_489 = tpu.memref_squeeze %dma_start3A_488 : memref<1x1x128x16xf32, #tpu.memory_space<vmem>> -> memref<128x16xf32, #tpu.memory_space<vmem>>
        %dma_start3A_490 = arith.constant 0 : i32
        %dma_start3A_491 = tpu.memref_slice %arg7[%add3A_484, %dma_start3A_490] : memref<80x128xi32, #tpu.memory_space<vmem>> -> memref<1x128xi32, #tpu.memory_space<vmem>>
        %dma_start3A_492 = tpu.memref_squeeze %dma_start3A_491 : memref<1x128xi32, #tpu.memory_space<vmem>> -> memref<128xi32, #tpu.memory_space<vmem>>
        %dma_start3A_493 = arith.constant 0 : i32
        %dma_start3A_494 = arith.constant 0 : i32
        %dma_start3A_495 = tpu.memref_slice %arg2[%dma_start3A_493, %dma_start3A_494] : memref<10000x16xf32, #tpu.memory_space<hbm>> -> memref<10000x16xf32, #tpu.memory_space<hbm>>
        tpu.enqueue_indirect_dma source(%dma_start3A_495 : memref<10000x16xf32, #tpu.memory_space<hbm>>) target(%dma_start3A_489 : memref<128x16xf32, #tpu.memory_space<vmem>>) offsets(%dma_start3A_492 : memref<128xi32, #tpu.memory_space<vmem>>) semaphore(%arg11 : memref<!tpu.dma_semaphore, #tpu.memory_space<semaphore_mem>>)
        %add3A_496 = arith.constant 4 : i32
        %add3A_497 = arith.addi %mul3A_443, %add3A_496 : i32
        %dma_start3A_498 = arith.constant 4 : i32
        %dma_start3A_499 = arith.constant 0 : i32
        %dma_start3A_500 = arith.constant 0 : i32
        %dma_start3A_501 = tpu.memref_slice %arg9[%sub3A_441, %dma_start3A_498, %dma_start3A_499, %dma_start3A_500] : memref<2x8x128x16xf32, #tpu.memory_space<vmem>> -> memref<1x1x128x16xf32, #tpu.memory_space<vmem>>
        %dma_start3A_502 = tpu.memref_squeeze %dma_start3A_501 : memref<1x1x128x16xf32, #tpu.memory_space<vmem>> -> memref<128x16xf32, #tpu.memory_space<vmem>>
        %dma_start3A_503 = arith.constant 0 : i32
        %dma_start3A_504 = tpu.memref_slice %arg7[%add3A_497, %dma_start3A_503] : memref<80x128xi32, #tpu.memory_space<vmem>> -> memref<1x128xi32, #tpu.memory_space<vmem>>
        %dma_start3A_505 = tpu.memref_squeeze %dma_start3A_504 : memref<1x128xi32, #tpu.memory_space<vmem>> -> memref<128xi32, #tpu.memory_space<vmem>>
        %dma_start3A_506 = arith.constant 0 : i32
        %dma_start3A_507 = arith.constant 0 : i32
        %dma_start3A_508 = tpu.memref_slice %arg2[%dma_start3A_506, %dma_start3A_507] : memref<10000x16xf32, #tpu.memory_space<hbm>> -> memref<10000x16xf32, #tpu.memory_space<hbm>>
        tpu.enqueue_indirect_dma source(%dma_start3A_508 : memref<10000x16xf32, #tpu.memory_space<hbm>>) target(%dma_start3A_502 : memref<128x16xf32, #tpu.memory_space<vmem>>) offsets(%dma_start3A_505 : memref<128xi32, #tpu.memory_space<vmem>>) semaphore(%arg11 : memref<!tpu.dma_semaphore, #tpu.memory_space<semaphore_mem>>)
        %add3A_509 = arith.constant 5 : i32
        %add3A_510 = arith.addi %mul3A_443, %add3A_509 : i32
        %dma_start3A_511 = arith.constant 5 : i32
        %dma_start3A_512 = arith.constant 0 : i32
        %dma_start3A_513 = arith.constant 0 : i32
        %dma_start3A_514 = tpu.memref_slice %arg9[%sub3A_441, %dma_start3A_511, %dma_start3A_512, %dma_start3A_513] : memref<2x8x128x16xf32, #tpu.memory_space<vmem>> -> memref<1x1x128x16xf32, #tpu.memory_space<vmem>>
        %dma_start3A_515 = tpu.memref_squeeze %dma_start3A_514 : memref<1x1x128x16xf32, #tpu.memory_space<vmem>> -> memref<128x16xf32, #tpu.memory_space<vmem>>
        %dma_start3A_516 = arith.constant 0 : i32
        %dma_start3A_517 = tpu.memref_slice %arg7[%add3A_510, %dma_start3A_516] : memref<80x128xi32, #tpu.memory_space<vmem>> -> memref<1x128xi32, #tpu.memory_space<vmem>>
        %dma_start3A_518 = tpu.memref_squeeze %dma_start3A_517 : memref<1x128xi32, #tpu.memory_space<vmem>> -> memref<128xi32, #tpu.memory_space<vmem>>
        %dma_start3A_519 = arith.constant 0 : i32
        %dma_start3A_520 = arith.constant 0 : i32
        %dma_start3A_521 = tpu.memref_slice %arg2[%dma_start3A_519, %dma_start3A_520] : memref<10000x16xf32, #tpu.memory_space<hbm>> -> memref<10000x16xf32, #tpu.memory_space<hbm>>
        tpu.enqueue_indirect_dma source(%dma_start3A_521 : memref<10000x16xf32, #tpu.memory_space<hbm>>) target(%dma_start3A_515 : memref<128x16xf32, #tpu.memory_space<vmem>>) offsets(%dma_start3A_518 : memref<128xi32, #tpu.memory_space<vmem>>) semaphore(%arg11 : memref<!tpu.dma_semaphore, #tpu.memory_space<semaphore_mem>>)
        %add3A_522 = arith.constant 6 : i32
        %add3A_523 = arith.addi %mul3A_443, %add3A_522 : i32
        %dma_start3A_524 = arith.constant 6 : i32
        %dma_start3A_525 = arith.constant 0 : i32
        %dma_start3A_526 = arith.constant 0 : i32
        %dma_start3A_527 = tpu.memref_slice %arg9[%sub3A_441, %dma_start3A_524, %dma_start3A_525, %dma_start3A_526] : memref<2x8x128x16xf32, #tpu.memory_space<vmem>> -> memref<1x1x128x16xf32, #tpu.memory_space<vmem>>
        %dma_start3A_528 = tpu.memref_squeeze %dma_start3A_527 : memref<1x1x128x16xf32, #tpu.memory_space<vmem>> -> memref<128x16xf32, #tpu.memory_space<vmem>>
        %dma_start3A_529 = arith.constant 0 : i32
        %dma_start3A_530 = tpu.memref_slice %arg7[%add3A_523, %dma_start3A_529] : memref<80x128xi32, #tpu.memory_space<vmem>> -> memref<1x128xi32, #tpu.memory_space<vmem>>
        %dma_start3A_531 = tpu.memref_squeeze %dma_start3A_530 : memref<1x128xi32, #tpu.memory_space<vmem>> -> memref<128xi32, #tpu.memory_space<vmem>>
        %dma_start3A_532 = arith.constant 0 : i32
        %dma_start3A_533 = arith.constant 0 : i32
        %dma_start3A_534 = tpu.memref_slice %arg2[%dma_start3A_532, %dma_start3A_533] : memref<10000x16xf32, #tpu.memory_space<hbm>> -> memref<10000x16xf32, #tpu.memory_space<hbm>>
        tpu.enqueue_indirect_dma source(%dma_start3A_534 : memref<10000x16xf32, #tpu.memory_space<hbm>>) target(%dma_start3A_528 : memref<128x16xf32, #tpu.memory_space<vmem>>) offsets(%dma_start3A_531 : memref<128xi32, #tpu.memory_space<vmem>>) semaphore(%arg11 : memref<!tpu.dma_semaphore, #tpu.memory_space<semaphore_mem>>)
        %add3A_535 = arith.constant 7 : i32
        %add3A_536 = arith.addi %mul3A_443, %add3A_535 : i32
        %dma_start3A_537 = arith.constant 7 : i32
        %dma_start3A_538 = arith.constant 0 : i32
        %dma_start3A_539 = arith.constant 0 : i32
        %dma_start3A_540 = tpu.memref_slice %arg9[%sub3A_441, %dma_start3A_537, %dma_start3A_538, %dma_start3A_539] : memref<2x8x128x16xf32, #tpu.memory_space<vmem>> -> memref<1x1x128x16xf32, #tpu.memory_space<vmem>>
        %dma_start3A_541 = tpu.memref_squeeze %dma_start3A_540 : memref<1x1x128x16xf32, #tpu.memory_space<vmem>> -> memref<128x16xf32, #tpu.memory_space<vmem>>
        %dma_start3A_542 = arith.constant 0 : i32
        %dma_start3A_543 = tpu.memref_slice %arg7[%add3A_536, %dma_start3A_542] : memref<80x128xi32, #tpu.memory_space<vmem>> -> memref<1x128xi32, #tpu.memory_space<vmem>>
        %dma_start3A_544 = tpu.memref_squeeze %dma_start3A_543 : memref<1x128xi32, #tpu.memory_space<vmem>> -> memref<128xi32, #tpu.memory_space<vmem>>
        %dma_start3A_545 = arith.constant 0 : i32
        %dma_start3A_546 = arith.constant 0 : i32
        %dma_start3A_547 = tpu.memref_slice %arg2[%dma_start3A_545, %dma_start3A_546] : memref<10000x16xf32, #tpu.memory_space<hbm>> -> memref<10000x16xf32, #tpu.memory_space<hbm>>
        tpu.enqueue_indirect_dma source(%dma_start3A_547 : memref<10000x16xf32, #tpu.memory_space<hbm>>) target(%dma_start3A_541 : memref<128x16xf32, #tpu.memory_space<vmem>>) offsets(%dma_start3A_544 : memref<128xi32, #tpu.memory_space<vmem>>) semaphore(%arg11 : memref<!tpu.dma_semaphore, #tpu.memory_space<semaphore_mem>>)
      } else {
      }
      %mul3A_227 = arith.constant 8 : i32
      %mul3A_228 = arith.muli %add3A_216, %mul3A_227 : i32
      %add3A_229 = arith.constant 0 : i32
      %add3A_230 = arith.addi %mul3A_228, %add3A_229 : i32
      %dma_wait3A_231 = arith.constant 0 : i32
      %dma_wait3A_232 = arith.constant 0 : i32
      %dma_wait3A_233 = arith.constant 0 : i32
      %dma_wait3A_234 = tpu.memref_slice %arg9[%rem3A_218, %dma_wait3A_231, %dma_wait3A_232, %dma_wait3A_233] : memref<2x8x128x16xf32, #tpu.memory_space<vmem>> -> memref<1x1x128x16xf32, #tpu.memory_space<vmem>>
      %dma_wait3A_235 = tpu.memref_squeeze %dma_wait3A_234 : memref<1x1x128x16xf32, #tpu.memory_space<vmem>> -> memref<128x16xf32, #tpu.memory_space<vmem>>
      %dma_wait3A_236 = arith.constant 0 : i32
      %dma_wait3A_237 = tpu.memref_slice %arg7[%add3A_230, %dma_wait3A_236] : memref<80x128xi32, #tpu.memory_space<vmem>> -> memref<1x128xi32, #tpu.memory_space<vmem>>
      %dma_wait3A_238 = tpu.memref_squeeze %dma_wait3A_237 : memref<1x128xi32, #tpu.memory_space<vmem>> -> memref<128xi32, #tpu.memory_space<vmem>>
      %dma_wait3A_239 = arith.constant 0 : i32
      %dma_wait3A_240 = arith.constant 0 : i32
      %dma_wait3A_241 = tpu.memref_slice %arg2[%dma_wait3A_239, %dma_wait3A_240] : memref<10000x16xf32, #tpu.memory_space<hbm>> -> memref<10000x16xf32, #tpu.memory_space<hbm>>
      tpu.wait_indirect_dma semaphore(%arg11 : memref<!tpu.dma_semaphore, #tpu.memory_space<semaphore_mem>>) src(%dma_wait3A_241 : memref<10000x16xf32, #tpu.memory_space<hbm>>) dst(%dma_wait3A_235 : memref<128x16xf32, #tpu.memory_space<vmem>>)
      %add3A_242 = arith.constant 1 : i32
      %add3A_243 = arith.addi %mul3A_228, %add3A_242 : i32
      %dma_wait3A_244 = arith.constant 1 : i32
      %dma_wait3A_245 = arith.constant 0 : i32
      %dma_wait3A_246 = arith.constant 0 : i32
      %dma_wait3A_247 = tpu.memref_slice %arg9[%rem3A_218, %dma_wait3A_244, %dma_wait3A_245, %dma_wait3A_246] : memref<2x8x128x16xf32, #tpu.memory_space<vmem>> -> memref<1x1x128x16xf32, #tpu.memory_space<vmem>>
      %dma_wait3A_248 = tpu.memref_squeeze %dma_wait3A_247 : memref<1x1x128x16xf32, #tpu.memory_space<vmem>> -> memref<128x16xf32, #tpu.memory_space<vmem>>
      %dma_wait3A_249 = arith.constant 0 : i32
      %dma_wait3A_250 = tpu.memref_slice %arg7[%add3A_243, %dma_wait3A_249] : memref<80x128xi32, #tpu.memory_space<vmem>> -> memref<1x128xi32, #tpu.memory_space<vmem>>
      %dma_wait3A_251 = tpu.memref_squeeze %dma_wait3A_250 : memref<1x128xi32, #tpu.memory_space<vmem>> -> memref<128xi32, #tpu.memory_space<vmem>>
      %dma_wait3A_252 = arith.constant 0 : i32
      %dma_wait3A_253 = arith.constant 0 : i32
      %dma_wait3A_254 = tpu.memref_slice %arg2[%dma_wait3A_252, %dma_wait3A_253] : memref<10000x16xf32, #tpu.memory_space<hbm>> -> memref<10000x16xf32, #tpu.memory_space<hbm>>
      tpu.wait_indirect_dma semaphore(%arg11 : memref<!tpu.dma_semaphore, #tpu.memory_space<semaphore_mem>>) src(%dma_wait3A_254 : memref<10000x16xf32, #tpu.memory_space<hbm>>) dst(%dma_wait3A_248 : memref<128x16xf32, #tpu.memory_space<vmem>>)
      %add3A_255 = arith.constant 2 : i32
      %add3A_256 = arith.addi %mul3A_228, %add3A_255 : i32
      %dma_wait3A_257 = arith.constant 2 : i32
      %dma_wait3A_258 = arith.constant 0 : i32
      %dma_wait3A_259 = arith.constant 0 : i32
      %dma_wait3A_260 = tpu.memref_slice %arg9[%rem3A_218, %dma_wait3A_257, %dma_wait3A_258, %dma_wait3A_259] : memref<2x8x128x16xf32, #tpu.memory_space<vmem>> -> memref<1x1x128x16xf32, #tpu.memory_space<vmem>>
      %dma_wait3A_261 = tpu.memref_squeeze %dma_wait3A_260 : memref<1x1x128x16xf32, #tpu.memory_space<vmem>> -> memref<128x16xf32, #tpu.memory_space<vmem>>
      %dma_wait3A_262 = arith.constant 0 : i32
      %dma_wait3A_263 = tpu.memref_slice %arg7[%add3A_256, %dma_wait3A_262] : memref<80x128xi32, #tpu.memory_space<vmem>> -> memref<1x128xi32, #tpu.memory_space<vmem>>
      %dma_wait3A_264 = tpu.memref_squeeze %dma_wait3A_263 : memref<1x128xi32, #tpu.memory_space<vmem>> -> memref<128xi32, #tpu.memory_space<vmem>>
      %dma_wait3A_265 = arith.constant 0 : i32
      %dma_wait3A_266 = arith.constant 0 : i32
      %dma_wait3A_267 = tpu.memref_slice %arg2[%dma_wait3A_265, %dma_wait3A_266] : memref<10000x16xf32, #tpu.memory_space<hbm>> -> memref<10000x16xf32, #tpu.memory_space<hbm>>
      tpu.wait_indirect_dma semaphore(%arg11 : memref<!tpu.dma_semaphore, #tpu.memory_space<semaphore_mem>>) src(%dma_wait3A_267 : memref<10000x16xf32, #tpu.memory_space<hbm>>) dst(%dma_wait3A_261 : memref<128x16xf32, #tpu.memory_space<vmem>>)
      %add3A_268 = arith.constant 3 : i32
      %add3A_269 = arith.addi %mul3A_228, %add3A_268 : i32
      %dma_wait3A_270 = arith.constant 3 : i32
      %dma_wait3A_271 = arith.constant 0 : i32
      %dma_wait3A_272 = arith.constant 0 : i32
      %dma_wait3A_273 = tpu.memref_slice %arg9[%rem3A_218, %dma_wait3A_270, %dma_wait3A_271, %dma_wait3A_272] : memref<2x8x128x16xf32, #tpu.memory_space<vmem>> -> memref<1x1x128x16xf32, #tpu.memory_space<vmem>>
      %dma_wait3A_274 = tpu.memref_squeeze %dma_wait3A_273 : memref<1x1x128x16xf32, #tpu.memory_space<vmem>> -> memref<128x16xf32, #tpu.memory_space<vmem>>
      %dma_wait3A_275 = arith.constant 0 : i32
      %dma_wait3A_276 = tpu.memref_slice %arg7[%add3A_269, %dma_wait3A_275] : memref<80x128xi32, #tpu.memory_space<vmem>> -> memref<1x128xi32, #tpu.memory_space<vmem>>
      %dma_wait3A_277 = tpu.memref_squeeze %dma_wait3A_276 : memref<1x128xi32, #tpu.memory_space<vmem>> -> memref<128xi32, #tpu.memory_space<vmem>>
      %dma_wait3A_278 = arith.constant 0 : i32
      %dma_wait3A_279 = arith.constant 0 : i32
      %dma_wait3A_280 = tpu.memref_slice %arg2[%dma_wait3A_278, %dma_wait3A_279] : memref<10000x16xf32, #tpu.memory_space<hbm>> -> memref<10000x16xf32, #tpu.memory_space<hbm>>
      tpu.wait_indirect_dma semaphore(%arg11 : memref<!tpu.dma_semaphore, #tpu.memory_space<semaphore_mem>>) src(%dma_wait3A_280 : memref<10000x16xf32, #tpu.memory_space<hbm>>) dst(%dma_wait3A_274 : memref<128x16xf32, #tpu.memory_space<vmem>>)
      %add3A_281 = arith.constant 4 : i32
      %add3A_282 = arith.addi %mul3A_228, %add3A_281 : i32
      %dma_wait3A_283 = arith.constant 4 : i32
      %dma_wait3A_284 = arith.constant 0 : i32
      %dma_wait3A_285 = arith.constant 0 : i32
      %dma_wait3A_286 = tpu.memref_slice %arg9[%rem3A_218, %dma_wait3A_283, %dma_wait3A_284, %dma_wait3A_285] : memref<2x8x128x16xf32, #tpu.memory_space<vmem>> -> memref<1x1x128x16xf32, #tpu.memory_space<vmem>>
      %dma_wait3A_287 = tpu.memref_squeeze %dma_wait3A_286 : memref<1x1x128x16xf32, #tpu.memory_space<vmem>> -> memref<128x16xf32, #tpu.memory_space<vmem>>
      %dma_wait3A_288 = arith.constant 0 : i32
      %dma_wait3A_289 = tpu.memref_slice %arg7[%add3A_282, %dma_wait3A_288] : memref<80x128xi32, #tpu.memory_space<vmem>> -> memref<1x128xi32, #tpu.memory_space<vmem>>
      %dma_wait3A_290 = tpu.memref_squeeze %dma_wait3A_289 : memref<1x128xi32, #tpu.memory_space<vmem>> -> memref<128xi32, #tpu.memory_space<vmem>>
      %dma_wait3A_291 = arith.constant 0 : i32
      %dma_wait3A_292 = arith.constant 0 : i32
      %dma_wait3A_293 = tpu.memref_slice %arg2[%dma_wait3A_291, %dma_wait3A_292] : memref<10000x16xf32, #tpu.memory_space<hbm>> -> memref<10000x16xf32, #tpu.memory_space<hbm>>
      tpu.wait_indirect_dma semaphore(%arg11 : memref<!tpu.dma_semaphore, #tpu.memory_space<semaphore_mem>>) src(%dma_wait3A_293 : memref<10000x16xf32, #tpu.memory_space<hbm>>) dst(%dma_wait3A_287 : memref<128x16xf32, #tpu.memory_space<vmem>>)
      %add3A_294 = arith.constant 5 : i32
      %add3A_295 = arith.addi %mul3A_228, %add3A_294 : i32
      %dma_wait3A_296 = arith.constant 5 : i32
      %dma_wait3A_297 = arith.constant 0 : i32
      %dma_wait3A_298 = arith.constant 0 : i32
      %dma_wait3A_299 = tpu.memref_slice %arg9[%rem3A_218, %dma_wait3A_296, %dma_wait3A_297, %dma_wait3A_298] : memref<2x8x128x16xf32, #tpu.memory_space<vmem>> -> memref<1x1x128x16xf32, #tpu.memory_space<vmem>>
      %dma_wait3A_300 = tpu.memref_squeeze %dma_wait3A_299 : memref<1x1x128x16xf32, #tpu.memory_space<vmem>> -> memref<128x16xf32, #tpu.memory_space<vmem>>
      %dma_wait3A_301 = arith.constant 0 : i32
      %dma_wait3A_302 = tpu.memref_slice %arg7[%add3A_295, %dma_wait3A_301] : memref<80x128xi32, #tpu.memory_space<vmem>> -> memref<1x128xi32, #tpu.memory_space<vmem>>
      %dma_wait3A_303 = tpu.memref_squeeze %dma_wait3A_302 : memref<1x128xi32, #tpu.memory_space<vmem>> -> memref<128xi32, #tpu.memory_space<vmem>>
      %dma_wait3A_304 = arith.constant 0 : i32
      %dma_wait3A_305 = arith.constant 0 : i32
      %dma_wait3A_306 = tpu.memref_slice %arg2[%dma_wait3A_304, %dma_wait3A_305] : memref<10000x16xf32, #tpu.memory_space<hbm>> -> memref<10000x16xf32, #tpu.memory_space<hbm>>
      tpu.wait_indirect_dma semaphore(%arg11 : memref<!tpu.dma_semaphore, #tpu.memory_space<semaphore_mem>>) src(%dma_wait3A_306 : memref<10000x16xf32, #tpu.memory_space<hbm>>) dst(%dma_wait3A_300 : memref<128x16xf32, #tpu.memory_space<vmem>>)
      %add3A_307 = arith.constant 6 : i32
      %add3A_308 = arith.addi %mul3A_228, %add3A_307 : i32
      %dma_wait3A_309 = arith.constant 6 : i32
      %dma_wait3A_310 = arith.constant 0 : i32
      %dma_wait3A_311 = arith.constant 0 : i32
      %dma_wait3A_312 = tpu.memref_slice %arg9[%rem3A_218, %dma_wait3A_309, %dma_wait3A_310, %dma_wait3A_311] : memref<2x8x128x16xf32, #tpu.memory_space<vmem>> -> memref<1x1x128x16xf32, #tpu.memory_space<vmem>>
      %dma_wait3A_313 = tpu.memref_squeeze %dma_wait3A_312 : memref<1x1x128x16xf32, #tpu.memory_space<vmem>> -> memref<128x16xf32, #tpu.memory_space<vmem>>
      %dma_wait3A_314 = arith.constant 0 : i32
      %dma_wait3A_315 = tpu.memref_slice %arg7[%add3A_308, %dma_wait3A_314] : memref<80x128xi32, #tpu.memory_space<vmem>> -> memref<1x128xi32, #tpu.memory_space<vmem>>
      %dma_wait3A_316 = tpu.memref_squeeze %dma_wait3A_315 : memref<1x128xi32, #tpu.memory_space<vmem>> -> memref<128xi32, #tpu.memory_space<vmem>>
      %dma_wait3A_317 = arith.constant 0 : i32
      %dma_wait3A_318 = arith.constant 0 : i32
      %dma_wait3A_319 = tpu.memref_slice %arg2[%dma_wait3A_317, %dma_wait3A_318] : memref<10000x16xf32, #tpu.memory_space<hbm>> -> memref<10000x16xf32, #tpu.memory_space<hbm>>
      tpu.wait_indirect_dma semaphore(%arg11 : memref<!tpu.dma_semaphore, #tpu.memory_space<semaphore_mem>>) src(%dma_wait3A_319 : memref<10000x16xf32, #tpu.memory_space<hbm>>) dst(%dma_wait3A_313 : memref<128x16xf32, #tpu.memory_space<vmem>>)
      %add3A_320 = arith.constant 7 : i32
      %add3A_321 = arith.addi %mul3A_228, %add3A_320 : i32
      %dma_wait3A_322 = arith.constant 7 : i32
      %dma_wait3A_323 = arith.constant 0 : i32
      %dma_wait3A_324 = arith.constant 0 : i32
      %dma_wait3A_325 = tpu.memref_slice %arg9[%rem3A_218, %dma_wait3A_322, %dma_wait3A_323, %dma_wait3A_324] : memref<2x8x128x16xf32, #tpu.memory_space<vmem>> -> memref<1x1x128x16xf32, #tpu.memory_space<vmem>>
      %dma_wait3A_326 = tpu.memref_squeeze %dma_wait3A_325 : memref<1x1x128x16xf32, #tpu.memory_space<vmem>> -> memref<128x16xf32, #tpu.memory_space<vmem>>
      %dma_wait3A_327 = arith.constant 0 : i32
      %dma_wait3A_328 = tpu.memref_slice %arg7[%add3A_321, %dma_wait3A_327] : memref<80x128xi32, #tpu.memory_space<vmem>> -> memref<1x128xi32, #tpu.memory_space<vmem>>
      %dma_wait3A_329 = tpu.memref_squeeze %dma_wait3A_328 : memref<1x128xi32, #tpu.memory_space<vmem>> -> memref<128xi32, #tpu.memory_space<vmem>>
      %dma_wait3A_330 = arith.constant 0 : i32
      %dma_wait3A_331 = arith.constant 0 : i32
      %dma_wait3A_332 = tpu.memref_slice %arg2[%dma_wait3A_330, %dma_wait3A_331] : memref<10000x16xf32, #tpu.memory_space<hbm>> -> memref<10000x16xf32, #tpu.memory_space<hbm>>
      tpu.wait_indirect_dma semaphore(%arg11 : memref<!tpu.dma_semaphore, #tpu.memory_space<semaphore_mem>>) src(%dma_wait3A_332 : memref<10000x16xf32, #tpu.memory_space<hbm>>) dst(%dma_wait3A_326 : memref<128x16xf32, #tpu.memory_space<vmem>>)
      %mul3A_333 = arith.constant 8 : i32
      %mul3A_334 = arith.muli %add3A_216, %mul3A_333 : i32
      %add3A_335 = arith.constant 0 : i32
      %add3A_336 = arith.addi %mul3A_334, %add3A_335 : i32
      %dma_start3A_337 = arith.constant 0 : i32
      %dma_start3A_338 = arith.constant 0 : i32
      %dma_start3A_339 = arith.constant 0 : i32
      %dma_start3A_340 = tpu.memref_slice %arg9[%rem3A_218, %dma_start3A_337, %dma_start3A_338, %dma_start3A_339] : memref<2x8x128x16xf32, #tpu.memory_space<vmem>> -> memref<1x1x128x16xf32, #tpu.memory_space<vmem>>
      %dma_start3A_341 = tpu.memref_squeeze %dma_start3A_340 : memref<1x1x128x16xf32, #tpu.memory_space<vmem>> -> memref<128x16xf32, #tpu.memory_space<vmem>>
      %dma_start3A_342 = arith.constant 0 : i32
      %dma_start3A_343 = tpu.memref_slice %arg8[%add3A_336, %dma_start3A_342] : memref<80x128xi32, #tpu.memory_space<vmem>> -> memref<1x128xi32, #tpu.memory_space<vmem>>
      %dma_start3A_344 = tpu.memref_squeeze %dma_start3A_343 : memref<1x128xi32, #tpu.memory_space<vmem>> -> memref<128xi32, #tpu.memory_space<vmem>>
      %dma_start3A_345 = arith.constant 0 : i32
      %dma_start3A_346 = arith.constant 0 : i32
      %dma_start3A_347 = tpu.memref_slice %arg10[%dma_start3A_345, %dma_start3A_346] : memref<10112x16xf32, #tpu.memory_space<vmem_shared>> -> memref<10112x16xf32, #tpu.memory_space<vmem_shared>>
      tpu.enqueue_indirect_dma source(%dma_start3A_341 : memref<128x16xf32, #tpu.memory_space<vmem>>) target(%dma_start3A_347 : memref<10112x16xf32, #tpu.memory_space<vmem_shared>>) offsets(%dma_start3A_344 : memref<128xi32, #tpu.memory_space<vmem>>) semaphore(%arg12 : memref<!tpu.dma_semaphore, #tpu.memory_space<semaphore_mem>>) {add = true}
      %add3A_348 = arith.constant 1 : i32
      %add3A_349 = arith.addi %mul3A_334, %add3A_348 : i32
      %dma_start3A_350 = arith.constant 1 : i32
      %dma_start3A_351 = arith.constant 0 : i32
      %dma_start3A_352 = arith.constant 0 : i32
      %dma_start3A_353 = tpu.memref_slice %arg9[%rem3A_218, %dma_start3A_350, %dma_start3A_351, %dma_start3A_352] : memref<2x8x128x16xf32, #tpu.memory_space<vmem>> -> memref<1x1x128x16xf32, #tpu.memory_space<vmem>>
      %dma_start3A_354 = tpu.memref_squeeze %dma_start3A_353 : memref<1x1x128x16xf32, #tpu.memory_space<vmem>> -> memref<128x16xf32, #tpu.memory_space<vmem>>
      %dma_start3A_355 = arith.constant 0 : i32
      %dma_start3A_356 = tpu.memref_slice %arg8[%add3A_349, %dma_start3A_355] : memref<80x128xi32, #tpu.memory_space<vmem>> -> memref<1x128xi32, #tpu.memory_space<vmem>>
      %dma_start3A_357 = tpu.memref_squeeze %dma_start3A_356 : memref<1x128xi32, #tpu.memory_space<vmem>> -> memref<128xi32, #tpu.memory_space<vmem>>
      %dma_start3A_358 = arith.constant 0 : i32
      %dma_start3A_359 = arith.constant 0 : i32
      %dma_start3A_360 = tpu.memref_slice %arg10[%dma_start3A_358, %dma_start3A_359] : memref<10112x16xf32, #tpu.memory_space<vmem_shared>> -> memref<10112x16xf32, #tpu.memory_space<vmem_shared>>
      tpu.enqueue_indirect_dma source(%dma_start3A_354 : memref<128x16xf32, #tpu.memory_space<vmem>>) target(%dma_start3A_360 : memref<10112x16xf32, #tpu.memory_space<vmem_shared>>) offsets(%dma_start3A_357 : memref<128xi32, #tpu.memory_space<vmem>>) semaphore(%arg12 : memref<!tpu.dma_semaphore, #tpu.memory_space<semaphore_mem>>) {add = true}
      %add3A_361 = arith.constant 2 : i32
      %add3A_362 = arith.addi %mul3A_334, %add3A_361 : i32
      %dma_start3A_363 = arith.constant 2 : i32
      %dma_start3A_364 = arith.constant 0 : i32
      %dma_start3A_365 = arith.constant 0 : i32
      %dma_start3A_366 = tpu.memref_slice %arg9[%rem3A_218, %dma_start3A_363, %dma_start3A_364, %dma_start3A_365] : memref<2x8x128x16xf32, #tpu.memory_space<vmem>> -> memref<1x1x128x16xf32, #tpu.memory_space<vmem>>
      %dma_start3A_367 = tpu.memref_squeeze %dma_start3A_366 : memref<1x1x128x16xf32, #tpu.memory_space<vmem>> -> memref<128x16xf32, #tpu.memory_space<vmem>>
      %dma_start3A_368 = arith.constant 0 : i32
      %dma_start3A_369 = tpu.memref_slice %arg8[%add3A_362, %dma_start3A_368] : memref<80x128xi32, #tpu.memory_space<vmem>> -> memref<1x128xi32, #tpu.memory_space<vmem>>
      %dma_start3A_370 = tpu.memref_squeeze %dma_start3A_369 : memref<1x128xi32, #tpu.memory_space<vmem>> -> memref<128xi32, #tpu.memory_space<vmem>>
      %dma_start3A_371 = arith.constant 0 : i32
      %dma_start3A_372 = arith.constant 0 : i32
      %dma_start3A_373 = tpu.memref_slice %arg10[%dma_start3A_371, %dma_start3A_372] : memref<10112x16xf32, #tpu.memory_space<vmem_shared>> -> memref<10112x16xf32, #tpu.memory_space<vmem_shared>>
      tpu.enqueue_indirect_dma source(%dma_start3A_367 : memref<128x16xf32, #tpu.memory_space<vmem>>) target(%dma_start3A_373 : memref<10112x16xf32, #tpu.memory_space<vmem_shared>>) offsets(%dma_start3A_370 : memref<128xi32, #tpu.memory_space<vmem>>) semaphore(%arg12 : memref<!tpu.dma_semaphore, #tpu.memory_space<semaphore_mem>>) {add = true}
      %add3A_374 = arith.constant 3 : i32
      %add3A_375 = arith.addi %mul3A_334, %add3A_374 : i32
      %dma_start3A_376 = arith.constant 3 : i32
      %dma_start3A_377 = arith.constant 0 : i32
      %dma_start3A_378 = arith.constant 0 : i32
      %dma_start3A_379 = tpu.memref_slice %arg9[%rem3A_218, %dma_start3A_376, %dma_start3A_377, %dma_start3A_378] : memref<2x8x128x16xf32, #tpu.memory_space<vmem>> -> memref<1x1x128x16xf32, #tpu.memory_space<vmem>>
      %dma_start3A_380 = tpu.memref_squeeze %dma_start3A_379 : memref<1x1x128x16xf32, #tpu.memory_space<vmem>> -> memref<128x16xf32, #tpu.memory_space<vmem>>
      %dma_start3A_381 = arith.constant 0 : i32
      %dma_start3A_382 = tpu.memref_slice %arg8[%add3A_375, %dma_start3A_381] : memref<80x128xi32, #tpu.memory_space<vmem>> -> memref<1x128xi32, #tpu.memory_space<vmem>>
      %dma_start3A_383 = tpu.memref_squeeze %dma_start3A_382 : memref<1x128xi32, #tpu.memory_space<vmem>> -> memref<128xi32, #tpu.memory_space<vmem>>
      %dma_start3A_384 = arith.constant 0 : i32
      %dma_start3A_385 = arith.constant 0 : i32
      %dma_start3A_386 = tpu.memref_slice %arg10[%dma_start3A_384, %dma_start3A_385] : memref<10112x16xf32, #tpu.memory_space<vmem_shared>> -> memref<10112x16xf32, #tpu.memory_space<vmem_shared>>
      tpu.enqueue_indirect_dma source(%dma_start3A_380 : memref<128x16xf32, #tpu.memory_space<vmem>>) target(%dma_start3A_386 : memref<10112x16xf32, #tpu.memory_space<vmem_shared>>) offsets(%dma_start3A_383 : memref<128xi32, #tpu.memory_space<vmem>>) semaphore(%arg12 : memref<!tpu.dma_semaphore, #tpu.memory_space<semaphore_mem>>) {add = true}
      %add3A_387 = arith.constant 4 : i32
      %add3A_388 = arith.addi %mul3A_334, %add3A_387 : i32
      %dma_start3A_389 = arith.constant 4 : i32
      %dma_start3A_390 = arith.constant 0 : i32
      %dma_start3A_391 = arith.constant 0 : i32
      %dma_start3A_392 = tpu.memref_slice %arg9[%rem3A_218, %dma_start3A_389, %dma_start3A_390, %dma_start3A_391] : memref<2x8x128x16xf32, #tpu.memory_space<vmem>> -> memref<1x1x128x16xf32, #tpu.memory_space<vmem>>
      %dma_start3A_393 = tpu.memref_squeeze %dma_start3A_392 : memref<1x1x128x16xf32, #tpu.memory_space<vmem>> -> memref<128x16xf32, #tpu.memory_space<vmem>>
      %dma_start3A_394 = arith.constant 0 : i32
      %dma_start3A_395 = tpu.memref_slice %arg8[%add3A_388, %dma_start3A_394] : memref<80x128xi32, #tpu.memory_space<vmem>> -> memref<1x128xi32, #tpu.memory_space<vmem>>
      %dma_start3A_396 = tpu.memref_squeeze %dma_start3A_395 : memref<1x128xi32, #tpu.memory_space<vmem>> -> memref<128xi32, #tpu.memory_space<vmem>>
      %dma_start3A_397 = arith.constant 0 : i32
      %dma_start3A_398 = arith.constant 0 : i32
      %dma_start3A_399 = tpu.memref_slice %arg10[%dma_start3A_397, %dma_start3A_398] : memref<10112x16xf32, #tpu.memory_space<vmem_shared>> -> memref<10112x16xf32, #tpu.memory_space<vmem_shared>>
      tpu.enqueue_indirect_dma source(%dma_start3A_393 : memref<128x16xf32, #tpu.memory_space<vmem>>) target(%dma_start3A_399 : memref<10112x16xf32, #tpu.memory_space<vmem_shared>>) offsets(%dma_start3A_396 : memref<128xi32, #tpu.memory_space<vmem>>) semaphore(%arg12 : memref<!tpu.dma_semaphore, #tpu.memory_space<semaphore_mem>>) {add = true}
      %add3A_400 = arith.constant 5 : i32
      %add3A_401 = arith.addi %mul3A_334, %add3A_400 : i32
      %dma_start3A_402 = arith.constant 5 : i32
      %dma_start3A_403 = arith.constant 0 : i32
      %dma_start3A_404 = arith.constant 0 : i32
      %dma_start3A_405 = tpu.memref_slice %arg9[%rem3A_218, %dma_start3A_402, %dma_start3A_403, %dma_start3A_404] : memref<2x8x128x16xf32, #tpu.memory_space<vmem>> -> memref<1x1x128x16xf32, #tpu.memory_space<vmem>>
      %dma_start3A_406 = tpu.memref_squeeze %dma_start3A_405 : memref<1x1x128x16xf32, #tpu.memory_space<vmem>> -> memref<128x16xf32, #tpu.memory_space<vmem>>
      %dma_start3A_407 = arith.constant 0 : i32
      %dma_start3A_408 = tpu.memref_slice %arg8[%add3A_401, %dma_start3A_407] : memref<80x128xi32, #tpu.memory_space<vmem>> -> memref<1x128xi32, #tpu.memory_space<vmem>>
      %dma_start3A_409 = tpu.memref_squeeze %dma_start3A_408 : memref<1x128xi32, #tpu.memory_space<vmem>> -> memref<128xi32, #tpu.memory_space<vmem>>
      %dma_start3A_410 = arith.constant 0 : i32
      %dma_start3A_411 = arith.constant 0 : i32
      %dma_start3A_412 = tpu.memref_slice %arg10[%dma_start3A_410, %dma_start3A_411] : memref<10112x16xf32, #tpu.memory_space<vmem_shared>> -> memref<10112x16xf32, #tpu.memory_space<vmem_shared>>
      tpu.enqueue_indirect_dma source(%dma_start3A_406 : memref<128x16xf32, #tpu.memory_space<vmem>>) target(%dma_start3A_412 : memref<10112x16xf32, #tpu.memory_space<vmem_shared>>) offsets(%dma_start3A_409 : memref<128xi32, #tpu.memory_space<vmem>>) semaphore(%arg12 : memref<!tpu.dma_semaphore, #tpu.memory_space<semaphore_mem>>) {add = true}
      %add3A_413 = arith.constant 6 : i32
      %add3A_414 = arith.addi %mul3A_334, %add3A_413 : i32
      %dma_start3A_415 = arith.constant 6 : i32
      %dma_start3A_416 = arith.constant 0 : i32
      %dma_start3A_417 = arith.constant 0 : i32
      %dma_start3A_418 = tpu.memref_slice %arg9[%rem3A_218, %dma_start3A_415, %dma_start3A_416, %dma_start3A_417] : memref<2x8x128x16xf32, #tpu.memory_space<vmem>> -> memref<1x1x128x16xf32, #tpu.memory_space<vmem>>
      %dma_start3A_419 = tpu.memref_squeeze %dma_start3A_418 : memref<1x1x128x16xf32, #tpu.memory_space<vmem>> -> memref<128x16xf32, #tpu.memory_space<vmem>>
      %dma_start3A_420 = arith.constant 0 : i32
      %dma_start3A_421 = tpu.memref_slice %arg8[%add3A_414, %dma_start3A_420] : memref<80x128xi32, #tpu.memory_space<vmem>> -> memref<1x128xi32, #tpu.memory_space<vmem>>
      %dma_start3A_422 = tpu.memref_squeeze %dma_start3A_421 : memref<1x128xi32, #tpu.memory_space<vmem>> -> memref<128xi32, #tpu.memory_space<vmem>>
      %dma_start3A_423 = arith.constant 0 : i32
      %dma_start3A_424 = arith.constant 0 : i32
      %dma_start3A_425 = tpu.memref_slice %arg10[%dma_start3A_423, %dma_start3A_424] : memref<10112x16xf32, #tpu.memory_space<vmem_shared>> -> memref<10112x16xf32, #tpu.memory_space<vmem_shared>>
      tpu.enqueue_indirect_dma source(%dma_start3A_419 : memref<128x16xf32, #tpu.memory_space<vmem>>) target(%dma_start3A_425 : memref<10112x16xf32, #tpu.memory_space<vmem_shared>>) offsets(%dma_start3A_422 : memref<128xi32, #tpu.memory_space<vmem>>) semaphore(%arg12 : memref<!tpu.dma_semaphore, #tpu.memory_space<semaphore_mem>>) {add = true}
      %add3A_426 = arith.constant 7 : i32
      %add3A_427 = arith.addi %mul3A_334, %add3A_426 : i32
      %dma_start3A_428 = arith.constant 7 : i32
      %dma_start3A_429 = arith.constant 0 : i32
      %dma_start3A_430 = arith.constant 0 : i32
      %dma_start3A_431 = tpu.memref_slice %arg9[%rem3A_218, %dma_start3A_428, %dma_start3A_429, %dma_start3A_430] : memref<2x8x128x16xf32, #tpu.memory_space<vmem>> -> memref<1x1x128x16xf32, #tpu.memory_space<vmem>>
      %dma_start3A_432 = tpu.memref_squeeze %dma_start3A_431 : memref<1x1x128x16xf32, #tpu.memory_space<vmem>> -> memref<128x16xf32, #tpu.memory_space<vmem>>
      %dma_start3A_433 = arith.constant 0 : i32
      %dma_start3A_434 = tpu.memref_slice %arg8[%add3A_427, %dma_start3A_433] : memref<80x128xi32, #tpu.memory_space<vmem>> -> memref<1x128xi32, #tpu.memory_space<vmem>>
      %dma_start3A_435 = tpu.memref_squeeze %dma_start3A_434 : memref<1x128xi32, #tpu.memory_space<vmem>> -> memref<128xi32, #tpu.memory_space<vmem>>
      %dma_start3A_436 = arith.constant 0 : i32
      %dma_start3A_437 = arith.constant 0 : i32
      %dma_start3A_438 = tpu.memref_slice %arg10[%dma_start3A_436, %dma_start3A_437] : memref<10112x16xf32, #tpu.memory_space<vmem_shared>> -> memref<10112x16xf32, #tpu.memory_space<vmem_shared>>
      tpu.enqueue_indirect_dma source(%dma_start3A_432 : memref<128x16xf32, #tpu.memory_space<vmem>>) target(%dma_start3A_438 : memref<10112x16xf32, #tpu.memory_space<vmem_shared>>) offsets(%dma_start3A_435 : memref<128xi32, #tpu.memory_space<vmem>>) semaphore(%arg12 : memref<!tpu.dma_semaphore, #tpu.memory_space<semaphore_mem>>) {add = true}
    }
    %scan3A_109 = arith.constant 10 : i32
    %rem3A = arith.constant 9 : i32
    %rem3A_110 = arith.constant 2 : i32
    %rem3A_111 = arith.remsi %rem3A, %rem3A_110 : i32
    %dma_wait3A = arith.constant 0 : i32
    %dma_wait3A_112 = arith.constant 72 : i32
    %dma_wait3A_113 = arith.constant 0 : i32
    %dma_wait3A_114 = arith.constant 0 : i32
    %dma_wait3A_115 = tpu.memref_slice %arg9[%rem3A_111, %dma_wait3A, %dma_wait3A_113, %dma_wait3A_114] : memref<2x8x128x16xf32, #tpu.memory_space<vmem>> -> memref<1x1x128x16xf32, #tpu.memory_space<vmem>>
    %dma_wait3A_116 = tpu.memref_squeeze %dma_wait3A_115 : memref<1x1x128x16xf32, #tpu.memory_space<vmem>> -> memref<128x16xf32, #tpu.memory_space<vmem>>
    %dma_wait3A_117 = arith.constant 0 : i32
    %dma_wait3A_118 = tpu.memref_slice %arg8[%dma_wait3A_112, %dma_wait3A_117] : memref<80x128xi32, #tpu.memory_space<vmem>> -> memref<1x128xi32, #tpu.memory_space<vmem>>
    %dma_wait3A_119 = tpu.memref_squeeze %dma_wait3A_118 : memref<1x128xi32, #tpu.memory_space<vmem>> -> memref<128xi32, #tpu.memory_space<vmem>>
    %dma_wait3A_120 = arith.constant 0 : i32
    %dma_wait3A_121 = arith.constant 0 : i32
    %dma_wait3A_122 = tpu.memref_slice %arg10[%dma_wait3A_120, %dma_wait3A_121] : memref<10112x16xf32, #tpu.memory_space<vmem_shared>> -> memref<10112x16xf32, #tpu.memory_space<vmem_shared>>
    tpu.wait_indirect_dma semaphore(%arg12 : memref<!tpu.dma_semaphore, #tpu.memory_space<semaphore_mem>>) src(%dma_wait3A_116 : memref<128x16xf32, #tpu.memory_space<vmem>>) dst(%dma_wait3A_122 : memref<10112x16xf32, #tpu.memory_space<vmem_shared>>)
    %dma_wait3A_123 = arith.constant 1 : i32
    %dma_wait3A_124 = arith.constant 73 : i32
    %dma_wait3A_125 = arith.constant 0 : i32
    %dma_wait3A_126 = arith.constant 0 : i32
    %dma_wait3A_127 = tpu.memref_slice %arg9[%rem3A_111, %dma_wait3A_123, %dma_wait3A_125, %dma_wait3A_126] : memref<2x8x128x16xf32, #tpu.memory_space<vmem>> -> memref<1x1x128x16xf32, #tpu.memory_space<vmem>>
    %dma_wait3A_128 = tpu.memref_squeeze %dma_wait3A_127 : memref<1x1x128x16xf32, #tpu.memory_space<vmem>> -> memref<128x16xf32, #tpu.memory_space<vmem>>
    %dma_wait3A_129 = arith.constant 0 : i32
    %dma_wait3A_130 = tpu.memref_slice %arg8[%dma_wait3A_124, %dma_wait3A_129] : memref<80x128xi32, #tpu.memory_space<vmem>> -> memref<1x128xi32, #tpu.memory_space<vmem>>
    %dma_wait3A_131 = tpu.memref_squeeze %dma_wait3A_130 : memref<1x128xi32, #tpu.memory_space<vmem>> -> memref<128xi32, #tpu.memory_space<vmem>>
    %dma_wait3A_132 = arith.constant 0 : i32
    %dma_wait3A_133 = arith.constant 0 : i32
    %dma_wait3A_134 = tpu.memref_slice %arg10[%dma_wait3A_132, %dma_wait3A_133] : memref<10112x16xf32, #tpu.memory_space<vmem_shared>> -> memref<10112x16xf32, #tpu.memory_space<vmem_shared>>
    tpu.wait_indirect_dma semaphore(%arg12 : memref<!tpu.dma_semaphore, #tpu.memory_space<semaphore_mem>>) src(%dma_wait3A_128 : memref<128x16xf32, #tpu.memory_space<vmem>>) dst(%dma_wait3A_134 : memref<10112x16xf32, #tpu.memory_space<vmem_shared>>)
    %dma_wait3A_135 = arith.constant 2 : i32
    %dma_wait3A_136 = arith.constant 74 : i32
    %dma_wait3A_137 = arith.constant 0 : i32
    %dma_wait3A_138 = arith.constant 0 : i32
    %dma_wait3A_139 = tpu.memref_slice %arg9[%rem3A_111, %dma_wait3A_135, %dma_wait3A_137, %dma_wait3A_138] : memref<2x8x128x16xf32, #tpu.memory_space<vmem>> -> memref<1x1x128x16xf32, #tpu.memory_space<vmem>>
    %dma_wait3A_140 = tpu.memref_squeeze %dma_wait3A_139 : memref<1x1x128x16xf32, #tpu.memory_space<vmem>> -> memref<128x16xf32, #tpu.memory_space<vmem>>
    %dma_wait3A_141 = arith.constant 0 : i32
    %dma_wait3A_142 = tpu.memref_slice %arg8[%dma_wait3A_136, %dma_wait3A_141] : memref<80x128xi32, #tpu.memory_space<vmem>> -> memref<1x128xi32, #tpu.memory_space<vmem>>
    %dma_wait3A_143 = tpu.memref_squeeze %dma_wait3A_142 : memref<1x128xi32, #tpu.memory_space<vmem>> -> memref<128xi32, #tpu.memory_space<vmem>>
    %dma_wait3A_144 = arith.constant 0 : i32
    %dma_wait3A_145 = arith.constant 0 : i32
    %dma_wait3A_146 = tpu.memref_slice %arg10[%dma_wait3A_144, %dma_wait3A_145] : memref<10112x16xf32, #tpu.memory_space<vmem_shared>> -> memref<10112x16xf32, #tpu.memory_space<vmem_shared>>
    tpu.wait_indirect_dma semaphore(%arg12 : memref<!tpu.dma_semaphore, #tpu.memory_space<semaphore_mem>>) src(%dma_wait3A_140 : memref<128x16xf32, #tpu.memory_space<vmem>>) dst(%dma_wait3A_146 : memref<10112x16xf32, #tpu.memory_space<vmem_shared>>)
    %dma_wait3A_147 = arith.constant 3 : i32
    %dma_wait3A_148 = arith.constant 75 : i32
    %dma_wait3A_149 = arith.constant 0 : i32
    %dma_wait3A_150 = arith.constant 0 : i32
    %dma_wait3A_151 = tpu.memref_slice %arg9[%rem3A_111, %dma_wait3A_147, %dma_wait3A_149, %dma_wait3A_150] : memref<2x8x128x16xf32, #tpu.memory_space<vmem>> -> memref<1x1x128x16xf32, #tpu.memory_space<vmem>>
    %dma_wait3A_152 = tpu.memref_squeeze %dma_wait3A_151 : memref<1x1x128x16xf32, #tpu.memory_space<vmem>> -> memref<128x16xf32, #tpu.memory_space<vmem>>
    %dma_wait3A_153 = arith.constant 0 : i32
    %dma_wait3A_154 = tpu.memref_slice %arg8[%dma_wait3A_148, %dma_wait3A_153] : memref<80x128xi32, #tpu.memory_space<vmem>> -> memref<1x128xi32, #tpu.memory_space<vmem>>
    %dma_wait3A_155 = tpu.memref_squeeze %dma_wait3A_154 : memref<1x128xi32, #tpu.memory_space<vmem>> -> memref<128xi32, #tpu.memory_space<vmem>>
    %dma_wait3A_156 = arith.constant 0 : i32
    %dma_wait3A_157 = arith.constant 0 : i32
    %dma_wait3A_158 = tpu.memref_slice %arg10[%dma_wait3A_156, %dma_wait3A_157] : memref<10112x16xf32, #tpu.memory_space<vmem_shared>> -> memref<10112x16xf32, #tpu.memory_space<vmem_shared>>
    tpu.wait_indirect_dma semaphore(%arg12 : memref<!tpu.dma_semaphore, #tpu.memory_space<semaphore_mem>>) src(%dma_wait3A_152 : memref<128x16xf32, #tpu.memory_space<vmem>>) dst(%dma_wait3A_158 : memref<10112x16xf32, #tpu.memory_space<vmem_shared>>)
    %dma_wait3A_159 = arith.constant 4 : i32
    %dma_wait3A_160 = arith.constant 76 : i32
    %dma_wait3A_161 = arith.constant 0 : i32
    %dma_wait3A_162 = arith.constant 0 : i32
    %dma_wait3A_163 = tpu.memref_slice %arg9[%rem3A_111, %dma_wait3A_159, %dma_wait3A_161, %dma_wait3A_162] : memref<2x8x128x16xf32, #tpu.memory_space<vmem>> -> memref<1x1x128x16xf32, #tpu.memory_space<vmem>>
    %dma_wait3A_164 = tpu.memref_squeeze %dma_wait3A_163 : memref<1x1x128x16xf32, #tpu.memory_space<vmem>> -> memref<128x16xf32, #tpu.memory_space<vmem>>
    %dma_wait3A_165 = arith.constant 0 : i32
    %dma_wait3A_166 = tpu.memref_slice %arg8[%dma_wait3A_160, %dma_wait3A_165] : memref<80x128xi32, #tpu.memory_space<vmem>> -> memref<1x128xi32, #tpu.memory_space<vmem>>
    %dma_wait3A_167 = tpu.memref_squeeze %dma_wait3A_166 : memref<1x128xi32, #tpu.memory_space<vmem>> -> memref<128xi32, #tpu.memory_space<vmem>>
    %dma_wait3A_168 = arith.constant 0 : i32
    %dma_wait3A_169 = arith.constant 0 : i32
    %dma_wait3A_170 = tpu.memref_slice %arg10[%dma_wait3A_168, %dma_wait3A_169] : memref<10112x16xf32, #tpu.memory_space<vmem_shared>> -> memref<10112x16xf32, #tpu.memory_space<vmem_shared>>
    tpu.wait_indirect_dma semaphore(%arg12 : memref<!tpu.dma_semaphore, #tpu.memory_space<semaphore_mem>>) src(%dma_wait3A_164 : memref<128x16xf32, #tpu.memory_space<vmem>>) dst(%dma_wait3A_170 : memref<10112x16xf32, #tpu.memory_space<vmem_shared>>)
    %dma_wait3A_171 = arith.constant 5 : i32
    %dma_wait3A_172 = arith.constant 77 : i32
    %dma_wait3A_173 = arith.constant 0 : i32
    %dma_wait3A_174 = arith.constant 0 : i32
    %dma_wait3A_175 = tpu.memref_slice %arg9[%rem3A_111, %dma_wait3A_171, %dma_wait3A_173, %dma_wait3A_174] : memref<2x8x128x16xf32, #tpu.memory_space<vmem>> -> memref<1x1x128x16xf32, #tpu.memory_space<vmem>>
    %dma_wait3A_176 = tpu.memref_squeeze %dma_wait3A_175 : memref<1x1x128x16xf32, #tpu.memory_space<vmem>> -> memref<128x16xf32, #tpu.memory_space<vmem>>
    %dma_wait3A_177 = arith.constant 0 : i32
    %dma_wait3A_178 = tpu.memref_slice %arg8[%dma_wait3A_172, %dma_wait3A_177] : memref<80x128xi32, #tpu.memory_space<vmem>> -> memref<1x128xi32, #tpu.memory_space<vmem>>
    %dma_wait3A_179 = tpu.memref_squeeze %dma_wait3A_178 : memref<1x128xi32, #tpu.memory_space<vmem>> -> memref<128xi32, #tpu.memory_space<vmem>>
    %dma_wait3A_180 = arith.constant 0 : i32
    %dma_wait3A_181 = arith.constant 0 : i32
    %dma_wait3A_182 = tpu.memref_slice %arg10[%dma_wait3A_180, %dma_wait3A_181] : memref<10112x16xf32, #tpu.memory_space<vmem_shared>> -> memref<10112x16xf32, #tpu.memory_space<vmem_shared>>
    tpu.wait_indirect_dma semaphore(%arg12 : memref<!tpu.dma_semaphore, #tpu.memory_space<semaphore_mem>>) src(%dma_wait3A_176 : memref<128x16xf32, #tpu.memory_space<vmem>>) dst(%dma_wait3A_182 : memref<10112x16xf32, #tpu.memory_space<vmem_shared>>)
    %dma_wait3A_183 = arith.constant 6 : i32
    %dma_wait3A_184 = arith.constant 78 : i32
    %dma_wait3A_185 = arith.constant 0 : i32
    %dma_wait3A_186 = arith.constant 0 : i32
    %dma_wait3A_187 = tpu.memref_slice %arg9[%rem3A_111, %dma_wait3A_183, %dma_wait3A_185, %dma_wait3A_186] : memref<2x8x128x16xf32, #tpu.memory_space<vmem>> -> memref<1x1x128x16xf32, #tpu.memory_space<vmem>>
    %dma_wait3A_188 = tpu.memref_squeeze %dma_wait3A_187 : memref<1x1x128x16xf32, #tpu.memory_space<vmem>> -> memref<128x16xf32, #tpu.memory_space<vmem>>
    %dma_wait3A_189 = arith.constant 0 : i32
    %dma_wait3A_190 = tpu.memref_slice %arg8[%dma_wait3A_184, %dma_wait3A_189] : memref<80x128xi32, #tpu.memory_space<vmem>> -> memref<1x128xi32, #tpu.memory_space<vmem>>
    %dma_wait3A_191 = tpu.memref_squeeze %dma_wait3A_190 : memref<1x128xi32, #tpu.memory_space<vmem>> -> memref<128xi32, #tpu.memory_space<vmem>>
    %dma_wait3A_192 = arith.constant 0 : i32
    %dma_wait3A_193 = arith.constant 0 : i32
    %dma_wait3A_194 = tpu.memref_slice %arg10[%dma_wait3A_192, %dma_wait3A_193] : memref<10112x16xf32, #tpu.memory_space<vmem_shared>> -> memref<10112x16xf32, #tpu.memory_space<vmem_shared>>
    tpu.wait_indirect_dma semaphore(%arg12 : memref<!tpu.dma_semaphore, #tpu.memory_space<semaphore_mem>>) src(%dma_wait3A_188 : memref<128x16xf32, #tpu.memory_space<vmem>>) dst(%dma_wait3A_194 : memref<10112x16xf32, #tpu.memory_space<vmem_shared>>)
    %dma_wait3A_195 = arith.constant 7 : i32
    %dma_wait3A_196 = arith.constant 79 : i32
    %dma_wait3A_197 = arith.constant 0 : i32
    %dma_wait3A_198 = arith.constant 0 : i32
    %dma_wait3A_199 = tpu.memref_slice %arg9[%rem3A_111, %dma_wait3A_195, %dma_wait3A_197, %dma_wait3A_198] : memref<2x8x128x16xf32, #tpu.memory_space<vmem>> -> memref<1x1x128x16xf32, #tpu.memory_space<vmem>>
    %dma_wait3A_200 = tpu.memref_squeeze %dma_wait3A_199 : memref<1x1x128x16xf32, #tpu.memory_space<vmem>> -> memref<128x16xf32, #tpu.memory_space<vmem>>
    %dma_wait3A_201 = arith.constant 0 : i32
    %dma_wait3A_202 = tpu.memref_slice %arg8[%dma_wait3A_196, %dma_wait3A_201] : memref<80x128xi32, #tpu.memory_space<vmem>> -> memref<1x128xi32, #tpu.memory_space<vmem>>
    %dma_wait3A_203 = tpu.memref_squeeze %dma_wait3A_202 : memref<1x128xi32, #tpu.memory_space<vmem>> -> memref<128xi32, #tpu.memory_space<vmem>>
    %dma_wait3A_204 = arith.constant 0 : i32
    %dma_wait3A_205 = arith.constant 0 : i32
    %dma_wait3A_206 = tpu.memref_slice %arg10[%dma_wait3A_204, %dma_wait3A_205] : memref<10112x16xf32, #tpu.memory_space<vmem_shared>> -> memref<10112x16xf32, #tpu.memory_space<vmem_shared>>
    tpu.wait_indirect_dma semaphore(%arg12 : memref<!tpu.dma_semaphore, #tpu.memory_space<semaphore_mem>>) src(%dma_wait3A_200 : memref<128x16xf32, #tpu.memory_space<vmem>>) dst(%dma_wait3A_206 : memref<10112x16xf32, #tpu.memory_space<vmem_shared>>)
    %barrier3A_207 = arith.constant 0 : index
    tpu.barrier barrier_id(%barrier3A_207)
    %mul3A_208 = arith.constant 632 : i32
    %mul3A_209 = arith.muli %arg1, %mul3A_208 : i32
    %mul3A_210 = arith.constant 632 : i32
    %mul3A_211 = arith.muli %arg1, %mul3A_210 : i32
    "tpu.region"() ({
      %run_scoped3A = tpu.sem_alloc : memref<!tpu.dma_semaphore, #tpu.memory_space<semaphore_mem>>
      %dma_start3A_212 = arith.constant 0 : i32
      %dma_start3A_213 = tpu.memref_slice %arg6[%arg0, %mul3A_211, %dma_start3A_212] : memref<2x10112x16xf32, #tpu.memory_space<hbm>> -> memref<1x632x16xf32, #tpu.memory_space<hbm>>
      %dma_start3A_214 = tpu.memref_squeeze %dma_start3A_213 : memref<1x632x16xf32, #tpu.memory_space<hbm>> -> memref<632x16xf32, #tpu.memory_space<hbm>>
      %dma_start3A_215 = arith.constant 0 : i32
      %dma_start3A_216 = tpu.memref_slice %arg10[%mul3A_209, %dma_start3A_215] : memref<10112x16xf32, #tpu.memory_space<vmem_shared>> -> memref<632x16xf32, #tpu.memory_space<vmem_shared>>
      tpu.enqueue_dma source(%dma_start3A_216 : memref<632x16xf32, #tpu.memory_space<vmem_shared>>) target(%dma_start3A_214 : memref<632x16xf32, #tpu.memory_space<hbm>>) target_semaphore(%run_scoped3A : memref<!tpu.dma_semaphore, #tpu.memory_space<semaphore_mem>>)
      %dma_wait3A_217 = arith.constant 0 : i32
      %dma_wait3A_218 = tpu.memref_slice %arg6[%arg0, %mul3A_211, %dma_wait3A_217] : memref<2x10112x16xf32, #tpu.memory_space<hbm>> -> memref<1x632x16xf32, #tpu.memory_space<hbm>>
      %dma_wait3A_219 = tpu.memref_squeeze %dma_wait3A_218 : memref<1x632x16xf32, #tpu.memory_space<hbm>> -> memref<632x16xf32, #tpu.memory_space<hbm>>
      %dma_wait3A_220 = arith.constant 0 : i32
      %dma_wait3A_221 = tpu.memref_slice %arg10[%mul3A_209, %dma_wait3A_220] : memref<10112x16xf32, #tpu.memory_space<vmem_shared>> -> memref<632x16xf32, #tpu.memory_space<vmem_shared>>
      tpu.wait_dma2 semaphore(%run_scoped3A : memref<!tpu.dma_semaphore, #tpu.memory_space<semaphore_mem>>) src(%dma_wait3A_221 : memref<632x16xf32, #tpu.memory_space<vmem_shared>>) dst(%dma_wait3A_219 : memref<632x16xf32, #tpu.memory_space<hbm>>)
      tpu.yield
    }) : () -> ()
    return
  }
}

module attributes {stable_mosaic.version = 14 : i64} {
  func.func @body(%arg0: memref<10000x128xf32, #tpu.memory_space<vmem>>, %arg1: memref<128x32xf32, #tpu.memory_space<vmem>>, %arg2: memref<2x10112x16xf32, #tpu.memory_space<vmem>>, %arg3: memref<10000x32xf32, #tpu.memory_space<vmem>>, %arg4: memref<10000x1xf32, #tpu.memory_space<vmem>>) attributes {dimension_semantics = [], scalar_prefetch = 0 : i64, scratch_operands = 0 : i64, tpu.core_type = #tpu.core_type<tc>} {
    %get3A = arith.constant 0 : index
    %get3A_0 = arith.constant 0 : index
    %get3A_1 = arith.constant 0 : index
    %get3A_2 = vector.load %arg2[%get3A, %get3A_0, %get3A_1] : memref<2x10112x16xf32, #tpu.memory_space<vmem>>, vector<1x10000x1xf32>
    %get3A_3 = vector.shape_cast %get3A_2 : vector<1x10000x1xf32> to vector<10000x1xf32>
    %get3A_4 = arith.constant 1 : index
    %get3A_5 = arith.constant 0 : index
    %get3A_6 = arith.constant 0 : index
    %get3A_7 = vector.load %arg2[%get3A_4, %get3A_5, %get3A_6] : memref<2x10112x16xf32, #tpu.memory_space<vmem>>, vector<1x10000x1xf32>
    %get3A_8 = vector.shape_cast %get3A_7 : vector<1x10000x1xf32> to vector<10000x1xf32>
    %add3A = arith.addf %get3A_3, %get3A_8 : vector<10000x1xf32>
    %add3A_9 = arith.constant 1.000000e+00 : f32
    %add3A_10 = vector.broadcast %add3A_9 : f32 to vector<10000x1xf32>
    %add3A_11 = arith.addf %add3A, %add3A_10 : vector<10000x1xf32>
    %rsqrt3A = math.rsqrt %add3A_11 : vector<10000x1xf32>
    %get3A_12 = arith.constant 0 : index
    %get3A_13 = arith.constant 0 : index
    %get3A_14 = vector.load %arg0[%get3A_12, %get3A_13] : memref<10000x128xf32, #tpu.memory_space<vmem>>, vector<10000x128xf32>
    %get3A_15 = arith.constant 0 : index
    %get3A_16 = arith.constant 0 : index
    %get3A_17 = vector.load %arg1[%get3A_15, %get3A_16] : memref<128x32xf32, #tpu.memory_space<vmem>>, vector<128x32xf32>
    %dot_general3A = arith.constant dense<0.000000e+00> : vector<10000x32xf32>
    %dot_general3A_18 = tpu.matmul %get3A_14, %get3A_17, %dot_general3A {dimension_numbers = #tpu.dot_dimension_numbers<[1], [0], [0], [1], [0, 0, 1, 1], [], []>, transpose_lhs_hint = false} : vector<10000x128xf32>, vector<128x32xf32>, vector<10000x32xf32> -> vector<10000x32xf32>
    %mul3A = vector.broadcast %rsqrt3A : vector<10000x1xf32> to vector<10000x32xf32>
    %mul3A_19 = arith.mulf %dot_general3A_18, %mul3A : vector<10000x32xf32>
    %swap3A = arith.constant 0 : index
    %swap3A_20 = arith.constant 0 : index
    %swap3A_21 = vector.load %arg3[%swap3A, %swap3A_20] : memref<10000x32xf32, #tpu.memory_space<vmem>>, vector<10000x32xf32>
    tpu.vector_store %arg3[%swap3A, %swap3A_20], %mul3A_19 {strides = array<i32>} : memref<10000x32xf32, #tpu.memory_space<vmem>>, vector<10000x32xf32>,
    %swap3A_22 = arith.constant 0 : index
    %swap3A_23 = arith.constant 0 : index
    %swap3A_24 = vector.load %arg4[%swap3A_22, %swap3A_23] : memref<10000x1xf32, #tpu.memory_space<vmem>>, vector<10000x1xf32>
    tpu.vector_store %arg4[%swap3A_22, %swap3A_23], %rsqrt3A {strides = array<i32>} : memref<10000x1xf32, #tpu.memory_space<vmem>>, vector<10000x1xf32>,
    return
  }
}

module attributes {stable_mosaic.version = 14 : i64} {
  func.func @body(%arg0: memref<2x10112x32xf32, #tpu.memory_space<vmem>>, %arg1: memref<10000x32xf32, #tpu.memory_space<vmem>>, %arg2: memref<10000x1xf32, #tpu.memory_space<vmem>>, %arg3: memref<1x32xf32, #tpu.memory_space<vmem>>, %arg4: memref<32x16xf32, #tpu.memory_space<vmem>>, %arg5: memref<10000x16xf32, #tpu.memory_space<vmem>>) attributes {dimension_semantics = [], scalar_prefetch = 0 : i64, scratch_operands = 0 : i64, tpu.core_type = #tpu.core_type<tc>} {
    %get3A = arith.constant 0 : index
    %get3A_0 = arith.constant 0 : index
    %get3A_1 = arith.constant 0 : index
    %get3A_2 = vector.load %arg0[%get3A, %get3A_0, %get3A_1] : memref<2x10112x32xf32, #tpu.memory_space<vmem>>, vector<1x10000x32xf32>
    %get3A_3 = vector.shape_cast %get3A_2 : vector<1x10000x32xf32> to vector<10000x32xf32>
    %get3A_4 = arith.constant 1 : index
    %get3A_5 = arith.constant 0 : index
    %get3A_6 = arith.constant 0 : index
    %get3A_7 = vector.load %arg0[%get3A_4, %get3A_5, %get3A_6] : memref<2x10112x32xf32, #tpu.memory_space<vmem>>, vector<1x10000x32xf32>
    %get3A_8 = vector.shape_cast %get3A_7 : vector<1x10000x32xf32> to vector<10000x32xf32>
    %add3A = arith.addf %get3A_3, %get3A_8 : vector<10000x32xf32>
    %get3A_9 = arith.constant 0 : index
    %get3A_10 = arith.constant 0 : index
    %get3A_11 = vector.load %arg1[%get3A_9, %get3A_10] : memref<10000x32xf32, #tpu.memory_space<vmem>>, vector<10000x32xf32>
    %add3A_12 = arith.addf %add3A, %get3A_11 : vector<10000x32xf32>
    %get3A_13 = arith.constant 0 : index
    %get3A_14 = arith.constant 0 : index
    %get3A_15 = vector.load %arg2[%get3A_13, %get3A_14] : memref<10000x1xf32, #tpu.memory_space<vmem>>, vector<10000x1xf32>
    %mul3A = vector.broadcast %get3A_15 : vector<10000x1xf32> to vector<10000x32xf32>
    %mul3A_16 = arith.mulf %add3A_12, %mul3A : vector<10000x32xf32>
    %get3A_17 = arith.constant 0 : index
    %get3A_18 = arith.constant 0 : index
    %get3A_19 = vector.load %arg3[%get3A_17, %get3A_18] : memref<1x32xf32, #tpu.memory_space<vmem>>, vector<1x32xf32>
    %add3A_20 = vector.broadcast %get3A_19 : vector<1x32xf32> to vector<10000x32xf32>
    %add3A_21 = arith.addf %mul3A_16, %add3A_20 : vector<10000x32xf32>
    %max3A = arith.constant 0.000000e+00 : f32
    %max3A_22 = vector.broadcast %max3A : f32 to vector<10000x32xf32>
    %max3A_23 = arith.maximumf %add3A_21, %max3A_22 : vector<10000x32xf32>
    %get3A_24 = arith.constant 0 : index
    %get3A_25 = arith.constant 0 : index
    %get3A_26 = vector.load %arg4[%get3A_24, %get3A_25] : memref<32x16xf32, #tpu.memory_space<vmem>>, vector<32x16xf32>
    %dot_general3A = arith.constant dense<0.000000e+00> : vector<10000x16xf32>
    %dot_general3A_27 = tpu.matmul %max3A_23, %get3A_26, %dot_general3A {dimension_numbers = #tpu.dot_dimension_numbers<[1], [0], [0], [1], [0, 0, 1, 1], [], []>, transpose_lhs_hint = false} : vector<10000x32xf32>, vector<32x16xf32>, vector<10000x16xf32> -> vector<10000x16xf32>
    %get3A_28 = arith.constant 0 : index
    %get3A_29 = arith.constant 0 : index
    %get3A_30 = vector.load %arg2[%get3A_28, %get3A_29] : memref<10000x1xf32, #tpu.memory_space<vmem>>, vector<10000x1xf32>
    %mul3A_31 = vector.broadcast %get3A_30 : vector<10000x1xf32> to vector<10000x16xf32>
    %mul3A_32 = arith.mulf %dot_general3A_27, %mul3A_31 : vector<10000x16xf32>
    %swap3A = arith.constant 0 : index
    %swap3A_33 = arith.constant 0 : index
    %swap3A_34 = vector.load %arg5[%swap3A, %swap3A_33] : memref<10000x16xf32, #tpu.memory_space<vmem>>, vector<10000x16xf32>
    tpu.vector_store %arg5[%swap3A, %swap3A_33], %mul3A_32 {strides = array<i32>} : memref<10000x16xf32, #tpu.memory_space<vmem>>, vector<10000x16xf32>,
    return
  }
}

module attributes {stable_mosaic.version = 14 : i64} {
  func.func @body(%arg0: memref<2x10112x16xf32, #tpu.memory_space<vmem>>, %arg1: memref<10000x16xf32, #tpu.memory_space<vmem>>, %arg2: memref<10000x1xf32, #tpu.memory_space<vmem>>, %arg3: memref<1x16xf32, #tpu.memory_space<vmem>>, %arg4: memref<16x2xf32, #tpu.memory_space<vmem>>, %arg5: memref<1x2xf32, #tpu.memory_space<vmem>>, %arg6: memref<10000x2xf32, #tpu.memory_space<vmem>>) attributes {dimension_semantics = [], scalar_prefetch = 0 : i64, scratch_operands = 0 : i64, tpu.core_type = #tpu.core_type<tc>} {
    %get3A = arith.constant 0 : index
    %get3A_0 = arith.constant 0 : index
    %get3A_1 = arith.constant 0 : index
    %get3A_2 = vector.load %arg0[%get3A, %get3A_0, %get3A_1] : memref<2x10112x16xf32, #tpu.memory_space<vmem>>, vector<1x10000x16xf32>
    %get3A_3 = vector.shape_cast %get3A_2 : vector<1x10000x16xf32> to vector<10000x16xf32>
    %get3A_4 = arith.constant 1 : index
    %get3A_5 = arith.constant 0 : index
    %get3A_6 = arith.constant 0 : index
    %get3A_7 = vector.load %arg0[%get3A_4, %get3A_5, %get3A_6] : memref<2x10112x16xf32, #tpu.memory_space<vmem>>, vector<1x10000x16xf32>
    %get3A_8 = vector.shape_cast %get3A_7 : vector<1x10000x16xf32> to vector<10000x16xf32>
    %add3A = arith.addf %get3A_3, %get3A_8 : vector<10000x16xf32>
    %get3A_9 = arith.constant 0 : index
    %get3A_10 = arith.constant 0 : index
    %get3A_11 = vector.load %arg1[%get3A_9, %get3A_10] : memref<10000x16xf32, #tpu.memory_space<vmem>>, vector<10000x16xf32>
    %add3A_12 = arith.addf %add3A, %get3A_11 : vector<10000x16xf32>
    %get3A_13 = arith.constant 0 : index
    %get3A_14 = arith.constant 0 : index
    %get3A_15 = vector.load %arg2[%get3A_13, %get3A_14] : memref<10000x1xf32, #tpu.memory_space<vmem>>, vector<10000x1xf32>
    %mul3A = vector.broadcast %get3A_15 : vector<10000x1xf32> to vector<10000x16xf32>
    %mul3A_16 = arith.mulf %add3A_12, %mul3A : vector<10000x16xf32>
    %get3A_17 = arith.constant 0 : index
    %get3A_18 = arith.constant 0 : index
    %get3A_19 = vector.load %arg3[%get3A_17, %get3A_18] : memref<1x16xf32, #tpu.memory_space<vmem>>, vector<1x16xf32>
    %add3A_20 = vector.broadcast %get3A_19 : vector<1x16xf32> to vector<10000x16xf32>
    %add3A_21 = arith.addf %mul3A_16, %add3A_20 : vector<10000x16xf32>
    %get3A_22 = arith.constant 0 : index
    %get3A_23 = arith.constant 0 : index
    %get3A_24 = vector.load %arg4[%get3A_22, %get3A_23] : memref<16x2xf32, #tpu.memory_space<vmem>>, vector<16x2xf32>
    %dot_general3A = arith.constant dense<0.000000e+00> : vector<10000x2xf32>
    %dot_general3A_25 = tpu.matmul %add3A_21, %get3A_24, %dot_general3A {dimension_numbers = #tpu.dot_dimension_numbers<[1], [0], [0], [1], [0, 0, 1, 1], [], []>, transpose_lhs_hint = false} : vector<10000x16xf32>, vector<16x2xf32>, vector<10000x2xf32> -> vector<10000x2xf32>
    %get3A_26 = arith.constant 0 : index
    %get3A_27 = arith.constant 0 : index
    %get3A_28 = vector.load %arg5[%get3A_26, %get3A_27] : memref<1x2xf32, #tpu.memory_space<vmem>>, vector<1x2xf32>
    %add3A_29 = vector.broadcast %get3A_28 : vector<1x2xf32> to vector<10000x2xf32>
    %add3A_30 = arith.addf %dot_general3A_25, %add3A_29 : vector<10000x2xf32>
    %swap3A = arith.constant 0 : index
    %swap3A_31 = arith.constant 0 : index
    %swap3A_32 = vector.load %arg6[%swap3A, %swap3A_31] : memref<10000x2xf32, #tpu.memory_space<vmem>>, vector<10000x2xf32>
    tpu.vector_store %arg6[%swap3A, %swap3A_31], %add3A_30 {strides = array<i32>} : memref<10000x2xf32, #tpu.memory_space<vmem>>, vector<10000x2xf32>,
    return
  }
}

</mosaic_0001>

<sc_bundles>
// kernel: kernel.11.cloned.1.call-start
scs
__scs_entry_jumppad:
0x0: {  	(pc) =	sbr.rel $0x88, $3  }
0x1: {  	(tag) =	ssettag $0x0;
	lr =	simm.s32 $0x1  }
0x2: {  	[smem:$0x3F99] =	sst lr;
	_ =	strace $0xD0000000  }
0x3: {  	_ = 	snop  }
0x4: {  	_ = 	snop  }
0x5: {  	_ = 	snop  }
0x6: {  	_ = 	snop  }
0x7: {  	_ = 	snop  }
__scs_overlays_trampoline_lowered:
0x8: {  	[smem:$0x3FA8] =	sst s0  }
0x9: {  	[smem:$0x3FA9] =	sst s1  }
0xa: {  	[smem:$0x3FAA] =	sst s2  }
0xb: {  	[smem:$0x3FAB] =	sst s3  }
0xc: {  	[smem:$0x3FAC] =	sst s4  }
0xd: {  	[smem:$0x3FAD] =	sst s5  }
0xe: {  	[smem:$0x3FAE] =	sst s6  }
0xf: {  	[smem:$0x3FAF] =	sst s7  }
0x10: {  	[smem:$0x3FB0] =	sst s8  }
0x11: {  	[smem:$0x3FB1] =	sst s9;
	s0 =	simm.s32 @!p0 $0x0  }
0x12: {  	s1 =	sld [smem:$0x3F97];
	s0 =	simm.s32 @p0 $0x1  }
0x13: {  	[smem:$0x3FB2] =	sst s0;
	s0 =	simm.s32 @!p1 $0x0  }
0x14: {  	s2 =	sld [smem:$0x3F96];
	s0 =	simm.s32 @p1 $0x1  }
0x15: {  	[smem:$0x3FB3] =	sst s0;
	s0 =	simm.s32 @!p2 $0x0  }
0x16: {  	s3 =	sld [smem:$0x3FDB];
	s0 =	simm.s32 @p2 $0x1  }
0x17: {  	s4 =	simm.s32 $0x1BF5;
	[smem:$0x3FB5] =	sst s0  }
0x18: {  	s0 =	sld [smem:$0x3F98];
	_ =	swait.ge [sflag:s4], $0x0  }
0x19: {  	s7 =	sld [smem:$0x3F99]  }
0x1a: {  	s8 =	sadd.s32 $0xFFFFE003, lr  }
0x1b: {  	s9 =	sadd.s32 $0xFFFFFEF7, lr;
	s5 =	simm.s32 $0xFFFFFFFF;
	p2 =	slt.u32 s8, $0xFFFFF086  }
0x1c: {  	p1 =	slt.u32 s9, $0xF7A;
	s5 =	simm.s32 @!p2 $0x0  }
0x1d: {  	s5 =	simm.s32 @p1 $0x1;
	p0 =	seq.s32 s7, s2  }
0x1e: {  	s7 =	smul.u32 @!p0 $0xF7A, s2;
	p2 =	seq.s32 @!p0 s5, $0x0  }
0x1f: {  	s9 =	smul.u32 $0xF7A, s1;
	s8 =	simm.s32 @!p0 $0x1BF5;
	p2 =	por !p2, p0  }
0x20: {  	[sflag:s8] =	ssyncset.s32 @!p0 $0xFFFFF086;
	s6 =	sadd.s32 @!p0 s3, s7;
	s7 =	simm.s32 @!p0 $0x108  }
0x21: {  	s3 =	sadd.s32 s3, s9;
	s6 =	sadd.s32 @!p0 $0x88, s6;
	s7 =	simm.s32 @p2 $0x1082  }
0x22: {  	[simem:s7], [sflag:s8] =	dma.local @!p0 [hbm:s6], $0xF7A  }
0x23: {  	s9 =	sor.u32 $0xD0000000, s2;
	s6 =	simm.s32 $0x108;
	_ =	swait.ge @!p0 [sflag:s8], $0x0  }
0x24: {  	s3 =	sadd.s32 $0x88, s3;
	s6 =	simm.s32 @!p1 $0x1082;
	[sflag:s4] =	ssyncset.s32 $0xFFFFF086  }
0x25: {  	[simem:s6], [sflag:s4] =	dma.local [hbm:s3], $0xF7A  }
0x26: {  	[smem:$0x3F99] =	sst s1;
	(tag) =	ssettag s2;
	_ =	strace s9  }
0x27: {  	s1 =	sld [smem:$0x3FA9]  }
0x28: {  	s2 =	sld [smem:$0x3FAA]  }
0x29: {  	s4 =	sld [smem:$0x3FAC]  }
0x2a: {  	p0 =	seq.s32 s5, $0x0;
	s5 =	sld [smem:$0x3FAD]  }
0x2b: {  	s6 =	sld [smem:$0x3FAE]  }
0x2c: {  	s7 =	sld [smem:$0x3FAF]  }
0x2d: {  	s3 =	simm.s32 $0x108;
	s8 =	sld [smem:$0x3FB0]  }
0x2e: {  	s3 =	simm.s32 @!p0 $0x1082;
	s9 =	sld [smem:$0x3FB1]  }
0x2f: {  	lr =	sadd.s32 s0, s3;
	s0 =	sld [smem:$0x3FA8]  }
0x30: {  	s3 =	sld [smem:$0x3FAB]  }
0x31: {  	[smem:$0x3FB4] =	sst s10  }
0x32: {  	s10 =	sld [smem:$0x3FB2];
	_ =	sdelay $0x3  }
0x33: {  	p0 =	seq.s32 s10, $0x1;
	s10 =	sld [smem:$0x3FB4];
	_ =	sdelay $0x3  }
0x34: {  	[smem:$0x3FB4] =	sst s10  }
0x35: {  	s10 =	sld [smem:$0x3FB3];
	_ =	sdelay $0x3  }
0x36: {  	p1 =	seq.s32 s10, $0x1;
	s10 =	sld [smem:$0x3FB4];
	_ =	sdelay $0x3  }
0x37: {  	[smem:$0x3FB4] =	sst s10  }
0x38: {  	s10 =	sld [smem:$0x3FB5]  }
0x39: {  	_ = 	snop;
	(pc) =	sbr.ind lr, $3  }
0x3a: {  	_ = 	snop  }
0x3b: {  	_ = 	snop  }
0x3c: {  	p2 =	seq.s32 s10, $0x1;
	s10 =	sld [smem:$0x3FB4]  }
0x3d: {  	_ =	shalt  }
0x3e: {  	_ =	shalt  }
0x3f: {  	_ =	shalt  }
0x40: {  	_ =	shalt  }
0x41: {  	_ =	shalt  }
0x42: {  	_ =	shalt  }
0x43: {  	_ =	shalt  }
0x44: {  	_ =	shalt  }
0x45: {  	_ =	shalt  }
0x46: {  	_ =	shalt  }
0x47: {  	_ =	shalt  }
0x48: {  	_ =	shalt  }
0x49: {  	_ =	shalt  }
0x4a: {  	_ =	shalt  }
0x4b: {  	_ =	shalt  }
0x4c: {  	_ =	shalt  }
0x4d: {  	_ =	shalt  }
0x4e: {  	_ =	shalt  }
0x4f: {  	_ =	shalt  }
0x50: {  	_ =	shalt  }
0x51: {  	_ =	shalt  }
0x52: {  	_ =	shalt  }
0x53: {  	_ =	shalt  }
0x54: {  	_ =	shalt  }
0x55: {  	_ =	shalt  }
0x56: {  	_ =	shalt  }
0x57: {  	_ =	shalt  }
0x58: {  	_ =	shalt  }
0x59: {  	_ =	shalt  }
0x5a: {  	_ =	shalt  }
0x5b: {  	_ =	shalt  }
0x5c: {  	_ =	shalt  }
0x5d: {  	_ =	shalt  }
0x5e: {  	_ =	shalt  }
0x5f: {  	_ =	shalt  }
0x60: {  	_ =	shalt  }
0x61: {  	_ =	shalt  }
0x62: {  	_ =	shalt  }
0x63: {  	_ =	shalt  }
0x64: {  	_ =	shalt  }
0x65: {  	_ =	shalt  }
0x66: {  	_ =	shalt  }
0x67: {  	_ =	shalt  }
0x68: {  	_ =	shalt  }
0x69: {  	_ =	shalt  }
0x6a: {  	_ =	shalt  }
0x6b: {  	_ =	shalt  }
0x6c: {  	_ =	shalt  }
0x6d: {  	_ =	shalt  }
0x6e: {  	_ =	shalt  }
0x6f: {  	_ =	shalt  }
0x70: {  	_ =	shalt  }
0x71: {  	_ =	shalt  }
0x72: {  	_ =	shalt  }
0x73: {  	_ =	shalt  }
0x74: {  	_ =	shalt  }
0x75: {  	_ =	shalt  }
0x76: {  	_ =	shalt  }
0x77: {  	_ =	shalt  }
0x78: {  	_ =	shalt  }
0x79: {  	_ =	shalt  }
0x7a: {  	_ =	shalt  }
0x7b: {  	_ =	shalt  }
0x7c: {  	_ =	shalt  }
0x7d: {  	_ =	shalt  }
0x7e: {  	_ =	shalt  }
0x7f: {  	_ =	shalt  }
0x80: {  	_ =	shalt  }
0x81: {  	_ =	shalt  }
0x82: {  	_ =	shalt  }
0x83: {  	_ =	shalt  }
0x84: {  	_ =	shalt  }
0x85: {  	_ =	shalt  }
0x86: {  	_ =	shalt  }
0x87: {  	_ =	shalt  }
.Lfunc_end0:
.L_simem_size_0:
called_computation.1_lowered:
.L_overlay_start_0:
0x88: {  	s2 =	sld [smem:$0x3FD9]  }
0x89: {  	s3 =	sld [smem:$0x3FFE];
	_ =	sdelay $0x1  }
0x8a: {  	s1 =	srdreg.scid  }
0x8b: {  	s0 =	sand.u32 $0x1, s1  }
0x8c: {  	s16 =	sshll.u32 s0, $0xA;
	s2 =	sadd.s32 s3, s2  }
0x8d: {  	s2 =	sadd.s32 s2, s16  }
0x8e: {  	[smem:$0x3FC0] =	sst s2  }
0x8f: {  	_ = 	snop  }
0x90: {  	(tm) =	ssettm $0x1  }
0x91: {  	s17 =	sld [smem:$0x3FFB];
	_ =	sdelay $0x3  }
0x92: {  	_ =	strace s17  }
0x93: {  	s2 =	sld [smem:$0x3FFC];
	_ =	sdelay $0x3  }
0x94: {  	_ =	strace s2  }
0x95: {  	s2 =	sld [smem:$0x3FFD];
	_ =	sdelay $0x3  }
0x96: {  	_ =	strace s2  }
0x97: {  	_ =	strace $0x8FFFFFFF  }
0x98: {  	s18 =	sld [smem:$0x3FDB];
	_ =	sdelay $0x1  }
0x99: {  	s19 =	simm.s32 $_scs_section_size  }
0x9a: {  	s4 =	simm.s32 $_size__tile_overlayer_lowered;
	s5 =	simm.s32 $_tile_overlayer_lowered  }
0x9b: {  	s22 =	simm.s32 $0x1BFF;
	s21 =	sshll.u32 s5, $0x1;
	s2 =	sadd.s32 s19, s18  }
0x9c: {  	s6 =	simm.s32 $0x0;
	s20 =	sshll.u32 s4, $0x1;
	s4 =	sadd.s32 s21, s2  }
0x9d: {  	[timem:s6], [sflag:s22] =	dma.local [hbm:s4], s20  }
0x9e: {  	_ =	swait.ge [sflag:s22], s20  }
0x9f: {  	s3 =	ssub.s32 $0x0, s20;
	[sflag:s22] =	ssyncset.done $0x0  }
0xa0: {  	[sflag:s22] =	ssyncadd.s32 s3;
	_ =	sdelay $0x1  }
0xa1: {  	s23 =	simm.s32 $0x1B8B  }
0xa2: {  	_ =	swait.ge [sflag:s23], $0x1  }
0xa3: {  	[sflag:s23] =	ssyncset.done $0x0  }
0xa4: {  	s25 =	simm.s32 $0x1B8E;
	s24 =	sld [smem:$0x3FFE];
	[sflag:s23] =	ssyncadd.s32 $0xFFFFFFFF  }
0xa5: {  	s26 =	simm.s32 $execute0_lowered;
	[smem:$0x3FD2] =	sst s25  }
0xa6: {  	s4 =	sshll.u32 s26, $0x1;
	_ =	strace $0x80000049;
	[dreg:$0x1] =	wrdreg $0xFFFFFFFF  }
0xa7: {  	s28 =	simm.s32 $_size_execute0_lowered;
	s2 =	sadd.s32 s2, s4;
	[dreg:$0x0] =	wrdreg $0x0  }
0xa8: {  	s4 =	sshll.u32 s28, $0x1;
	[dreg:$0x2] =	wrdreg s2  }
0xa9: {  	[dreg:$0x3] =	wrdreg s4  }
0xaa: {  	[dreg:$0x4] =	wrdreg $0xC0  }
0xab: {  	_ =	task [dreg:s6], $0x5FFFF  }
0xac: {  	[dreg:$0x1] =	wrdreg $0xFFFFFFFF  }
0xad: {  	[dreg:$0x0] =	wrdreg $0x60  }
0xae: {  	[dreg:$0x2] =	wrdreg s24  }
0xaf: {  	[dreg:$0x3] =	wrdreg $0x150000  }
0xb0: {  	[dreg:$0x4] =	wrdreg $0x9  }
0xb1: {  	_ =	task.clear_ibuf [dreg:s6], $0x5FFFF;
	_ =	strace $0x90000049  }
0xb2: {  	s29 =	simm.s32 $0x9;
	_ =	strace $0x8000004B  }
0xb3: {  	_ =	swait.ge [sflag:s29], $0x1  }
0xb4: {  	[sflag:s29] =	ssyncadd.s32 $0xFFFFFFFF  }
0xb5: {  	_ =	strace $0x9000004B  }
0xb6: {  	_ =	sfence  }
0xb7: {  	s30 =	sld [smem:$0x0];
	_ =	sdelay $0x2  }
0xb8: {  	s31 =	sshll.u32 s1, $0xD;
	s1 =	sshrl.u32 s1, $0x2  }
0xb9: {  	s3 =	sand.u32 $0x4000, s31;
	s1 =	sadd.s32 s1, s30  }
0xba: {  	s0 =	sor.u32 s3, s0;
	s1 =	sshll.u32 s1, $0x11  }
0xbb: {  	s0 =	sor.u32 s1, s0  }
0xbc: {  	s0 =	sadd.s32 $0x8F2B, s0  }
0xbd: {  	[sflag:s0] =	ssyncadd.remote.s32 $0x1  }
0xbe: {  	_ =	sfence.sel $0xFFFF  }
0xbf: {  	[dreg:$0x0] =	wrdreg $0xFFFFFFFF;
	(pc) =	sbr.abs _section_cstart, $3  }
0xc0: {  	[dreg:$0x1] =	wrdreg $0xFFFFFFFF  }
0xc1: {  	_ =	task.clear_ibuf [dreg:s6], $0x2FFFF;
	_ =	strace $0x9FFFFFFF  }
0xc2: {  	(tm) =	ssettm $0x7FFFFFFF  }
0xc3: {  	_ =	shalt  }
tec
execute0_lowered:
.L_overlay_start_1:
0x0: {  	(tag) =	ssettag $0x1  }
0x1: {  	s0 =	srdreg.scid  }
0x2: {  	s11 =	stileid.u32;
	s6 =	rddreg [dreg:$0x0]  }
0x3: {  	s2 =	rddreg [dreg:$0x1];
	s3 =	simm.s32 $0x0;
	s14 =	simm.s32 $0x80  }
0x4: {  	s20 =	simm.s32 $0x8000;
	s21 =	simm.s32 $0x200;
	s22 =	simm.s32 $0x9000  }
0x5: {  	s23 =	simm.s32 $0x280;
	s24 =	simm.s32 $0xA000;
	s28 =	simm.s32 $0x380  }
0x6: {  	s29 =	simm.s32 $0xC000;
	s30 =	simm.s32 $0x1;
	s31 =	simm.s32 $0x2  }
0x7: {  	s0 =	sand.u32 $0x1, s0;
	s8 =	smul.u32 $0x4F00, s11;
	[smem:$0x7FF] =	sst s3  }
0x8: {  	s4 =	sadd.s32 $0x15C00, s6;
	s26 =	sshll.u32 s11, $0x6;
	s1 =	sshll.u32 s0, $0x4  }
0x9: {  	s5 =	smul.u32 $0x4F000, s0;
	_ =	strace $0x8000004A;
	s0 =	ssub.s32 $0x2, s0  }
0xa: {  	s12 =	sor.u32 $0x1C03, s26;
	s26 =	simm.s32 $0xB000;
	s1 =	sor.u32 s11, s1  }
0xb: {  	s9 =	sshrl.u32 s0, $0x1;
	s25 =	sadd.s32 s8, s2;
	s1 =	smul.u32 $0x500, s1  }
.Ltmp0:
0xc: {  	s7 =	sadd.s32 s8, s5;
	s5 =	sadd.s32 $0x1FA00, s6;
	(pc) =	sbr.rel .LBB2_1-.Ltmp0, $4  }
0xd: {  	s0 =	ssub.s32 s0, s9;
	s13 =	sshrl.u32 s25, $0x3;
	s25 =	simm.s32 $0x300  }
0xe: {  	s7 =	sshrl.u32 s7, $0x3;
	s9 =	smax.u32 s0, $0x1;
	s1 =	sadd.s32 s1, s6  }
0xf: {  	s10 =	sadd.s32 s7, s6;
	s6 =	sadd.s32 $0xBC00, s1;
	s7 =	sadd.s32 $0x1C00, s1  }
0x10: {  	s8 =	sadd.s32 $0x20400, s10;
	s10 =	simm.s32 $0x3;
	s1 =	simm.s32 $0x0  }
.LBB2_5:
0x11: {  	_ =	swait.ge [sflag:s31], $0x1000  }
0x12: {  	[sflag:s31] =	ssyncset.done $0x0  }
0x13: {  	[sflag:s31] =	ssyncadd.s32 $0xFFFFF000  }
0x14: {  	_ =	swait.ge [sflag:s31], $0x1000  }
0x15: {  	[sflag:s31] =	ssyncset.done $0x0  }
0x16: {  	[sflag:s31] =	ssyncadd.s32 $0xFFFFF000  }
0x17: {  	_ =	swait.ge [sflag:s31], $0x1000  }
0x18: {  	[sflag:s31] =	ssyncset.done $0x0  }
0x19: {  	[sflag:s31] =	ssyncadd.s32 $0xFFFFF000  }
0x1a: {  	_ =	swait.ge [sflag:s31], $0x1000  }
0x1b: {  	[sflag:s31] =	ssyncset.done $0x0  }
0x1c: {  	[sflag:s31] =	ssyncadd.s32 $0xFFFFF000  }
0x1d: {  	_ =	swait.ge [sflag:s31], $0x1000  }
0x1e: {  	[sflag:s31] =	ssyncset.done $0x0  }
0x1f: {  	[sflag:s31] =	ssyncadd.s32 $0xFFFFF000  }
0x20: {  	_ =	swait.ge [sflag:s31], $0x1000  }
0x21: {  	[sflag:s31] =	ssyncset.done $0x0  }
0x22: {  	[sflag:s31] =	ssyncadd.s32 $0xFFFFF000  }
0x23: {  	_ =	swait.ge [sflag:s31], $0x1000  }
0x24: {  	[sflag:s31] =	ssyncset.done $0x0  }
0x25: {  	[sflag:s31] =	ssyncadd.s32 $0xFFFFF000  }
0x26: {  	_ =	swait.ge [sflag:s31], $0x1000  }
0x27: {  	s1 =	sadd.s32 $0x1, s1;
	[sflag:s31] =	ssyncset.done $0x0  }
0x28: {  	p0 =	sne.s32 s1, s9;
	[sflag:s31] =	ssyncadd.s32 $0xFFFFF000  }
.Ltmp1:
0x29: {  	[bflag:$0x0] =	sbarrier.arrive $0xFFFF;
	(pc) =	sbr.rel @!p0 .LBB2_6-.Ltmp1, $4  }
0x2a: {  	[hbm:s8], [sflag:s12] =	dma.local [spmem:s13], $0x9E0  }
0x2b: {  	_ =	swait.ge [sflag:s10], $0x9E0  }
0x2c: {  	[sflag:s10] =	ssyncset.done $0x0  }
0x2d: {  	[sflag:s10] =	ssyncadd.s32 $0xFFFFF620  }
.LBB2_1:
0x2e: {  	[tilespmem:s3], [sflag:$0x3] =	stream.linear.gather [hbm4b:s6+s3], $0x2800, $0x38;
	[tilespmem:$0x19F00] =	vst v63  }
0x2f: {  	_ =	swait.ge [sflag:s10], $0x2800  }
0x30: {  	[sflag:s10] =	ssyncset.done $0x0  }
0x31: {  	s0 =	simm.s32 $0x2800;
	[sflag:s10] =	ssyncadd.s32 $0xFFFFD800  }
0x32: {  	[tilespmem:s0], [sflag:$0x3] =	stream.linear.gather [hbm4b:s7+s3], $0x2800, $0x38;
	[tilespmem:$0x19F00] =	vst v63  }
0x33: {  	_ =	swait.ge [sflag:s10], $0x2800  }
0x34: {  	[sflag:s10] =	ssyncset.done $0x0  }
0x35: {  	[sflag:s10] =	ssyncadd.s32 $0xFFFFD800  }
0x36: {  	[spmem:s13], [sflag:s12] =	dma.local [hbm:s5], $0x9E0  }
0x37: {  	_ =	swait.ge [sflag:s10], $0x9E0  }
0x38: {  	[sflag:s10] =	ssyncset.done $0x0  }
0x39: {  	[sflag:s10] =	ssyncadd.s32 $0xFFFFF620  }
0x3a: {  	s16 =	simm.s32 $0x5000;
	[bflag:$0x0] =	sbarrier.arrive $0xFFFF  }
0x3b: {  	[tilespmem:s16], [sflag:$0x1] =	stream.indirect.gather [hbm4b:s4+s14], $0x20, s3, s14, $0xb8;
	[tilespmem:$0x19F00] =	vst v63  }
0x3c: {  	s17 =	simm.s32 $0x6000  }
0x3d: {  	[tilespmem:s17], [sflag:$0x1] =	stream.indirect.gather [hbm4b:s4+s14], $0x20, s14, s14, $0xb8;
	[tilespmem:$0x19F00] =	vst v63  }
0x3e: {  	s18 =	simm.s32 $0x100;
	s11 =	simm.s32 $0x7000  }
0x3f: {  	[tilespmem:s11], [sflag:$0x1] =	stream.indirect.gather [hbm4b:s4+s14], $0x20, s18, s14, $0xb8;
	[tilespmem:$0x19F00] =	vst v63  }
0x40: {  	s19 =	simm.s32 $0x180  }
0x41: {  	[tilespmem:s20], [sflag:$0x1] =	stream.indirect.gather [hbm4b:s4+s14], $0x20, s19, s14, $0xb8;
	[tilespmem:$0x19F00] =	vst v63  }
0x42: {  	_ = 	snop  }
0x43: {  	[tilespmem:s22], [sflag:$0x1] =	stream.indirect.gather [hbm4b:s4+s14], $0x20, s21, s14, $0xb8;
	[tilespmem:$0x19F00] =	vst v63  }
0x44: {  	_ = 	snop  }
0x45: {  	[tilespmem:s24], [sflag:$0x1] =	stream.indirect.gather [hbm4b:s4+s14], $0x20, s23, s14, $0xb8;
	[tilespmem:$0x19F00] =	vst v63  }
.Ltmp2:
0x46: {  	_ = 	snop;
	(pc) =	sbr.rel .LBB2_2-.Ltmp2, $4  }
0x47: {  	_ = 	snop  }
0x48: {  	[tilespmem:s26], [sflag:$0x1] =	stream.indirect.gather [hbm4b:s4+s14], $0x20, s25, s14, $0xb8;
	[tilespmem:$0x19F00] =	vst v63  }
0x49: {  	s0 =	simm.s32 $0x0  }
0x4a: {  	[tilespmem:s29], [sflag:$0x1] =	stream.indirect.gather [hbm4b:s4+s14], $0x20, s28, s14, $0xb8;
	[tilespmem:$0x19F00] =	vst v63  }
.LBB2_4:
0x4b: {  	_ =	swait.ge [sflag:s30], $0x1000  }
0x4c: {  	[sflag:s30] =	ssyncset.done $0x0  }
0x4d: {  	[sflag:s30] =	ssyncadd.s32 $0xFFFFF000  }
0x4e: {  	_ =	swait.ge [sflag:s30], $0x1000  }
0x4f: {  	[sflag:s30] =	ssyncset.done $0x0  }
0x50: {  	[sflag:s30] =	ssyncadd.s32 $0xFFFFF000  }
0x51: {  	_ =	swait.ge [sflag:s30], $0x1000  }
0x52: {  	[sflag:s30] =	ssyncset.done $0x0  }
0x53: {  	[sflag:s30] =	ssyncadd.s32 $0xFFFFF000  }
0x54: {  	_ =	swait.ge [sflag:s30], $0x1000  }
0x55: {  	[sflag:s30] =	ssyncset.done $0x0  }
0x56: {  	[sflag:s30] =	ssyncadd.s32 $0xFFFFF000  }
0x57: {  	_ =	swait.ge [sflag:s30], $0x1000  }
0x58: {  	[sflag:s30] =	ssyncset.done $0x0  }
0x59: {  	[sflag:s30] =	ssyncadd.s32 $0xFFFFF000  }
0x5a: {  	_ =	swait.ge [sflag:s30], $0x1000  }
0x5b: {  	[sflag:s30] =	ssyncset.done $0x0  }
0x5c: {  	[sflag:s30] =	ssyncadd.s32 $0xFFFFF000  }
0x5d: {  	_ =	swait.ge [sflag:s30], $0x1000  }
0x5e: {  	[sflag:s30] =	ssyncset.done $0x0  }
0x5f: {  	[sflag:s30] =	ssyncadd.s32 $0xFFFFF000  }
0x60: {  	s0 =	sshll.u32 s0, $0xA;
	_ =	swait.ge [sflag:s30], $0x1000  }
0x61: {  	s15 =	sshll.u32 s15, $0xF;
	s0 =	sand.u32 $0x3FFFFC00, s0;
	[sflag:s30] =	ssyncset.done $0x0  }
0x62: {  	s16 =	sor.u32 $0x5000, s15;
	s17 =	sadd.s32 $0x2800, s0;
	[sflag:s30] =	ssyncadd.s32 $0xFFFFF000  }
0x63: {  	[spmem:s2] =	stream.indirect.scatter.add.f32 [tilespmem:s16], [sflag:$0x2], $0x20, s17, s14, $0xb8;
	[tilespmem:$0x19F00] =	vst v63  }
0x64: {  	s18 =	sor.u32 $0x6000, s15;
	s19 =	sadd.s32 $0x2880, s0  }
0x65: {  	[spmem:s2] =	stream.indirect.scatter.add.f32 [tilespmem:s18], [sflag:$0x2], $0x20, s19, s14, $0xb8;
	[tilespmem:$0x19F00] =	vst v63  }
0x66: {  	s18 =	sor.u32 $0x7000, s15;
	s19 =	sadd.s32 $0x2900, s0  }
0x67: {  	[spmem:s2] =	stream.indirect.scatter.add.f32 [tilespmem:s18], [sflag:$0x2], $0x20, s19, s14, $0xb8;
	[tilespmem:$0x19F00] =	vst v63  }
0x68: {  	s18 =	sadd.s32 $0x8000, s15;
	s19 =	sadd.s32 $0x2980, s0  }
0x69: {  	[spmem:s2] =	stream.indirect.scatter.add.f32 [tilespmem:s18], [sflag:$0x2], $0x20, s19, s14, $0xb8;
	[tilespmem:$0x19F00] =	vst v63  }
0x6a: {  	s18 =	sadd.s32 $0x9000, s15;
	s19 =	sadd.s32 $0x2A00, s0  }
0x6b: {  	[spmem:s2] =	stream.indirect.scatter.add.f32 [tilespmem:s18], [sflag:$0x2], $0x20, s19, s14, $0xb8;
	[tilespmem:$0x19F00] =	vst v63  }
0x6c: {  	p0 =	slt.u32 s11, $0xA;
	s18 =	sadd.s32 $0xA000, s15;
	s19 =	sadd.s32 $0x2A80, s0  }
0x6d: {  	[spmem:s2] =	stream.indirect.scatter.add.f32 [tilespmem:s18], [sflag:$0x2], $0x20, s19, s14, $0xb8;
	[tilespmem:$0x19F00] =	vst v63  }
.Ltmp3:
0x6e: {  	s18 =	sadd.s32 $0xB000, s15;
	s19 =	sadd.s32 $0x2B00, s0;
	(pc) =	sbr.rel @!p0 .LBB2_5-.Ltmp3, $4  }
0x6f: {  	[spmem:s2] =	stream.indirect.scatter.add.f32 [tilespmem:s18], [sflag:$0x2], $0x20, s19, s14, $0xb8;
	[tilespmem:$0x19F00] =	vst v63  }
0x70: {  	s15 =	sadd.s32 $0xC000, s15;
	s0 =	sadd.s32 $0x2B80, s0  }
0x71: {  	[spmem:s2] =	stream.indirect.scatter.add.f32 [tilespmem:s15], [sflag:$0x2], $0x20, s0, s14, $0xb8;
	[tilespmem:$0x19F00] =	vst v63  }
0x72: {  	s0 =	smov.u32 s11  }
.LBB2_2:
0x73: {  	p0 =	seq.s32 s0, $0x0  }
0x74: {  	s11 =	simm.s32 @!p0 $0x2  }
0x75: {  	_ =	swait.ge @!p0 [sflag:s11], $0x1000  }
0x76: {  	[sflag:s11] =	ssyncset.done @!p0 $0x0  }
0x77: {  	[sflag:s11] =	ssyncadd.s32 @!p0 $0xFFFFF000  }
0x78: {  	_ =	swait.ge @!p0 [sflag:s11], $0x1000  }
0x79: {  	[sflag:s11] =	ssyncset.done @!p0 $0x0  }
0x7a: {  	[sflag:s11] =	ssyncadd.s32 @!p0 $0xFFFFF000  }
0x7b: {  	_ =	swait.ge @!p0 [sflag:s11], $0x1000  }
0x7c: {  	[sflag:s11] =	ssyncset.done @!p0 $0x0  }
0x7d: {  	[sflag:s11] =	ssyncadd.s32 @!p0 $0xFFFFF000  }
0x7e: {  	_ =	swait.ge @!p0 [sflag:s11], $0x1000  }
0x7f: {  	[sflag:s11] =	ssyncset.done @!p0 $0x0  }
0x80: {  	[sflag:s11] =	ssyncadd.s32 @!p0 $0xFFFFF000  }
0x81: {  	_ =	swait.ge @!p0 [sflag:s11], $0x1000  }
0x82: {  	[sflag:s11] =	ssyncset.done @!p0 $0x0  }
0x83: {  	[sflag:s11] =	ssyncadd.s32 @!p0 $0xFFFFF000  }
0x84: {  	_ =	swait.ge @!p0 [sflag:s11], $0x1000  }
0x85: {  	[sflag:s11] =	ssyncset.done @!p0 $0x0  }
0x86: {  	p1 =	seq.s32 @!p0 s0, $0x9;
	[sflag:s11] =	ssyncadd.s32 @!p0 $0xFFFFF000  }
0x87: {  	p1 =	por p0, !p1;
	_ =	swait.ge @!p0 [sflag:s11], $0x1000  }
.Ltmp4:
0x88: {  	[sflag:s11] =	ssyncset.done @!p0 $0x0;
	(pc) =	sbr.rel @!p1 .LBB2_4-.Ltmp4, $4  }
0x89: {  	[sflag:s11] =	ssyncadd.s32 @!p0 $0xFFFFF000  }
0x8a: {  	_ =	swait.ge @!p0 [sflag:s11], $0x1000  }
0x8b: {  	[sflag:s11] =	ssyncset.done @!p0 $0x0  }
0x8c: {  	s15 =	sand.u32 $0x1, s0;
	[sflag:s11] =	ssyncadd.s32 @!p0 $0xFFFFF000;
	s11 =	simm.s32 @!p0 $0xA  }
0x8d: {  	s11 =	sadd.s32 @!p0 $0x1, s0  }
0x8e: {  	s11 =	simm.s32 @p0 $0x1  }
0x8f: {  	s16 =	sshll.u32 s15, $0xF;
	s17 =	sshll.u32 s11, $0xA  }
0x90: {  	s18 =	sxor.u32 $0xD000, s16;
	s17 =	sand.u32 $0x3FFFFC00, s17  }
0x91: {  	[tilespmem:s18], [sflag:$0x1] =	stream.indirect.gather [hbm4b:s4+s14], $0x20, s17, s14, $0xb8;
	[tilespmem:$0x19F00] =	vst v63  }
0x92: {  	s18 =	sxor.u32 $0xE000, s16;
	s19 =	sor.u32 $0x80, s17  }
0x93: {  	[tilespmem:s18], [sflag:$0x1] =	stream.indirect.gather [hbm4b:s4+s14], $0x20, s19, s14, $0xb8;
	[tilespmem:$0x19F00] =	vst v63  }
0x94: {  	s18 =	sxor.u32 $0xF000, s16;
	s19 =	sor.u32 $0x100, s17  }
0x95: {  	[tilespmem:s18], [sflag:$0x1] =	stream.indirect.gather [hbm4b:s4+s14], $0x20, s19, s14, $0xb8;
	[tilespmem:$0x19F00] =	vst v63  }
0x96: {  	s18 =	ssub.s32 $0x10000, s16;
	s19 =	sor.u32 $0x180, s17  }
0x97: {  	[tilespmem:s18], [sflag:$0x1] =	stream.indirect.gather [hbm4b:s4+s14], $0x20, s19, s14, $0xb8;
	[tilespmem:$0x19F00] =	vst v63  }
0x98: {  	s18 =	ssub.s32 $0x11000, s16;
	s19 =	sor.u32 $0x200, s17  }
0x99: {  	[tilespmem:s18], [sflag:$0x1] =	stream.indirect.gather [hbm4b:s4+s14], $0x20, s19, s14, $0xb8;
	[tilespmem:$0x19F00] =	vst v63  }
0x9a: {  	s18 =	ssub.s32 $0x12000, s16;
	s19 =	sor.u32 $0x280, s17  }
0x9b: {  	[tilespmem:s18], [sflag:$0x1] =	stream.indirect.gather [hbm4b:s4+s14], $0x20, s19, s14, $0xb8;
	[tilespmem:$0x19F00] =	vst v63  }
.Ltmp5:
0x9c: {  	_ = 	snop;
	(pc) =	sbr.rel .LBB2_4-.Ltmp5, $4  }
0x9d: {  	s18 =	ssub.s32 $0x13000, s16;
	s19 =	sor.u32 $0x300, s17  }
0x9e: {  	[tilespmem:s18], [sflag:$0x1] =	stream.indirect.gather [hbm4b:s4+s14], $0x20, s19, s14, $0xb8;
	[tilespmem:$0x19F00] =	vst v63  }
0x9f: {  	s16 =	ssub.s32 $0x14000, s16;
	s17 =	sor.u32 $0x380, s17  }
0xa0: {  	[tilespmem:s16], [sflag:$0x1] =	stream.indirect.gather [hbm4b:s4+s14], $0x20, s17, s14, $0xb8;
	[tilespmem:$0x19F00] =	vst v63  }
.LBB2_6:
0xa1: {  	_ =	sfence.sel $0x180000  }
0xa2: {  	[bflag:$0x0] =	sbarrier.arrive $0xFFFF  }
0xa3: {  	_ =	strace $0x9000004A  }
0xa4: {  	s0 =	stileid.u32;
	[bflag:$0x2] =	sbarrier.arrive $0xFFFF  }
0xa5: {  	p0 =	sne.s32 s0, $0x0;
	s0 =	rddreg [dreg:$0x2]  }
0xa6: {  	s0 =	sadd.s32 @!p0 $0x100000, s0  }
0xa7: {  	[sflag:s0] =	ssyncadd.tile.s32 @!p0 $0x1;
	_ =	shalt  }
.Lfunc_end2:
_tile_overlayer_lowered:
.L_overlay_start_2:
0xa8: {  	(tag) =	ssettag $0x2  }
0xa9: {  	s0 =	rddreg [dreg:$0x0];
	s2 =	stileid.u32  }
0xaa: {  	s1 =	rddreg [dreg:$0x1];
	p0 =	sne.s32 s2, $0x0  }
0xab: {  	s3 =	rddreg [dreg:$0x2];
	[bflag:$0x3] =	sbarrier.arrive $0xFFFF;
	s2 =	simm.s32 @!p0 $0x1C03  }
0xac: {  	[timem:s3], [sflag:s2] =	dma.local @!p0 [hbm:s0], s1  }
0xad: {  	s0 =	simm.s32 @!p0 $0x3  }
0xae: {  	_ =	swait.ge @!p0 [sflag:s0], s1  }
0xaf: {  	s1 =	ssub.s32 @!p0 $0x0, s1;
	[sflag:s0] =	ssyncset.done @!p0 $0x0  }
0xb0: {  	[sflag:s0] =	ssyncadd.s32 @!p0 s1  }
0xb1: {  	[bflag:$0x3] =	sbarrier.arrive $0xFFFF  }
0xb2: {  	_ =	shalt  }

// kernel: kernel.14.cloned.1.call-start
scs
__scs_entry_jumppad:
0x0: {  	(pc) =	sbr.rel $0x88, $3  }
0x1: {  	(tag) =	ssettag $0x0;
	lr =	simm.s32 $0x1  }
0x2: {  	[smem:$0x3F99] =	sst lr;
	_ =	strace $0xD0000000  }
0x3: {  	_ = 	snop  }
0x4: {  	_ = 	snop  }
0x5: {  	_ = 	snop  }
0x6: {  	_ = 	snop  }
0x7: {  	_ = 	snop  }
__scs_overlays_trampoline_lowered:
0x8: {  	[smem:$0x3FA8] =	sst s0  }
0x9: {  	[smem:$0x3FA9] =	sst s1  }
0xa: {  	[smem:$0x3FAA] =	sst s2  }
0xb: {  	[smem:$0x3FAB] =	sst s3  }
0xc: {  	[smem:$0x3FAC] =	sst s4  }
0xd: {  	[smem:$0x3FAD] =	sst s5  }
0xe: {  	[smem:$0x3FAE] =	sst s6  }
0xf: {  	[smem:$0x3FAF] =	sst s7  }
0x10: {  	[smem:$0x3FB0] =	sst s8  }
0x11: {  	[smem:$0x3FB1] =	sst s9;
	s0 =	simm.s32 @!p0 $0x0  }
0x12: {  	s1 =	sld [smem:$0x3F97];
	s0 =	simm.s32 @p0 $0x1  }
0x13: {  	[smem:$0x3FB2] =	sst s0;
	s0 =	simm.s32 @!p1 $0x0  }
0x14: {  	s2 =	sld [smem:$0x3F96];
	s0 =	simm.s32 @p1 $0x1  }
0x15: {  	[smem:$0x3FB3] =	sst s0;
	s0 =	simm.s32 @!p2 $0x0  }
0x16: {  	s3 =	sld [smem:$0x3FDB];
	s0 =	simm.s32 @p2 $0x1  }
0x17: {  	s4 =	simm.s32 $0x1BF5;
	[smem:$0x3FB5] =	sst s0  }
0x18: {  	s0 =	sld [smem:$0x3F98];
	_ =	swait.ge [sflag:s4], $0x0  }
0x19: {  	s7 =	sld [smem:$0x3F99]  }
0x1a: {  	s8 =	sadd.s32 $0xFFFFE003, lr  }
0x1b: {  	s9 =	sadd.s32 $0xFFFFFEF7, lr;
	s5 =	simm.s32 $0xFFFFFFFF;
	p2 =	slt.u32 s8, $0xFFFFF086  }
0x1c: {  	p1 =	slt.u32 s9, $0xF7A;
	s5 =	simm.s32 @!p2 $0x0  }
0x1d: {  	s5 =	simm.s32 @p1 $0x1;
	p0 =	seq.s32 s7, s2  }
0x1e: {  	s7 =	smul.u32 @!p0 $0xF7A, s2;
	p2 =	seq.s32 @!p0 s5, $0x0  }
0x1f: {  	s9 =	smul.u32 $0xF7A, s1;
	s8 =	simm.s32 @!p0 $0x1BF5;
	p2 =	por !p2, p0  }
0x20: {  	[sflag:s8] =	ssyncset.s32 @!p0 $0xFFFFF086;
	s6 =	sadd.s32 @!p0 s3, s7;
	s7 =	simm.s32 @!p0 $0x108  }
0x21: {  	s3 =	sadd.s32 s3, s9;
	s6 =	sadd.s32 @!p0 $0x88, s6;
	s7 =	simm.s32 @p2 $0x1082  }
0x22: {  	[simem:s7], [sflag:s8] =	dma.local @!p0 [hbm:s6], $0xF7A  }
0x23: {  	s9 =	sor.u32 $0xD0000000, s2;
	s6 =	simm.s32 $0x108;
	_ =	swait.ge @!p0 [sflag:s8], $0x0  }
0x24: {  	s3 =	sadd.s32 $0x88, s3;
	s6 =	simm.s32 @!p1 $0x1082;
	[sflag:s4] =	ssyncset.s32 $0xFFFFF086  }
0x25: {  	[simem:s6], [sflag:s4] =	dma.local [hbm:s3], $0xF7A  }
0x26: {  	[smem:$0x3F99] =	sst s1;
	(tag) =	ssettag s2;
	_ =	strace s9  }
0x27: {  	s1 =	sld [smem:$0x3FA9]  }
0x28: {  	s2 =	sld [smem:$0x3FAA]  }
0x29: {  	s4 =	sld [smem:$0x3FAC]  }
0x2a: {  	p0 =	seq.s32 s5, $0x0;
	s5 =	sld [smem:$0x3FAD]  }
0x2b: {  	s6 =	sld [smem:$0x3FAE]  }
0x2c: {  	s7 =	sld [smem:$0x3FAF]  }
0x2d: {  	s3 =	simm.s32 $0x108;
	s8 =	sld [smem:$0x3FB0]  }
0x2e: {  	s3 =	simm.s32 @!p0 $0x1082;
	s9 =	sld [smem:$0x3FB1]  }
0x2f: {  	lr =	sadd.s32 s0, s3;
	s0 =	sld [smem:$0x3FA8]  }
0x30: {  	s3 =	sld [smem:$0x3FAB]  }
0x31: {  	[smem:$0x3FB4] =	sst s10  }
0x32: {  	s10 =	sld [smem:$0x3FB2];
	_ =	sdelay $0x3  }
0x33: {  	p0 =	seq.s32 s10, $0x1;
	s10 =	sld [smem:$0x3FB4];
	_ =	sdelay $0x3  }
0x34: {  	[smem:$0x3FB4] =	sst s10  }
0x35: {  	s10 =	sld [smem:$0x3FB3];
	_ =	sdelay $0x3  }
0x36: {  	p1 =	seq.s32 s10, $0x1;
	s10 =	sld [smem:$0x3FB4];
	_ =	sdelay $0x3  }
0x37: {  	[smem:$0x3FB4] =	sst s10  }
0x38: {  	s10 =	sld [smem:$0x3FB5]  }
0x39: {  	_ = 	snop;
	(pc) =	sbr.ind lr, $3  }
0x3a: {  	_ = 	snop  }
0x3b: {  	_ = 	snop  }
0x3c: {  	p2 =	seq.s32 s10, $0x1;
	s10 =	sld [smem:$0x3FB4]  }
0x3d: {  	_ =	shalt  }
0x3e: {  	_ =	shalt  }
0x3f: {  	_ =	shalt  }
0x40: {  	_ =	shalt  }
0x41: {  	_ =	shalt  }
0x42: {  	_ =	shalt  }
0x43: {  	_ =	shalt  }
0x44: {  	_ =	shalt  }
0x45: {  	_ =	shalt  }
0x46: {  	_ =	shalt  }
0x47: {  	_ =	shalt  }
0x48: {  	_ =	shalt  }
0x49: {  	_ =	shalt  }
0x4a: {  	_ =	shalt  }
0x4b: {  	_ =	shalt  }
0x4c: {  	_ =	shalt  }
0x4d: {  	_ =	shalt  }
0x4e: {  	_ =	shalt  }
0x4f: {  	_ =	shalt  }
0x50: {  	_ =	shalt  }
0x51: {  	_ =	shalt  }
0x52: {  	_ =	shalt  }
0x53: {  	_ =	shalt  }
0x54: {  	_ =	shalt  }
0x55: {  	_ =	shalt  }
0x56: {  	_ =	shalt  }
0x57: {  	_ =	shalt  }
0x58: {  	_ =	shalt  }
0x59: {  	_ =	shalt  }
0x5a: {  	_ =	shalt  }
0x5b: {  	_ =	shalt  }
0x5c: {  	_ =	shalt  }
0x5d: {  	_ =	shalt  }
0x5e: {  	_ =	shalt  }
0x5f: {  	_ =	shalt  }
0x60: {  	_ =	shalt  }
0x61: {  	_ =	shalt  }
0x62: {  	_ =	shalt  }
0x63: {  	_ =	shalt  }
0x64: {  	_ =	shalt  }
0x65: {  	_ =	shalt  }
0x66: {  	_ =	shalt  }
0x67: {  	_ =	shalt  }
0x68: {  	_ =	shalt  }
0x69: {  	_ =	shalt  }
0x6a: {  	_ =	shalt  }
0x6b: {  	_ =	shalt  }
0x6c: {  	_ =	shalt  }
0x6d: {  	_ =	shalt  }
0x6e: {  	_ =	shalt  }
0x6f: {  	_ =	shalt  }
0x70: {  	_ =	shalt  }
0x71: {  	_ =	shalt  }
0x72: {  	_ =	shalt  }
0x73: {  	_ =	shalt  }
0x74: {  	_ =	shalt  }
0x75: {  	_ =	shalt  }
0x76: {  	_ =	shalt  }
0x77: {  	_ =	shalt  }
0x78: {  	_ =	shalt  }
0x79: {  	_ =	shalt  }
0x7a: {  	_ =	shalt  }
0x7b: {  	_ =	shalt  }
0x7c: {  	_ =	shalt  }
0x7d: {  	_ =	shalt  }
0x7e: {  	_ =	shalt  }
0x7f: {  	_ =	shalt  }
0x80: {  	_ =	shalt  }
0x81: {  	_ =	shalt  }
0x82: {  	_ =	shalt  }
0x83: {  	_ =	shalt  }
0x84: {  	_ =	shalt  }
0x85: {  	_ =	shalt  }
0x86: {  	_ =	shalt  }
0x87: {  	_ =	shalt  }
.Lfunc_end0:
.L_simem_size_0:
called_computation.2_lowered:
.L_overlay_start_0:
0x88: {  	s2 =	sld [smem:$0x3FD9]  }
0x89: {  	s3 =	sld [smem:$0x3FFE];
	_ =	sdelay $0x1  }
0x8a: {  	s1 =	srdreg.scid  }
0x8b: {  	s0 =	sand.u32 $0x1, s1  }
0x8c: {  	s17 =	sshll.u32 s0, $0xA;
	s2 =	sadd.s32 s3, s2  }
0x8d: {  	s2 =	sadd.s32 s2, s17  }
0x8e: {  	[smem:$0x3FC0] =	sst s2  }
0x8f: {  	_ = 	snop  }
0x90: {  	s2 =	sld [smem:$0x3FD0];
	(tm) =	ssettm $0x1  }
0x91: {  	s18 =	sld [smem:$0x3FFB];
	_ =	sdelay $0x3  }
0x92: {  	_ =	strace s18  }
0x93: {  	s3 =	sld [smem:$0x3FFC];
	_ =	sdelay $0x3  }
0x94: {  	_ =	strace s3  }
0x95: {  	s3 =	sld [smem:$0x3FFD];
	_ =	sdelay $0x3  }
0x96: {  	_ =	strace s3  }
0x97: {  	_ =	strace $0x8FFFFFFF  }
0x98: {  	s19 =	sld [smem:$0x3FDB];
	_ =	sdelay $0x1  }
0x99: {  	s4 =	simm.s32 $_scs_section_size  }
0x9a: {  	s5 =	simm.s32 $_size__tile_overlayer_lowered;
	s6 =	simm.s32 $_tile_overlayer_lowered  }
0x9b: {  	s22 =	simm.s32 $0x1BFF;
	s21 =	sshll.u32 s6, $0x1;
	s3 =	sadd.s32 s4, s19  }
0x9c: {  	s7 =	simm.s32 $0x0;
	s20 =	sshll.u32 s5, $0x1;
	s5 =	sadd.s32 s21, s3  }
0x9d: {  	[timem:s7], [sflag:s22] =	dma.local [hbm:s5], s20  }
0x9e: {  	_ =	swait.ge [sflag:s22], s20  }
0x9f: {  	s4 =	ssub.s32 $0x0, s20;
	[sflag:s22] =	ssyncset.done $0x0  }
0xa0: {  	[sflag:s22] =	ssyncadd.s32 s4;
	_ =	sdelay $0x1  }
0xa1: {  	s23 =	simm.s32 $0x1B8B  }
0xa2: {  	_ =	swait.ge [sflag:s23], $0x1  }
0xa3: {  	[sflag:s23] =	ssyncset.done $0x0  }
0xa4: {  	s25 =	simm.s32 $0x1B8E;
	s24 =	sld [smem:$0x3FFE];
	[sflag:s23] =	ssyncadd.s32 $0xFFFFFFFF  }
0xa5: {  	s26 =	simm.s32 $execute0_lowered;
	[smem:$0x3FD2] =	sst s25  }
0xa6: {  	s5 =	sshll.u32 s26, $0x1;
	_ =	strace $0x8000004C;
	[dreg:$0x1] =	wrdreg $0xFFFFFFFF  }
0xa7: {  	s28 =	simm.s32 $_size_execute0_lowered;
	s3 =	sadd.s32 s3, s5;
	[dreg:$0x0] =	wrdreg $0x0  }
0xa8: {  	s5 =	sshll.u32 s28, $0x1;
	[dreg:$0x2] =	wrdreg s3  }
0xa9: {  	[dreg:$0x3] =	wrdreg s5  }
0xaa: {  	[dreg:$0x4] =	wrdreg $0xC0  }
0xab: {  	_ =	task [dreg:s7], $0x5FFFF  }
0xac: {  	[dreg:$0x1] =	wrdreg $0xFFFFFFFF  }
0xad: {  	[dreg:$0x0] =	wrdreg $0x60  }
0xae: {  	[dreg:$0x2] =	wrdreg s24  }
0xaf: {  	[dreg:$0x3] =	wrdreg s2  }
0xb0: {  	[dreg:$0x4] =	wrdreg $0xD0000  }
0xb1: {  	[dreg:$0x5] =	wrdreg $0x9  }
0xb2: {  	_ =	task.clear_ibuf [dreg:s7], $0x6FFFF;
	_ =	strace $0x9000004C  }
0xb3: {  	s29 =	simm.s32 $0x9;
	_ =	strace $0x8000004E  }
0xb4: {  	_ =	swait.ge [sflag:s29], $0x1  }
0xb5: {  	[sflag:s29] =	ssyncadd.s32 $0xFFFFFFFF  }
0xb6: {  	_ =	strace $0x9000004E  }
0xb7: {  	_ =	sfence  }
0xb8: {  	s30 =	sld [smem:$0x0];
	_ =	sdelay $0x2  }
0xb9: {  	s31 =	sshll.u32 s1, $0xD;
	s1 =	sshrl.u32 s1, $0x2  }
0xba: {  	s3 =	sand.u32 $0x4000, s31;
	s1 =	sadd.s32 s1, s30  }
0xbb: {  	s0 =	sor.u32 s3, s0;
	s1 =	sshll.u32 s1, $0x11  }
0xbc: {  	s0 =	sor.u32 s1, s0  }
0xbd: {  	s0 =	sadd.s32 $0x8F2B, s0  }
0xbe: {  	[sflag:s0] =	ssyncadd.remote.s32 $0x1  }
0xbf: {  	_ =	sfence.sel $0xFFFF  }
0xc0: {  	[dreg:$0x0] =	wrdreg $0xFFFFFFFF;
	(pc) =	sbr.abs _section_cstart, $3  }
0xc1: {  	[dreg:$0x1] =	wrdreg $0xFFFFFFFF  }
0xc2: {  	_ =	task.clear_ibuf [dreg:s7], $0x2FFFF;
	_ =	strace $0x9FFFFFFF  }
0xc3: {  	(tm) =	ssettm $0x7FFFFFFF  }
tec
execute0_lowered:
.L_overlay_start_1:
0x0: {  	(tag) =	ssettag $0x1  }
0x1: {  	s0 =	rddreg [dreg:$0x0]  }
0x2: {  	s3 =	rddreg [dreg:$0x2];
	s1 =	srdreg.scid  }
0x3: {  	s11 =	stileid.u32;
	s4 =	simm.s32 $0x0;
	s10 =	simm.s32 $0x3  }
0x4: {  	s14 =	simm.s32 $0x80;
	s19 =	simm.s32 $0x180;
	s20 =	simm.s32 $0x6800  }
0x5: {  	s21 =	simm.s32 $0x200;
	s22 =	simm.s32 $0x7000;
	s23 =	simm.s32 $0x280  }
0x6: {  	s24 =	simm.s32 $0x7800;
	s28 =	simm.s32 $0x380;
	s29 =	simm.s32 $0x8800  }
0x7: {  	s30 =	simm.s32 $0x1;
	s31 =	simm.s32 $0x2;
	s1 =	sand.u32 $0x1, s1  }
0x8: {  	s8 =	smul.u32 $0x2780, s11;
	[smem:$0x7FF] =	sst s4;
	s5 =	sadd.s32 $0x15C00, s0  }
0x9: {  	s26 =	sshll.u32 s11, $0x6;
	s2 =	sshll.u32 s1, $0x4;
	s6 =	smul.u32 $0x27800, s1  }
0xa: {  	_ =	strace $0x8000004D;
	s1 =	ssub.s32 $0x2, s1;
	s2 =	sor.u32 s11, s2  }
0xb: {  	s12 =	sor.u32 $0x1C03, s26;
	s26 =	simm.s32 $0x8000;
	s2 =	smul.u32 $0x500, s2  }
.Ltmp0:
0xc: {  	s7 =	sshrl.u32 s1, $0x1;
	s25 =	sadd.s32 s8, s3;
	(pc) =	sbr.rel .LBB2_1-.Ltmp0, $4  }
0xd: {  	s6 =	sadd.s32 s8, s6;
	s1 =	ssub.s32 s1, s7;
	s13 =	sshrl.u32 s25, $0x3  }
0xe: {  	s25 =	simm.s32 $0x300;
	s6 =	sshrl.u32 s6, $0x3;
	s2 =	sadd.s32 s2, s0  }
0xf: {  	s9 =	smax.u32 s1, $0x1;
	s0 =	sadd.s32 s6, s0;
	s6 =	sadd.s32 $0xBC00, s2  }
0x10: {  	s7 =	sadd.s32 $0x1C00, s2;
	s8 =	sadd.s32 $0x1AC00, s0;
	s0 =	simm.s32 $0x0  }
.LBB2_5:
0x11: {  	_ =	swait.ge [sflag:s31], $0x800  }
0x12: {  	[sflag:s31] =	ssyncset.done $0x0  }
0x13: {  	[sflag:s31] =	ssyncadd.s32 $0xFFFFF800  }
0x14: {  	_ =	swait.ge [sflag:s31], $0x800  }
0x15: {  	[sflag:s31] =	ssyncset.done $0x0  }
0x16: {  	[sflag:s31] =	ssyncadd.s32 $0xFFFFF800  }
0x17: {  	_ =	swait.ge [sflag:s31], $0x800  }
0x18: {  	[sflag:s31] =	ssyncset.done $0x0  }
0x19: {  	[sflag:s31] =	ssyncadd.s32 $0xFFFFF800  }
0x1a: {  	_ =	swait.ge [sflag:s31], $0x800  }
0x1b: {  	[sflag:s31] =	ssyncset.done $0x0  }
0x1c: {  	[sflag:s31] =	ssyncadd.s32 $0xFFFFF800  }
0x1d: {  	_ =	swait.ge [sflag:s31], $0x800  }
0x1e: {  	[sflag:s31] =	ssyncset.done $0x0  }
0x1f: {  	[sflag:s31] =	ssyncadd.s32 $0xFFFFF800  }
0x20: {  	_ =	swait.ge [sflag:s31], $0x800  }
0x21: {  	[sflag:s31] =	ssyncset.done $0x0  }
0x22: {  	[sflag:s31] =	ssyncadd.s32 $0xFFFFF800  }
0x23: {  	_ =	swait.ge [sflag:s31], $0x800  }
0x24: {  	[sflag:s31] =	ssyncset.done $0x0  }
0x25: {  	[sflag:s31] =	ssyncadd.s32 $0xFFFFF800  }
0x26: {  	_ =	swait.ge [sflag:s31], $0x800  }
0x27: {  	s0 =	sadd.s32 $0x1, s0;
	[sflag:s31] =	ssyncset.done $0x0  }
0x28: {  	p0 =	sne.s32 s0, s9;
	[sflag:s31] =	ssyncadd.s32 $0xFFFFF800  }
.Ltmp1:
0x29: {  	[bflag:$0x0] =	sbarrier.arrive $0xFFFF;
	(pc) =	sbr.rel @!p0 .LBB2_6-.Ltmp1, $4  }
0x2a: {  	[hbm:s8], [sflag:s12] =	dma.local [spmem:s13], $0x4F0  }
0x2b: {  	_ =	swait.ge [sflag:s10], $0x4F0  }
0x2c: {  	[sflag:s10] =	ssyncset.done $0x0  }
0x2d: {  	[sflag:s10] =	ssyncadd.s32 $0xFFFFFB10  }
.LBB2_1:
0x2e: {  	[tilespmem:s4], [sflag:$0x3] =	stream.linear.gather [hbm4b:s6+s4], $0x2800, $0x38;
	[tilespmem:$0xF780] =	vst v63  }
0x2f: {  	_ =	swait.ge [sflag:s10], $0x2800  }
0x30: {  	[sflag:s10] =	ssyncset.done $0x0  }
0x31: {  	s1 =	simm.s32 $0x2800;
	[sflag:s10] =	ssyncadd.s32 $0xFFFFD800  }
0x32: {  	[tilespmem:s1], [sflag:$0x3] =	stream.linear.gather [hbm4b:s7+s4], $0x2800, $0x38;
	[tilespmem:$0xF780] =	vst v63  }
0x33: {  	_ =	swait.ge [sflag:s10], $0x2800  }
0x34: {  	[sflag:s10] =	ssyncset.done $0x0  }
0x35: {  	[sflag:s10] =	ssyncadd.s32 $0xFFFFD800  }
0x36: {  	s15 =	rddreg [dreg:$0x1]  }
0x37: {  	[spmem:s13], [sflag:s12] =	dma.local [hbm:s15], $0x4F0  }
0x38: {  	_ =	swait.ge [sflag:s10], $0x4F0  }
0x39: {  	[sflag:s10] =	ssyncset.done $0x0  }
0x3a: {  	[sflag:s10] =	ssyncadd.s32 $0xFFFFFB10  }
0x3b: {  	s16 =	simm.s32 $0x5000;
	[bflag:$0x0] =	sbarrier.arrive $0xFFFF  }
0x3c: {  	[tilespmem:s16], [sflag:$0x1] =	stream.indirect.gather [hbm4b:s5+s14], $0x10, s4, s14, $0xb8;
	[tilespmem:$0xF780] =	vst v63  }
0x3d: {  	s17 =	simm.s32 $0x5800  }
0x3e: {  	[tilespmem:s17], [sflag:$0x1] =	stream.indirect.gather [hbm4b:s5+s14], $0x10, s14, s14, $0xb8;
	[tilespmem:$0xF780] =	vst v63  }
0x3f: {  	s18 =	simm.s32 $0x100;
	s2 =	simm.s32 $0x6000  }
0x40: {  	[tilespmem:s2], [sflag:$0x1] =	stream.indirect.gather [hbm4b:s5+s14], $0x10, s18, s14, $0xb8;
	[tilespmem:$0xF780] =	vst v63  }
0x41: {  	_ = 	snop  }
0x42: {  	[tilespmem:s20], [sflag:$0x1] =	stream.indirect.gather [hbm4b:s5+s14], $0x10, s19, s14, $0xb8;
	[tilespmem:$0xF780] =	vst v63  }
0x43: {  	_ = 	snop  }
0x44: {  	[tilespmem:s22], [sflag:$0x1] =	stream.indirect.gather [hbm4b:s5+s14], $0x10, s21, s14, $0xb8;
	[tilespmem:$0xF780] =	vst v63  }
0x45: {  	_ = 	snop  }
0x46: {  	[tilespmem:s24], [sflag:$0x1] =	stream.indirect.gather [hbm4b:s5+s14], $0x10, s23, s14, $0xb8;
	[tilespmem:$0xF780] =	vst v63  }
.Ltmp2:
0x47: {  	_ = 	snop;
	(pc) =	sbr.rel .LBB2_2-.Ltmp2, $4  }
0x48: {  	_ = 	snop  }
0x49: {  	[tilespmem:s26], [sflag:$0x1] =	stream.indirect.gather [hbm4b:s5+s14], $0x10, s25, s14, $0xb8;
	[tilespmem:$0xF780] =	vst v63  }
0x4a: {  	s1 =	simm.s32 $0x0  }
0x4b: {  	[tilespmem:s29], [sflag:$0x1] =	stream.indirect.gather [hbm4b:s5+s14], $0x10, s28, s14, $0xb8;
	[tilespmem:$0xF780] =	vst v63  }
.LBB2_4:
0x4c: {  	_ =	swait.ge [sflag:s30], $0x800  }
0x4d: {  	[sflag:s30] =	ssyncset.done $0x0  }
0x4e: {  	[sflag:s30] =	ssyncadd.s32 $0xFFFFF800  }
0x4f: {  	_ =	swait.ge [sflag:s30], $0x800  }
0x50: {  	[sflag:s30] =	ssyncset.done $0x0  }
0x51: {  	[sflag:s30] =	ssyncadd.s32 $0xFFFFF800  }
0x52: {  	_ =	swait.ge [sflag:s30], $0x800  }
0x53: {  	[sflag:s30] =	ssyncset.done $0x0  }
0x54: {  	[sflag:s30] =	ssyncadd.s32 $0xFFFFF800  }
0x55: {  	_ =	swait.ge [sflag:s30], $0x800  }
0x56: {  	[sflag:s30] =	ssyncset.done $0x0  }
0x57: {  	[sflag:s30] =	ssyncadd.s32 $0xFFFFF800  }
0x58: {  	_ =	swait.ge [sflag:s30], $0x800  }
0x59: {  	[sflag:s30] =	ssyncset.done $0x0  }
0x5a: {  	[sflag:s30] =	ssyncadd.s32 $0xFFFFF800  }
0x5b: {  	_ =	swait.ge [sflag:s30], $0x800  }
0x5c: {  	[sflag:s30] =	ssyncset.done $0x0  }
0x5d: {  	[sflag:s30] =	ssyncadd.s32 $0xFFFFF800  }
0x5e: {  	_ =	swait.ge [sflag:s30], $0x800  }
0x5f: {  	[sflag:s30] =	ssyncset.done $0x0  }
0x60: {  	[sflag:s30] =	ssyncadd.s32 $0xFFFFF800  }
0x61: {  	s1 =	sshll.u32 s1, $0xA;
	_ =	swait.ge [sflag:s30], $0x800  }
0x62: {  	s11 =	sshll.u32 s11, $0xE;
	s1 =	sand.u32 $0x3FFFFC00, s1;
	[sflag:s30] =	ssyncset.done $0x0  }
0x63: {  	s15 =	sadd.s32 $0x5000, s11;
	s16 =	sadd.s32 $0x2800, s1;
	[sflag:s30] =	ssyncadd.s32 $0xFFFFF800  }
0x64: {  	[spmem:s3] =	stream.indirect.scatter.add.f32 [tilespmem:s15], [sflag:$0x2], $0x10, s16, s14, $0xb8;
	[tilespmem:$0xF780] =	vst v63  }
0x65: {  	s17 =	sadd.s32 $0x5800, s11;
	s18 =	sadd.s32 $0x2880, s1  }
0x66: {  	[spmem:s3] =	stream.indirect.scatter.add.f32 [tilespmem:s17], [sflag:$0x2], $0x10, s18, s14, $0xb8;
	[tilespmem:$0xF780] =	vst v63  }
0x67: {  	s17 =	sadd.s32 $0x6000, s11;
	s18 =	sadd.s32 $0x2900, s1  }
0x68: {  	[spmem:s3] =	stream.indirect.scatter.add.f32 [tilespmem:s17], [sflag:$0x2], $0x10, s18, s14, $0xb8;
	[tilespmem:$0xF780] =	vst v63  }
0x69: {  	s17 =	sadd.s32 $0x6800, s11;
	s18 =	sadd.s32 $0x2980, s1  }
0x6a: {  	[spmem:s3] =	stream.indirect.scatter.add.f32 [tilespmem:s17], [sflag:$0x2], $0x10, s18, s14, $0xb8;
	[tilespmem:$0xF780] =	vst v63  }
0x6b: {  	s17 =	sadd.s32 $0x7000, s11;
	s18 =	sadd.s32 $0x2A00, s1  }
0x6c: {  	[spmem:s3] =	stream.indirect.scatter.add.f32 [tilespmem:s17], [sflag:$0x2], $0x10, s18, s14, $0xb8;
	[tilespmem:$0xF780] =	vst v63  }
0x6d: {  	p0 =	slt.u32 s2, $0xA;
	s17 =	sadd.s32 $0x7800, s11;
	s18 =	sadd.s32 $0x2A80, s1  }
0x6e: {  	[spmem:s3] =	stream.indirect.scatter.add.f32 [tilespmem:s17], [sflag:$0x2], $0x10, s18, s14, $0xb8;
	[tilespmem:$0xF780] =	vst v63  }
.Ltmp3:
0x6f: {  	s17 =	sor.u32 $0x8000, s11;
	s18 =	sadd.s32 $0x2B00, s1;
	(pc) =	sbr.rel @!p0 .LBB2_5-.Ltmp3, $4  }
0x70: {  	[spmem:s3] =	stream.indirect.scatter.add.f32 [tilespmem:s17], [sflag:$0x2], $0x10, s18, s14, $0xb8;
	[tilespmem:$0xF780] =	vst v63  }
0x71: {  	s11 =	sor.u32 $0x8800, s11;
	s1 =	sadd.s32 $0x2B80, s1  }
0x72: {  	[spmem:s3] =	stream.indirect.scatter.add.f32 [tilespmem:s11], [sflag:$0x2], $0x10, s1, s14, $0xb8;
	[tilespmem:$0xF780] =	vst v63  }
0x73: {  	s1 =	smov.u32 s2  }
.LBB2_2:
0x74: {  	p0 =	seq.s32 s1, $0x0  }
0x75: {  	s2 =	simm.s32 @!p0 $0x2  }
0x76: {  	_ =	swait.ge @!p0 [sflag:s2], $0x800  }
0x77: {  	[sflag:s2] =	ssyncset.done @!p0 $0x0  }
0x78: {  	[sflag:s2] =	ssyncadd.s32 @!p0 $0xFFFFF800  }
0x79: {  	_ =	swait.ge @!p0 [sflag:s2], $0x800  }
0x7a: {  	[sflag:s2] =	ssyncset.done @!p0 $0x0  }
0x7b: {  	[sflag:s2] =	ssyncadd.s32 @!p0 $0xFFFFF800  }
0x7c: {  	_ =	swait.ge @!p0 [sflag:s2], $0x800  }
0x7d: {  	[sflag:s2] =	ssyncset.done @!p0 $0x0  }
0x7e: {  	[sflag:s2] =	ssyncadd.s32 @!p0 $0xFFFFF800  }
0x7f: {  	_ =	swait.ge @!p0 [sflag:s2], $0x800  }
0x80: {  	[sflag:s2] =	ssyncset.done @!p0 $0x0  }
0x81: {  	[sflag:s2] =	ssyncadd.s32 @!p0 $0xFFFFF800  }
0x82: {  	_ =	swait.ge @!p0 [sflag:s2], $0x800  }
0x83: {  	[sflag:s2] =	ssyncset.done @!p0 $0x0  }
0x84: {  	[sflag:s2] =	ssyncadd.s32 @!p0 $0xFFFFF800  }
0x85: {  	_ =	swait.ge @!p0 [sflag:s2], $0x800  }
0x86: {  	[sflag:s2] =	ssyncset.done @!p0 $0x0  }
0x87: {  	p1 =	seq.s32 @!p0 s1, $0x9;
	[sflag:s2] =	ssyncadd.s32 @!p0 $0xFFFFF800  }
0x88: {  	p1 =	por p0, !p1;
	_ =	swait.ge @!p0 [sflag:s2], $0x800  }
.Ltmp4:
0x89: {  	[sflag:s2] =	ssyncset.done @!p0 $0x0;
	(pc) =	sbr.rel @!p1 .LBB2_4-.Ltmp4, $4  }
0x8a: {  	[sflag:s2] =	ssyncadd.s32 @!p0 $0xFFFFF800  }
0x8b: {  	_ =	swait.ge @!p0 [sflag:s2], $0x800  }
0x8c: {  	[sflag:s2] =	ssyncset.done @!p0 $0x0  }
0x8d: {  	s11 =	sand.u32 $0x1, s1;
	[sflag:s2] =	ssyncadd.s32 @!p0 $0xFFFFF800;
	s2 =	simm.s32 @!p0 $0xA  }
0x8e: {  	s2 =	sadd.s32 @!p0 $0x1, s1  }
0x8f: {  	s2 =	simm.s32 @p0 $0x1  }
0x90: {  	s15 =	sshll.u32 s11, $0xE;
	s16 =	sshll.u32 s2, $0xA  }
0x91: {  	s17 =	ssub.s32 $0x9000, s15;
	s16 =	sand.u32 $0x3FFFFC00, s16  }
0x92: {  	[tilespmem:s17], [sflag:$0x1] =	stream.indirect.gather [hbm4b:s5+s14], $0x10, s16, s14, $0xb8;
	[tilespmem:$0xF780] =	vst v63  }
0x93: {  	s17 =	ssub.s32 $0x9800, s15;
	s18 =	sor.u32 $0x80, s16  }
0x94: {  	[tilespmem:s17], [sflag:$0x1] =	stream.indirect.gather [hbm4b:s5+s14], $0x10, s18, s14, $0xb8;
	[tilespmem:$0xF780] =	vst v63  }
0x95: {  	s17 =	ssub.s32 $0xA000, s15;
	s18 =	sor.u32 $0x100, s16  }
0x96: {  	[tilespmem:s17], [sflag:$0x1] =	stream.indirect.gather [hbm4b:s5+s14], $0x10, s18, s14, $0xb8;
	[tilespmem:$0xF780] =	vst v63  }
0x97: {  	s17 =	ssub.s32 $0xA800, s15;
	s18 =	sor.u32 $0x180, s16  }
0x98: {  	[tilespmem:s17], [sflag:$0x1] =	stream.indirect.gather [hbm4b:s5+s14], $0x10, s18, s14, $0xb8;
	[tilespmem:$0xF780] =	vst v63  }
0x99: {  	s17 =	ssub.s32 $0xB000, s15;
	s18 =	sor.u32 $0x200, s16  }
0x9a: {  	[tilespmem:s17], [sflag:$0x1] =	stream.indirect.gather [hbm4b:s5+s14], $0x10, s18, s14, $0xb8;
	[tilespmem:$0xF780] =	vst v63  }
0x9b: {  	s17 =	ssub.s32 $0xB800, s15;
	s18 =	sor.u32 $0x280, s16  }
0x9c: {  	[tilespmem:s17], [sflag:$0x1] =	stream.indirect.gather [hbm4b:s5+s14], $0x10, s18, s14, $0xb8;
	[tilespmem:$0xF780] =	vst v63  }
.Ltmp5:
0x9d: {  	_ = 	snop;
	(pc) =	sbr.rel .LBB2_4-.Ltmp5, $4  }
0x9e: {  	s17 =	sxor.u32 $0xC000, s15;
	s18 =	sor.u32 $0x300, s16  }
0x9f: {  	[tilespmem:s17], [sflag:$0x1] =	stream.indirect.gather [hbm4b:s5+s14], $0x10, s18, s14, $0xb8;
	[tilespmem:$0xF780] =	vst v63  }
0xa0: {  	s15 =	sxor.u32 $0xC800, s15;
	s16 =	sor.u32 $0x380, s16  }
0xa1: {  	[tilespmem:s15], [sflag:$0x1] =	stream.indirect.gather [hbm4b:s5+s14], $0x10, s16, s14, $0xb8;
	[tilespmem:$0xF780] =	vst v63  }
.LBB2_6:
0xa2: {  	_ =	sfence.sel $0x180000  }
0xa3: {  	[bflag:$0x0] =	sbarrier.arrive $0xFFFF  }
0xa4: {  	_ =	strace $0x9000004D  }
0xa5: {  	s0 =	stileid.u32;
	[bflag:$0x2] =	sbarrier.arrive $0xFFFF  }
0xa6: {  	p0 =	sne.s32 s0, $0x0;
	s0 =	rddreg [dreg:$0x3]  }
0xa7: {  	s0 =	sadd.s32 @!p0 $0x100000, s0  }
0xa8: {  	[sflag:s0] =	ssyncadd.tile.s32 @!p0 $0x1;
	_ =	shalt  }
.Lfunc_end2:
_tile_overlayer_lowered:
.L_overlay_start_2:
0xa9: {  	(tag) =	ssettag $0x2  }
0xaa: {  	s0 =	rddreg [dreg:$0x0];
	s2 =	stileid.u32  }
0xab: {  	s1 =	rddreg [dreg:$0x1];
	p0 =	sne.s32 s2, $0x0  }
0xac: {  	s3 =	rddreg [dreg:$0x2];
	[bflag:$0x3] =	sbarrier.arrive $0xFFFF;
	s2 =	simm.s32 @!p0 $0x1C03  }
0xad: {  	[timem:s3], [sflag:s2] =	dma.local @!p0 [hbm:s0], s1  }
0xae: {  	s0 =	simm.s32 @!p0 $0x3  }
0xaf: {  	_ =	swait.ge @!p0 [sflag:s0], s1  }
0xb0: {  	s1 =	ssub.s32 @!p0 $0x0, s1;
	[sflag:s0] =	ssyncset.done @!p0 $0x0  }
0xb1: {  	[sflag:s0] =	ssyncadd.s32 @!p0 s1  }
0xb2: {  	[bflag:$0x3] =	sbarrier.arrive $0xFFFF  }
0xb3: {  	_ =	shalt  }

// kernel: kernel.8.cloned.1.call-start
scs
__scs_entry_jumppad:
0x0: {  	(pc) =	sbr.rel $0x88, $3  }
0x1: {  	(tag) =	ssettag $0x0;
	lr =	simm.s32 $0x1  }
0x2: {  	[smem:$0x3F99] =	sst lr;
	_ =	strace $0xD0000000  }
0x3: {  	_ = 	snop  }
0x4: {  	_ = 	snop  }
0x5: {  	_ = 	snop  }
0x6: {  	_ = 	snop  }
0x7: {  	_ = 	snop  }
__scs_overlays_trampoline_lowered:
0x8: {  	[smem:$0x3FA8] =	sst s0  }
0x9: {  	[smem:$0x3FA9] =	sst s1  }
0xa: {  	[smem:$0x3FAA] =	sst s2  }
0xb: {  	[smem:$0x3FAB] =	sst s3  }
0xc: {  	[smem:$0x3FAC] =	sst s4  }
0xd: {  	[smem:$0x3FAD] =	sst s5  }
0xe: {  	[smem:$0x3FAE] =	sst s6  }
0xf: {  	[smem:$0x3FAF] =	sst s7  }
0x10: {  	[smem:$0x3FB0] =	sst s8  }
0x11: {  	[smem:$0x3FB1] =	sst s9;
	s0 =	simm.s32 @!p0 $0x0  }
0x12: {  	s1 =	sld [smem:$0x3F97];
	s0 =	simm.s32 @p0 $0x1  }
0x13: {  	[smem:$0x3FB2] =	sst s0;
	s0 =	simm.s32 @!p1 $0x0  }
0x14: {  	s2 =	sld [smem:$0x3F96];
	s0 =	simm.s32 @p1 $0x1  }
0x15: {  	[smem:$0x3FB3] =	sst s0;
	s0 =	simm.s32 @!p2 $0x0  }
0x16: {  	s3 =	sld [smem:$0x3FDB];
	s0 =	simm.s32 @p2 $0x1  }
0x17: {  	s4 =	simm.s32 $0x1BF5;
	[smem:$0x3FB5] =	sst s0  }
0x18: {  	s0 =	sld [smem:$0x3F98];
	_ =	swait.ge [sflag:s4], $0x0  }
0x19: {  	s7 =	sld [smem:$0x3F99]  }
0x1a: {  	s8 =	sadd.s32 $0xFFFFE003, lr  }
0x1b: {  	s9 =	sadd.s32 $0xFFFFFEF7, lr;
	s5 =	simm.s32 $0xFFFFFFFF;
	p2 =	slt.u32 s8, $0xFFFFF086  }
0x1c: {  	p1 =	slt.u32 s9, $0xF7A;
	s5 =	simm.s32 @!p2 $0x0  }
0x1d: {  	s5 =	simm.s32 @p1 $0x1;
	p0 =	seq.s32 s7, s2  }
0x1e: {  	s7 =	smul.u32 @!p0 $0xF7A, s2;
	p2 =	seq.s32 @!p0 s5, $0x0  }
0x1f: {  	s9 =	smul.u32 $0xF7A, s1;
	s8 =	simm.s32 @!p0 $0x1BF5;
	p2 =	por !p2, p0  }
0x20: {  	[sflag:s8] =	ssyncset.s32 @!p0 $0xFFFFF086;
	s6 =	sadd.s32 @!p0 s3, s7;
	s7 =	simm.s32 @!p0 $0x108  }
0x21: {  	s3 =	sadd.s32 s3, s9;
	s6 =	sadd.s32 @!p0 $0x88, s6;
	s7 =	simm.s32 @p2 $0x1082  }
0x22: {  	[simem:s7], [sflag:s8] =	dma.local @!p0 [hbm:s6], $0xF7A  }
0x23: {  	s9 =	sor.u32 $0xD0000000, s2;
	s6 =	simm.s32 $0x108;
	_ =	swait.ge @!p0 [sflag:s8], $0x0  }
0x24: {  	s3 =	sadd.s32 $0x88, s3;
	s6 =	simm.s32 @!p1 $0x1082;
	[sflag:s4] =	ssyncset.s32 $0xFFFFF086  }
0x25: {  	[simem:s6], [sflag:s4] =	dma.local [hbm:s3], $0xF7A  }
0x26: {  	[smem:$0x3F99] =	sst s1;
	(tag) =	ssettag s2;
	_ =	strace s9  }
0x27: {  	s1 =	sld [smem:$0x3FA9]  }
0x28: {  	s2 =	sld [smem:$0x3FAA]  }
0x29: {  	s4 =	sld [smem:$0x3FAC]  }
0x2a: {  	p0 =	seq.s32 s5, $0x0;
	s5 =	sld [smem:$0x3FAD]  }
0x2b: {  	s6 =	sld [smem:$0x3FAE]  }
0x2c: {  	s7 =	sld [smem:$0x3FAF]  }
0x2d: {  	s3 =	simm.s32 $0x108;
	s8 =	sld [smem:$0x3FB0]  }
0x2e: {  	s3 =	simm.s32 @!p0 $0x1082;
	s9 =	sld [smem:$0x3FB1]  }
0x2f: {  	lr =	sadd.s32 s0, s3;
	s0 =	sld [smem:$0x3FA8]  }
0x30: {  	s3 =	sld [smem:$0x3FAB]  }
0x31: {  	[smem:$0x3FB4] =	sst s10  }
0x32: {  	s10 =	sld [smem:$0x3FB2];
	_ =	sdelay $0x3  }
0x33: {  	p0 =	seq.s32 s10, $0x1;
	s10 =	sld [smem:$0x3FB4];
	_ =	sdelay $0x3  }
0x34: {  	[smem:$0x3FB4] =	sst s10  }
0x35: {  	s10 =	sld [smem:$0x3FB3];
	_ =	sdelay $0x3  }
0x36: {  	p1 =	seq.s32 s10, $0x1;
	s10 =	sld [smem:$0x3FB4];
	_ =	sdelay $0x3  }
0x37: {  	[smem:$0x3FB4] =	sst s10  }
0x38: {  	s10 =	sld [smem:$0x3FB5]  }
0x39: {  	_ = 	snop;
	(pc) =	sbr.ind lr, $3  }
0x3a: {  	_ = 	snop  }
0x3b: {  	_ = 	snop  }
0x3c: {  	p2 =	seq.s32 s10, $0x1;
	s10 =	sld [smem:$0x3FB4]  }
0x3d: {  	_ =	shalt  }
0x3e: {  	_ =	shalt  }
0x3f: {  	_ =	shalt  }
0x40: {  	_ =	shalt  }
0x41: {  	_ =	shalt  }
0x42: {  	_ =	shalt  }
0x43: {  	_ =	shalt  }
0x44: {  	_ =	shalt  }
0x45: {  	_ =	shalt  }
0x46: {  	_ =	shalt  }
0x47: {  	_ =	shalt  }
0x48: {  	_ =	shalt  }
0x49: {  	_ =	shalt  }
0x4a: {  	_ =	shalt  }
0x4b: {  	_ =	shalt  }
0x4c: {  	_ =	shalt  }
0x4d: {  	_ =	shalt  }
0x4e: {  	_ =	shalt  }
0x4f: {  	_ =	shalt  }
0x50: {  	_ =	shalt  }
0x51: {  	_ =	shalt  }
0x52: {  	_ =	shalt  }
0x53: {  	_ =	shalt  }
0x54: {  	_ =	shalt  }
0x55: {  	_ =	shalt  }
0x56: {  	_ =	shalt  }
0x57: {  	_ =	shalt  }
0x58: {  	_ =	shalt  }
0x59: {  	_ =	shalt  }
0x5a: {  	_ =	shalt  }
0x5b: {  	_ =	shalt  }
0x5c: {  	_ =	shalt  }
0x5d: {  	_ =	shalt  }
0x5e: {  	_ =	shalt  }
0x5f: {  	_ =	shalt  }
0x60: {  	_ =	shalt  }
0x61: {  	_ =	shalt  }
0x62: {  	_ =	shalt  }
0x63: {  	_ =	shalt  }
0x64: {  	_ =	shalt  }
0x65: {  	_ =	shalt  }
0x66: {  	_ =	shalt  }
0x67: {  	_ =	shalt  }
0x68: {  	_ =	shalt  }
0x69: {  	_ =	shalt  }
0x6a: {  	_ =	shalt  }
0x6b: {  	_ =	shalt  }
0x6c: {  	_ =	shalt  }
0x6d: {  	_ =	shalt  }
0x6e: {  	_ =	shalt  }
0x6f: {  	_ =	shalt  }
0x70: {  	_ =	shalt  }
0x71: {  	_ =	shalt  }
0x72: {  	_ =	shalt  }
0x73: {  	_ =	shalt  }
0x74: {  	_ =	shalt  }
0x75: {  	_ =	shalt  }
0x76: {  	_ =	shalt  }
0x77: {  	_ =	shalt  }
0x78: {  	_ =	shalt  }
0x79: {  	_ =	shalt  }
0x7a: {  	_ =	shalt  }
0x7b: {  	_ =	shalt  }
0x7c: {  	_ =	shalt  }
0x7d: {  	_ =	shalt  }
0x7e: {  	_ =	shalt  }
0x7f: {  	_ =	shalt  }
0x80: {  	_ =	shalt  }
0x81: {  	_ =	shalt  }
0x82: {  	_ =	shalt  }
0x83: {  	_ =	shalt  }
0x84: {  	_ =	shalt  }
0x85: {  	_ =	shalt  }
0x86: {  	_ =	shalt  }
0x87: {  	_ =	shalt  }
.Lfunc_end0:
.L_simem_size_0:
called_computation_lowered:
.L_overlay_start_0:
0x88: {  	s2 =	sld [smem:$0x3FD9]  }
0x89: {  	s3 =	sld [smem:$0x3FFE];
	_ =	sdelay $0x1  }
0x8a: {  	s1 =	srdreg.scid  }
0x8b: {  	s0 =	sand.u32 $0x1, s1  }
0x8c: {  	s17 =	sshll.u32 s0, $0xA;
	s2 =	sadd.s32 s3, s2  }
0x8d: {  	s2 =	sadd.s32 s2, s17  }
0x8e: {  	[smem:$0x3FC0] =	sst s2  }
0x8f: {  	_ = 	snop  }
0x90: {  	s2 =	sld [smem:$0x3FD0];
	(tm) =	ssettm $0x1  }
0x91: {  	s18 =	sld [smem:$0x3FFB];
	_ =	sdelay $0x3  }
0x92: {  	_ =	strace s18  }
0x93: {  	s3 =	sld [smem:$0x3FFC];
	_ =	sdelay $0x3  }
0x94: {  	_ =	strace s3  }
0x95: {  	s3 =	sld [smem:$0x3FFD];
	_ =	sdelay $0x3  }
0x96: {  	_ =	strace s3  }
0x97: {  	_ =	strace $0x8FFFFFFF  }
0x98: {  	s19 =	sld [smem:$0x3FDB];
	_ =	sdelay $0x1  }
0x99: {  	s4 =	simm.s32 $_scs_section_size  }
0x9a: {  	s5 =	simm.s32 $_size__tile_overlayer_lowered;
	s6 =	simm.s32 $_tile_overlayer_lowered  }
0x9b: {  	s22 =	simm.s32 $0x1BFF;
	s21 =	sshll.u32 s6, $0x1;
	s3 =	sadd.s32 s4, s19  }
0x9c: {  	s7 =	simm.s32 $0x0;
	s20 =	sshll.u32 s5, $0x1;
	s5 =	sadd.s32 s21, s3  }
0x9d: {  	[timem:s7], [sflag:s22] =	dma.local [hbm:s5], s20  }
0x9e: {  	_ =	swait.ge [sflag:s22], s20  }
0x9f: {  	s4 =	ssub.s32 $0x0, s20;
	[sflag:s22] =	ssyncset.done $0x0  }
0xa0: {  	[sflag:s22] =	ssyncadd.s32 s4;
	_ =	sdelay $0x1  }
0xa1: {  	s23 =	simm.s32 $0x1B8B  }
0xa2: {  	_ =	swait.ge [sflag:s23], $0x1  }
0xa3: {  	[sflag:s23] =	ssyncset.done $0x0  }
0xa4: {  	s25 =	simm.s32 $0x1B8E;
	s24 =	sld [smem:$0x3FFE];
	[sflag:s23] =	ssyncadd.s32 $0xFFFFFFFF  }
0xa5: {  	s26 =	simm.s32 $execute0_lowered;
	[smem:$0x3FD2] =	sst s25  }
0xa6: {  	s5 =	sshll.u32 s26, $0x1;
	_ =	strace $0x80000046;
	[dreg:$0x1] =	wrdreg $0xFFFFFFFF  }
0xa7: {  	s28 =	simm.s32 $_size_execute0_lowered;
	s3 =	sadd.s32 s3, s5;
	[dreg:$0x0] =	wrdreg $0x0  }
0xa8: {  	s5 =	sshll.u32 s28, $0x1;
	[dreg:$0x2] =	wrdreg s3  }
0xa9: {  	[dreg:$0x3] =	wrdreg s5  }
0xaa: {  	[dreg:$0x4] =	wrdreg $0xC0  }
0xab: {  	_ =	task [dreg:s7], $0x5FFFF  }
0xac: {  	[dreg:$0x1] =	wrdreg $0xFFFFFFFF  }
0xad: {  	[dreg:$0x0] =	wrdreg $0x60  }
0xae: {  	[dreg:$0x2] =	wrdreg s24  }
0xaf: {  	[dreg:$0x3] =	wrdreg s2  }
0xb0: {  	[dreg:$0x4] =	wrdreg $0x30000  }
0xb1: {  	[dreg:$0x5] =	wrdreg $0x9  }
0xb2: {  	_ =	task.clear_ibuf [dreg:s7], $0x6FFFF;
	_ =	strace $0x90000046  }
0xb3: {  	s29 =	simm.s32 $0x9;
	_ =	strace $0x80000048  }
0xb4: {  	_ =	swait.ge [sflag:s29], $0x1  }
0xb5: {  	[sflag:s29] =	ssyncadd.s32 $0xFFFFFFFF  }
0xb6: {  	_ =	strace $0x90000048  }
0xb7: {  	_ =	sfence  }
0xb8: {  	s30 =	sld [smem:$0x0];
	_ =	sdelay $0x2  }
0xb9: {  	s31 =	sshll.u32 s1, $0xD;
	s1 =	sshrl.u32 s1, $0x2  }
0xba: {  	s3 =	sand.u32 $0x4000, s31;
	s1 =	sadd.s32 s1, s30  }
0xbb: {  	s0 =	sor.u32 s3, s0;
	s1 =	sshll.u32 s1, $0x11  }
0xbc: {  	s0 =	sor.u32 s1, s0  }
0xbd: {  	s0 =	sadd.s32 $0x8F2B, s0  }
0xbe: {  	[sflag:s0] =	ssyncadd.remote.s32 $0x1  }
0xbf: {  	_ =	sfence.sel $0xFFFF  }
0xc0: {  	[dreg:$0x0] =	wrdreg $0xFFFFFFFF;
	(pc) =	sbr.abs _section_cstart, $3  }
0xc1: {  	[dreg:$0x1] =	wrdreg $0xFFFFFFFF  }
0xc2: {  	_ =	task.clear_ibuf [dreg:s7], $0x2FFFF;
	_ =	strace $0x9FFFFFFF  }
0xc3: {  	(tm) =	ssettm $0x7FFFFFFF  }
tec
execute0_lowered:
.L_overlay_start_1:
0x0: {  	(tag) =	ssettag $0x1  }
0x1: {  	s6 =	rddreg [dreg:$0x0]  }
0x2: {  	s2 =	rddreg [dreg:$0x1];
	s0 =	srdreg.scid  }
0x3: {  	s3 =	rddreg [dreg:$0x2];
	s1 =	stileid.u32  }
0x4: {  	s4 =	simm.s32 $0x0;
	s13 =	simm.s32 $0x80;
	s14 =	simm.s32 $0x1  }
0x5: {  	s15 =	simm.s32 $0x0;
	s5 =	sand.u32 $0x1, s0;
	s0 =	rddreg [dreg:$0x3]  }
0x6: {  	s8 =	smul.u32 $0x2780, s1;
	[smem:$0x7FF] =	sst s4;
	s31 =	sshll.u32 s1, $0x6  }
0x7: {  	s7 =	sshll.u32 s5, $0x4;
	s9 =	smul.u32 $0x27800, s5;
	_ =	strace $0x80000047  }
0x8: {  	s10 =	ssub.s32 $0x2, s5;
	s5 =	sadd.s32 $0x15C00, s6;
	s7 =	sor.u32 s1, s7  }
0x9: {  	s11 =	sshrl.u32 s10, $0x1;
	s12 =	sadd.s32 s8, s3;
	s7 =	smul.u32 $0x500, s7  }
0xa: {  	s9 =	sadd.s32 s8, s9;
	s10 =	ssub.s32 s10, s11;
	s11 =	sor.u32 $0x1C02, s31  }
0xb: {  	s12 =	sshrl.u32 s12, $0x3;
	s9 =	sshrl.u32 s9, $0x3;
	s8 =	smax.u32 s10, $0x1  }
0xc: {  	s10 =	simm.s32 $0x2800;
	s7 =	sadd.s32 s7, s6;
	s9 =	sadd.s32 s9, s6  }
0xd: {  	s6 =	sadd.s32 $0x1C00, s7;
	s7 =	sadd.s32 $0x15E00, s9;
	s9 =	simm.s32 $0x2  }
.LBB2_1:
0xe: {  	[tilespmem:s4], [sflag:$0x2] =	stream.linear.gather [hbm4b:s6+s4], $0x2800, $0x38;
	[tilespmem:$0x5780] =	vst v63  }
0xf: {  	_ =	swait.ge [sflag:s9], $0x2800  }
0x10: {  	[sflag:s9] =	ssyncset.done $0x0  }
0x11: {  	[sflag:s9] =	ssyncadd.s32 $0xFFFFD800  }
0x12: {  	[tilespmem:s10], [sflag:$0x2] =	stream.linear.gather [hbm4b:s5+s4], $0x800, $0x38;
	[tilespmem:$0x5780] =	vst v63  }
0x13: {  	_ =	swait.ge [sflag:s9], $0x800  }
0x14: {  	[sflag:s9] =	ssyncset.done $0x0  }
0x15: {  	[sflag:s9] =	ssyncadd.s32 $0xFFFFF800  }
0x16: {  	[spmem:s12], [sflag:s11] =	dma.local [hbm:s2], $0x4F0  }
0x17: {  	_ =	swait.ge [sflag:s9], $0x4F0  }
0x18: {  	[sflag:s9] =	ssyncset.done $0x0  }
0x19: {  	[sflag:s9] =	ssyncadd.s32 $0xFFFFFB10  }
0x1a: {  	s16 =	simm.s32 $0x0;
	[bflag:$0x0] =	sbarrier.arrive $0xFFFF  }
0x1b: {  	[spmem:s3] =	stream.indirect.scatter.add.f32 [tilespmem:s10], [sflag:$0x1], $0x10, s16, s13, $0xb8;
	[tilespmem:$0x5780] =	vst v63  }
0x1c: {  	s24 =	simm.s32 $0x80  }
0x1d: {  	[spmem:s3] =	stream.indirect.scatter.add.f32 [tilespmem:s10], [sflag:$0x1], $0x10, s24, s13, $0xb8;
	[tilespmem:$0x5780] =	vst v63  }
0x1e: {  	s25 =	simm.s32 $0x100  }
0x1f: {  	[spmem:s3] =	stream.indirect.scatter.add.f32 [tilespmem:s10], [sflag:$0x1], $0x10, s25, s13, $0xb8;
	[tilespmem:$0x5780] =	vst v63  }
0x20: {  	s26 =	simm.s32 $0x180  }
0x21: {  	[spmem:s3] =	stream.indirect.scatter.add.f32 [tilespmem:s10], [sflag:$0x1], $0x10, s26, s13, $0xb8;
	[tilespmem:$0x5780] =	vst v63  }
0x22: {  	s28 =	simm.s32 $0x200  }
0x23: {  	[spmem:s3] =	stream.indirect.scatter.add.f32 [tilespmem:s10], [sflag:$0x1], $0x10, s28, s13, $0xb8;
	[tilespmem:$0x5780] =	vst v63  }
0x24: {  	s29 =	simm.s32 $0x280  }
0x25: {  	[spmem:s3] =	stream.indirect.scatter.add.f32 [tilespmem:s10], [sflag:$0x1], $0x10, s29, s13, $0xb8;
	[tilespmem:$0x5780] =	vst v63  }
0x26: {  	s30 =	simm.s32 $0x300  }
0x27: {  	[spmem:s3] =	stream.indirect.scatter.add.f32 [tilespmem:s10], [sflag:$0x1], $0x10, s30, s13, $0xb8;
	[tilespmem:$0x5780] =	vst v63  }
0x28: {  	s31 =	simm.s32 $0x380  }
0x29: {  	[spmem:s3] =	stream.indirect.scatter.add.f32 [tilespmem:s10], [sflag:$0x1], $0x10, s31, s13, $0xb8;
	[tilespmem:$0x5780] =	vst v63  }
0x2a: {  	_ =	swait.ge [sflag:s14], $0x800  }
0x2b: {  	[sflag:s14] =	ssyncset.done $0x0  }
0x2c: {  	[sflag:s14] =	ssyncadd.s32 $0xFFFFF800  }
0x2d: {  	_ =	swait.ge [sflag:s14], $0x800  }
0x2e: {  	[sflag:s14] =	ssyncset.done $0x0  }
0x2f: {  	[sflag:s14] =	ssyncadd.s32 $0xFFFFF800  }
0x30: {  	_ =	swait.ge [sflag:s14], $0x800  }
0x31: {  	[sflag:s14] =	ssyncset.done $0x0  }
0x32: {  	[sflag:s14] =	ssyncadd.s32 $0xFFFFF800  }
0x33: {  	_ =	swait.ge [sflag:s14], $0x800  }
0x34: {  	[sflag:s14] =	ssyncset.done $0x0  }
0x35: {  	[sflag:s14] =	ssyncadd.s32 $0xFFFFF800  }
0x36: {  	_ =	swait.ge [sflag:s14], $0x800  }
0x37: {  	[sflag:s14] =	ssyncset.done $0x0  }
0x38: {  	[sflag:s14] =	ssyncadd.s32 $0xFFFFF800  }
0x39: {  	_ =	swait.ge [sflag:s14], $0x800  }
0x3a: {  	[sflag:s14] =	ssyncset.done $0x0  }
0x3b: {  	[sflag:s14] =	ssyncadd.s32 $0xFFFFF800  }
0x3c: {  	_ =	swait.ge [sflag:s14], $0x800  }
0x3d: {  	[sflag:s14] =	ssyncset.done $0x0  }
0x3e: {  	[sflag:s14] =	ssyncadd.s32 $0xFFFFF800  }
0x3f: {  	_ =	swait.ge [sflag:s14], $0x800  }
0x40: {  	s18 =	simm.s32 $0x2000;
	s16 =	simm.s32 $0x1000;
	[sflag:s14] =	ssyncset.done $0x0  }
.LBB2_2:
0x41: {  	s19 =	sshra.s32 s16, $0x2  }
0x42: {  	[sflag:s14] =	ssyncadd.s32 $0xFFFFF800;
	s16 =	smov.u32 s18;
	s17 =	sadd.s32 $0x1000, s18  }
0x43: {  	[spmem:s3] =	stream.indirect.scatter.add.f32 [tilespmem:s10], [sflag:$0x1], $0x10, s19, s13, $0xb8;
	[tilespmem:$0x5780] =	vst v63  }
0x44: {  	p0 =	sne.s32 s18, $0x9000;
	s18 =	sadd.s32 $0x80, s19  }
0x45: {  	[spmem:s3] =	stream.indirect.scatter.add.f32 [tilespmem:s10], [sflag:$0x1], $0x10, s18, s13, $0xb8;
	[tilespmem:$0x5780] =	vst v63  }
0x46: {  	s18 =	sadd.s32 $0x100, s19  }
0x47: {  	[spmem:s3] =	stream.indirect.scatter.add.f32 [tilespmem:s10], [sflag:$0x1], $0x10, s18, s13, $0xb8;
	[tilespmem:$0x5780] =	vst v63  }
0x48: {  	s18 =	sadd.s32 $0x180, s19  }
0x49: {  	[spmem:s3] =	stream.indirect.scatter.add.f32 [tilespmem:s10], [sflag:$0x1], $0x10, s18, s13, $0xb8;
	[tilespmem:$0x5780] =	vst v63  }
0x4a: {  	s18 =	sadd.s32 $0x200, s19  }
0x4b: {  	[spmem:s3] =	stream.indirect.scatter.add.f32 [tilespmem:s10], [sflag:$0x1], $0x10, s18, s13, $0xb8;
	[tilespmem:$0x5780] =	vst v63  }
0x4c: {  	s18 =	sadd.s32 $0x280, s19  }
0x4d: {  	[spmem:s3] =	stream.indirect.scatter.add.f32 [tilespmem:s10], [sflag:$0x1], $0x10, s18, s13, $0xb8;
	[tilespmem:$0x5780] =	vst v63  }
0x4e: {  	s18 =	sadd.s32 $0x300, s19  }
0x4f: {  	[spmem:s3] =	stream.indirect.scatter.add.f32 [tilespmem:s10], [sflag:$0x1], $0x10, s18, s13, $0xb8;
	[tilespmem:$0x5780] =	vst v63  }
0x50: {  	s18 =	sadd.s32 $0x380, s19  }
0x51: {  	[spmem:s3] =	stream.indirect.scatter.add.f32 [tilespmem:s10], [sflag:$0x1], $0x10, s18, s13, $0xb8;
	[tilespmem:$0x5780] =	vst v63  }
0x52: {  	_ =	swait.ge [sflag:s14], $0x800  }
0x53: {  	[sflag:s14] =	ssyncset.done $0x0  }
0x54: {  	[sflag:s14] =	ssyncadd.s32 $0xFFFFF800  }
0x55: {  	_ =	swait.ge [sflag:s14], $0x800  }
0x56: {  	[sflag:s14] =	ssyncset.done $0x0  }
0x57: {  	[sflag:s14] =	ssyncadd.s32 $0xFFFFF800  }
0x58: {  	_ =	swait.ge [sflag:s14], $0x800  }
0x59: {  	[sflag:s14] =	ssyncset.done $0x0  }
0x5a: {  	[sflag:s14] =	ssyncadd.s32 $0xFFFFF800  }
0x5b: {  	_ =	swait.ge [sflag:s14], $0x800  }
0x5c: {  	[sflag:s14] =	ssyncset.done $0x0  }
0x5d: {  	[sflag:s14] =	ssyncadd.s32 $0xFFFFF800  }
0x5e: {  	_ =	swait.ge [sflag:s14], $0x800  }
0x5f: {  	[sflag:s14] =	ssyncset.done $0x0  }
0x60: {  	[sflag:s14] =	ssyncadd.s32 $0xFFFFF800  }
0x61: {  	_ =	swait.ge [sflag:s14], $0x800  }
0x62: {  	[sflag:s14] =	ssyncset.done $0x0  }
0x63: {  	[sflag:s14] =	ssyncadd.s32 $0xFFFFF800  }
.Ltmp0:
0x64: {  	_ =	swait.ge [sflag:s14], $0x800;
	(pc) =	sbr.rel @p0 .LBB2_2-.Ltmp0, $4  }
0x65: {  	[sflag:s14] =	ssyncset.done $0x0  }
0x66: {  	[sflag:s14] =	ssyncadd.s32 $0xFFFFF800  }
0x67: {  	_ =	swait.ge [sflag:s14], $0x800  }
0x68: {  	s18 =	smov.u32 s17;
	[sflag:s14] =	ssyncset.done $0x0  }
0x69: {  	s16 =	sshra.s32 s16, $0x2;
	[sflag:s14] =	ssyncadd.s32 $0xFFFFF800  }
0x6a: {  	[spmem:s3] =	stream.indirect.scatter.add.f32 [tilespmem:s10], [sflag:$0x1], $0x10, s16, s13, $0xb8;
	[tilespmem:$0x5780] =	vst v63  }
0x6b: {  	s17 =	sadd.s32 $0x80, s16  }
0x6c: {  	[spmem:s3] =	stream.indirect.scatter.add.f32 [tilespmem:s10], [sflag:$0x1], $0x10, s17, s13, $0xb8;
	[tilespmem:$0x5780] =	vst v63  }
0x6d: {  	s26 =	sadd.s32 $0x100, s16  }
0x6e: {  	[spmem:s3] =	stream.indirect.scatter.add.f32 [tilespmem:s10], [sflag:$0x1], $0x10, s26, s13, $0xb8;
	[tilespmem:$0x5780] =	vst v63  }
0x6f: {  	s28 =	sadd.s32 $0x180, s16  }
0x70: {  	[spmem:s3] =	stream.indirect.scatter.add.f32 [tilespmem:s10], [sflag:$0x1], $0x10, s28, s13, $0xb8;
	[tilespmem:$0x5780] =	vst v63  }
0x71: {  	s29 =	sadd.s32 $0x200, s16  }
0x72: {  	[spmem:s3] =	stream.indirect.scatter.add.f32 [tilespmem:s10], [sflag:$0x1], $0x10, s29, s13, $0xb8;
	[tilespmem:$0x5780] =	vst v63  }
0x73: {  	s30 =	sadd.s32 $0x280, s16  }
0x74: {  	[spmem:s3] =	stream.indirect.scatter.add.f32 [tilespmem:s10], [sflag:$0x1], $0x10, s30, s13, $0xb8;
	[tilespmem:$0x5780] =	vst v63  }
0x75: {  	s31 =	sadd.s32 $0x300, s16  }
0x76: {  	[spmem:s3] =	stream.indirect.scatter.add.f32 [tilespmem:s10], [sflag:$0x1], $0x10, s31, s13, $0xb8;
	[tilespmem:$0x5780] =	vst v63  }
0x77: {  	s16 =	sadd.s32 $0x380, s16  }
0x78: {  	[spmem:s3] =	stream.indirect.scatter.add.f32 [tilespmem:s10], [sflag:$0x1], $0x10, s16, s13, $0xb8;
	[tilespmem:$0x5780] =	vst v63  }
0x79: {  	_ =	swait.ge [sflag:s14], $0x800  }
0x7a: {  	[sflag:s14] =	ssyncset.done $0x0  }
0x7b: {  	[sflag:s14] =	ssyncadd.s32 $0xFFFFF800  }
0x7c: {  	_ =	swait.ge [sflag:s14], $0x800  }
0x7d: {  	[sflag:s14] =	ssyncset.done $0x0  }
0x7e: {  	[sflag:s14] =	ssyncadd.s32 $0xFFFFF800  }
0x7f: {  	_ =	swait.ge [sflag:s14], $0x800  }
0x80: {  	[sflag:s14] =	ssyncset.done $0x0  }
0x81: {  	[sflag:s14] =	ssyncadd.s32 $0xFFFFF800  }
0x82: {  	_ =	swait.ge [sflag:s14], $0x800  }
0x83: {  	[sflag:s14] =	ssyncset.done $0x0  }
0x84: {  	[sflag:s14] =	ssyncadd.s32 $0xFFFFF800  }
0x85: {  	_ =	swait.ge [sflag:s14], $0x800  }
0x86: {  	[sflag:s14] =	ssyncset.done $0x0  }
0x87: {  	[sflag:s14] =	ssyncadd.s32 $0xFFFFF800  }
0x88: {  	_ =	swait.ge [sflag:s14], $0x800  }
0x89: {  	[sflag:s14] =	ssyncset.done $0x0  }
0x8a: {  	[sflag:s14] =	ssyncadd.s32 $0xFFFFF800  }
0x8b: {  	_ =	swait.ge [sflag:s14], $0x800  }
0x8c: {  	[sflag:s14] =	ssyncset.done $0x0  }
0x8d: {  	[sflag:s14] =	ssyncadd.s32 $0xFFFFF800  }
0x8e: {  	_ =	swait.ge [sflag:s14], $0x800  }
0x8f: {  	s15 =	sadd.s32 $0x1, s15;
	[sflag:s14] =	ssyncset.done $0x0  }
0x90: {  	p0 =	sne.s32 s15, s8;
	[sflag:s14] =	ssyncadd.s32 $0xFFFFF800  }
.Ltmp1:
0x91: {  	[bflag:$0x0] =	sbarrier.arrive $0xFFFF;
	(pc) =	sbr.rel @p0 .LBB2_1-.Ltmp1, $4  }
0x92: {  	[hbm:s7], [sflag:s11] =	dma.local [spmem:s12], $0x4F0  }
0x93: {  	_ =	swait.ge [sflag:s9], $0x4F0  }
0x94: {  	[sflag:s9] =	ssyncset.done $0x0  }
0x95: {  	[sflag:s9] =	ssyncadd.s32 $0xFFFFFB10  }
0x96: {  	_ =	sfence.sel $0x180000  }
0x97: {  	[bflag:$0x0] =	sbarrier.arrive $0xFFFF  }
0x98: {  	p0 =	sne.s32 s1, $0x0;
	_ =	strace $0x90000047  }
0x99: {  	s0 =	sadd.s32 @!p0 $0x100000, s0;
	[bflag:$0x2] =	sbarrier.arrive $0xFFFF  }
0x9a: {  	[sflag:s0] =	ssyncadd.tile.s32 @!p0 $0x1;
	_ =	shalt  }
.Lfunc_end2:
_tile_overlayer_lowered:
.L_overlay_start_2:
0x9b: {  	(tag) =	ssettag $0x2  }
0x9c: {  	s0 =	rddreg [dreg:$0x0];
	s2 =	stileid.u32  }
0x9d: {  	s1 =	rddreg [dreg:$0x1];
	p0 =	sne.s32 s2, $0x0  }
0x9e: {  	s3 =	rddreg [dreg:$0x2];
	[bflag:$0x3] =	sbarrier.arrive $0xFFFF;
	s2 =	simm.s32 @!p0 $0x1C02  }
0x9f: {  	[timem:s3], [sflag:s2] =	dma.local @!p0 [hbm:s0], s1  }
0xa0: {  	s0 =	simm.s32 @!p0 $0x2  }
0xa1: {  	_ =	swait.ge @!p0 [sflag:s0], s1  }
0xa2: {  	s1 =	ssub.s32 @!p0 $0x0, s1;
	[sflag:s0] =	ssyncset.done @!p0 $0x0  }
0xa3: {  	[sflag:s0] =	ssyncadd.s32 @!p0 s1  }
0xa4: {  	[bflag:$0x3] =	sbarrier.arrive $0xFFFF  }
0xa5: {  	_ =	shalt  }

</sc_bundles>
